<compile_context>
chip_gen: v7x
topology: tpu7x:2x2x1
jax: 0.10.2.dev20260603
libtpu: 0.0.44.dev20260713+nightly
codegen_flags: <defaults>
</compile_context>

<pallas_src>
import functools

import jax
import jax.numpy as jnp
from jax import lax
from jax.experimental import pallas as pl
from jax.experimental.pallas import tpu as pltpu
from jax.experimental.pallas import tpu_sc as plsc

_GH, _GW = 32, 32
_LATENT = 256
_ALPHA = 1.0
_TIME_DECAY = 0.9

_F32 = jnp.float32


def _dot(a, b, dims, precision=lax.Precision.HIGHEST):
    return lax.dot_general(
        a, b, dimension_numbers=(dims, ((), ())),
        preferred_element_type=_F32, precision=precision)


def _safe_dist(sq):
    return jnp.sqrt(jnp.maximum(sq, 0.0))


def _pass1_body(T, K, nblocks, z_ref, nodes_ref, tw_ref, rsq_ref, nsq_ref,
                q_ref, bmu_ref, s_ref, misc_ref):
    i = pl.program_id(0)
    zb = z_ref[...]
    nod = nodes_ref[...]

    @pl.when(i == 0)
    def _init():
        s_ref[...] = jnp.zeros_like(s_ref)
        misc_ref[...] = jnp.zeros_like(misc_ref)
        n2c = jnp.sum(nod * nod, axis=1, keepdims=True)
        dmm = _dot(nod, nod, ((1,), (1,)), lax.Precision.DEFAULT)
        ndist = _safe_dist(n2c + nsq_ref[0:1, :] - 2.0 * dmm)
        misc_ref[0:1, 2:3] = -jnp.sum(ndist, axis=(0, 1),
                                      keepdims=True) / _F32(K * K)

    tw = tw_ref[...]
    wz = zb * tw

    row_sq = rsq_ref[...]
    node_sq = nsq_ref[0:1, :]
    mm = _dot(wz, nod, ((1,), (1,)), precision=lax.Precision.DEFAULT)
    dist = _safe_dist(row_sq + node_sq - 2.0 * mm)

    qu = 1.0 / (1.0 + dist)
    qn = qu * (1.0 / jnp.sum(qu, axis=1, keepdims=True))
    q_ref[...] = qn
    s_ref[0:1, :] += jnp.sum(qn * qn, axis=0, keepdims=True)

    minv = jnp.min(dist, axis=1, keepdims=True)
    jcol = lax.broadcasted_iota(jnp.int32, (T, K), 1)
    idx = jnp.min(jnp.where(dist == minv, jcol, K), axis=1, keepdims=True)
    bmu_ref[...] = idx

    dz = zb[1:, :] - zb[:-1, :]
    misc_ref[0:1, 0:1] += jnp.sum(dz * dz, axis=(0, 1), keepdims=True)

    r = idx // _GW
    c = idx % _GW
    md = jnp.abs(r[1:] - r[:-1]) + jnp.abs(c[1:] - c[:-1])
    misc_ref[0:1, 1:2] += jnp.sum(md, axis=(0, 1), keepdims=True).astype(_F32)


def _pass2_body(N, nblocks, q_ref, s_ref, kl_ref):
    i = pl.program_id(0)

    @pl.when(i == 0)
    def _init():
        kl_ref[...] = jnp.zeros_like(kl_ref)

    qb = q_ref[...]
    s = s_ref[0:1, :]
    a = qb * qb / s
    r = jnp.sum(a, axis=1, keepdims=True)
    t1 = jnp.sum(a * (jnp.log(qb) - jnp.log(s)), axis=1, keepdims=True)
    part = t1 / r - jnp.log(r)
    kl_ref[0:1, 0:1] += jnp.sum(part, axis=(0, 1), keepdims=True)

    @pl.when(i == nblocks - 1)
    def _fin():
        kl_ref[0:1, 0:1] = kl_ref[0:1, 0:1] / _F32(N)


def _som_sc(z_flat, nodes_flat, bmu_flat):
    N, D = z_flat.shape
    info = plsc.get_sparse_core_info()
    nc, ns = info.num_cores, info.num_subcores
    nw = nc * ns
    b_per_w = N // nw
    ch = 128
    nch = b_per_w // ch
    mesh = plsc.VectorSubcoreMesh(core_axis_name="c", subcore_axis_name="s")

    @functools.partial(
        pl.kernel, mesh=mesh,
        out_type=jax.ShapeDtypeStruct((N, D), _F32),
        scratch_types=[
            pltpu.VMEM((b_per_w,), jnp.int32),
            pltpu.VMEM((ch, D), _F32),
            pltpu.VMEM((ch, D), _F32),
            pltpu.SemaphoreType.DMA,
        ],
    )
    def k(z_hbm, nodes_hbm, idx_hbm, som_hbm, idx_v, rows_v, z_v, sem):
        wid = lax.axis_index("s") * nc + lax.axis_index("c")
        base = wid * b_per_w
        pltpu.sync_copy(idx_hbm.at[pl.ds(base, b_per_w)], idx_v)
        for c in range(nch):
            pltpu.async_copy(
                nodes_hbm.at[idx_v.at[pl.ds(c * ch, ch)]], rows_v, sem
            ).wait()
            pltpu.sync_copy(z_hbm.at[pl.ds(base + c * ch, ch)], z_v)

            @plsc.parallel_loop(0, ch, 1, unroll=4)
            def _blend(r):
                for j in range(D // 16):
                    zv = z_v[r, pl.ds(j * 16, 16)]
                    rv = rows_v[r, pl.ds(j * 16, 16)]
                    rows_v[r, pl.ds(j * 16, 16)] = zv + 0.1 * (rv - zv)
            pltpu.sync_copy(rows_v, som_hbm.at[pl.ds(base + c * ch, ch)])

    return k(z_flat, nodes_flat, bmu_flat)


def kernel(z, nodes):
    B, T, D = z.shape
    K = nodes.shape[0] * nodes.shape[1]
    N = B * T
    z_flat = z.reshape(N, D)
    nodes_flat = nodes.reshape(K, D)
    tw = (_TIME_DECAY ** (T - jnp.arange(T, dtype=_F32) - 1.0)).reshape(T, 1)
    wz_flat = (z * tw.reshape(1, T, 1)).reshape(N, D)
    row_sq = jnp.sum(wz_flat * wz_flat, axis=1).reshape(N, 1)
    node_sq = jnp.sum(nodes_flat * nodes_flat, axis=1).reshape(1, K)

    grid = B
    q, bmu, s_out, misc = pl.pallas_call(
        functools.partial(_pass1_body, T, K, grid),
        grid=(grid,),
        in_specs=[
            pl.BlockSpec((T, D), lambda i: (i, 0)),
            pl.BlockSpec((K, D), lambda i: (0, 0)),
            pl.BlockSpec((T, 1), lambda i: (0, 0)),
            pl.BlockSpec((T, 1), lambda i: (i, 0)),
            pl.BlockSpec((1, K), lambda i: (0, 0)),
        ],
        out_specs=[
            pl.BlockSpec((T, K), lambda i: (i, 0)),
            pl.BlockSpec((T, 1), lambda i: (i, 0)),
            pl.BlockSpec((8, K), lambda i: (0, 0)),
            pl.BlockSpec((8, 128), lambda i: (0, 0)),
        ],
        out_shape=[
            jax.ShapeDtypeStruct((N, K), _F32),
            jax.ShapeDtypeStruct((N, 1), jnp.int32),
            jax.ShapeDtypeStruct((8, K), _F32),
            jax.ShapeDtypeStruct((8, 128), _F32),
        ],
        compiler_params=pltpu.CompilerParams(
            dimension_semantics=("arbitrary",)),
    )(z_flat, nodes_flat, tw, row_sq, node_sq)

    som = _som_sc(z_flat, nodes_flat, bmu.reshape(N))

    kl_out = pl.pallas_call(
        functools.partial(_pass2_body, N, grid),
        grid=(grid,),
        in_specs=[
            pl.BlockSpec((T, K), lambda i: (i, 0)),
            pl.BlockSpec((8, K), lambda i: (0, 0)),
        ],
        out_specs=pl.BlockSpec((8, 128), lambda i: (0, 0)),
        out_shape=jax.ShapeDtypeStruct((8, 128), _F32),
        compiler_params=pltpu.CompilerParams(
            dimension_semantics=("arbitrary",)),
    )(q, s_out)

    kl_loss = kl_out[0, 0]
    diversity_loss = misc[0, 2]
    time_smooth_loss = misc[0, 0] * (_TIME_DECAY / (B * (T - 1) * D))
    neighbor_loss = misc[0, 1] / ((T - 1) * B)
    total_loss = (kl_loss + 0.5 * diversity_loss
                  + 0.3 * time_smooth_loss + 0.2 * neighbor_loss)
    return (som.reshape(B, T, D), total_loss, kl_loss, diversity_loss,
            time_smooth_loss, neighbor_loss, q, bmu.reshape(B, T))

# --- scband reference (transcript-rebuilt; emitter-appended) ---
"""Pipeline reference for scband-somlayer-8864812499640 (READ-ONLY COPY).

The authoritative reference and input builder live on the scoring server;
editing this copy changes nothing except your own understanding.
"""

import jax, jax.numpy as jnp
import numpy as np

GH, GW = 32, 32
LATENT = 256
ALPHA = 1.0
TIME_DECAY = 0.9


def _safe_cdist(a, b):
    sq = jnp.sum(a * a, axis=1)[:, None] + jnp.sum(b * b, axis=1)[None, :] - 2.0 * (a @ b.T)
    sq = jnp.maximum(sq, 0.0)
    pos = sq > 0
    return jnp.where(pos, jnp.sqrt(jnp.where(pos, sq, 1.0)), 0.0)


def setup_inputs(seed: int = 0):
    key = jax.random.key(seed)
    k1, k2 = jax.random.split(key)
    z = jax.random.normal(k1, (16, 512, LATENT), dtype=jnp.float32)
    nodes = jax.random.normal(k2, (GH, GW, LATENT), dtype=jnp.float32)
    return {"z": z, "nodes": nodes}


def reference(z, nodes):
    B, T, D = z.shape
    tw = (TIME_DECAY ** (T - jnp.arange(T, dtype=jnp.float32) - 1.0)).reshape(1, T, 1)
    weighted_z = z * tw
    z_flat = weighted_z.reshape(B * T, D)
    nodes_flat = nodes.reshape(-1, D)
    dist = _safe_cdist(z_flat, nodes_flat)
    q = 1.0 / (1.0 + dist / ALPHA) ** ((ALPHA + 1.0) / 2.0)
    q = q / jnp.sum(q, axis=-1, keepdims=True)
    p = q ** 2 / jnp.sum(q ** 2, axis=0, keepdims=True)
    p = p / jnp.sum(p, axis=-1, keepdims=True)
    bmu_indices = jnp.argmin(dist, axis=-1).reshape(B, T)
    p_det = jax.lax.stop_gradient(p)
    kl_loss = jnp.sum(p_det * (jnp.log(p_det) - jnp.log(q))) / (B * T)
    diversity_loss = -jnp.mean(_safe_cdist(nodes_flat, nodes_flat))
    z_prev = z[:, :-1]
    z_next = z[:, 1:]
    time_smooth_loss = jnp.mean((z_next - z_prev) ** 2) * TIME_DECAY
    prev_idx = bmu_indices[:, :-1]
    next_idx = bmu_indices[:, 1:]
    prev_r = prev_idx // GW
    prev_c = prev_idx % GW
    next_r = next_idx // GW
    next_c = next_idx % GW
    md = jnp.abs(prev_r - next_r) + jnp.abs(prev_c - next_c)
    neighbor_loss = jnp.sum(jnp.mean(md.astype(jnp.float32), axis=1)) / B
    total_loss = kl_loss + 0.5 * diversity_loss + 0.3 * time_smooth_loss + 0.2 * neighbor_loss
    bmu_nodes = jnp.take(nodes_flat, bmu_indices.reshape(-1), axis=0).reshape(B, T, D)
    som_z = z + 0.1 * (bmu_nodes - z)
    return (som_z, total_loss, kl_loss, diversity_loss, time_smooth_loss, neighbor_loss, q, bmu_indices)

if __name__ == "__main__":
    import jax
    _d = setup_inputs()
    print(jax.jit(kernel)(*tuple(_d.values())))

</pallas_src>

<mosaic_0001>
#map = affine_map<(d0, d1) -> (0, 0)>
#map1 = affine_map<(d0, d1) -> (0)>
module attributes {stable_mosaic.version = 14 : i64} {
  func.func @k(%arg0: i32, %arg1: i32, %arg2: memref<8192x256xf32, #tpu.memory_space<hbm>>, %arg3: memref<1024x256xf32, #tpu.memory_space<hbm>>, %arg4: memref<8192xi32, #tpu.memory_space<hbm>>, %arg5: memref<8192x256xf32, #tpu.memory_space<hbm>>, %arg6: memref<256xi32, #tpu.memory_space<vmem>>, %arg7: memref<128x256xf32, #tpu.memory_space<vmem>>, %arg8: memref<128x256xf32, #tpu.memory_space<vmem>>, %arg9: memref<!tpu.dma_semaphore, #tpu.memory_space<semaphore_mem>>) attributes {dimension_semantics = [#tpu.dimension_semantics<core_parallel>, #tpu.dimension_semantics<subcore_parallel>], iteration_bounds = array<i64: 2, 16>, scalar_prefetch = 0 : i64, scratch_operands = 4 : i64, tpu.core_type = #tpu.core_type<sc_vector_subcore>, window_params = [{transform_indices = #map}, {transform_indices = #map}, {transform_indices = #map1}, {transform_indices = #map}]} {
    %mul3A = arith.constant 2 : i32
    %mul3A_0 = arith.muli %arg1, %mul3A : i32
    %add3A = arith.addi %mul3A_0, %arg0 : i32
    %mul3A_1 = arith.constant 256 : i32
    %mul3A_2 = arith.muli %add3A, %mul3A_1 : i32
    "tpu.region"() ({
      %run_scoped3A = tpu.sem_alloc : memref<!tpu.dma_semaphore, #tpu.memory_space<semaphore_mem>>
      %dma_start3A_34 = tpu.memref_slice %arg4[%mul3A_2] : memref<8192xi32, #tpu.memory_space<hbm>> -> memref<256xi32, #tpu.memory_space<hbm>>
      %dma_start3A_35 = tpu.memref_slice %arg4[%mul3A_2] : memref<8192xi32, #tpu.memory_space<hbm>> -> memref<256xi32, #tpu.memory_space<hbm>>
      tpu.enqueue_dma source(%dma_start3A_35 : memref<256xi32, #tpu.memory_space<hbm>>) target(%arg6 : memref<256xi32, #tpu.memory_space<vmem>>) target_semaphore(%run_scoped3A : memref<!tpu.dma_semaphore, #tpu.memory_space<semaphore_mem>>)
      %dma_wait3A_36 = tpu.memref_slice %arg4[%mul3A_2] : memref<8192xi32, #tpu.memory_space<hbm>> -> memref<256xi32, #tpu.memory_space<hbm>>
      %dma_wait3A_37 = tpu.memref_slice %arg4[%mul3A_2] : memref<8192xi32, #tpu.memory_space<hbm>> -> memref<256xi32, #tpu.memory_space<hbm>>
      tpu.wait_dma2 semaphore(%run_scoped3A : memref<!tpu.dma_semaphore, #tpu.memory_space<semaphore_mem>>) src(%dma_wait3A_37 : memref<256xi32, #tpu.memory_space<hbm>>) dst(%arg6 : memref<256xi32, #tpu.memory_space<vmem>>)
      tpu.yield
    }) : () -> ()
    %dma_start3A = arith.constant 0 : i32
    %dma_start3A_3 = tpu.memref_slice %arg6[%dma_start3A] : memref<256xi32, #tpu.memory_space<vmem>> -> memref<128xi32, #tpu.memory_space<vmem>>
    %dma_start3A_4 = arith.constant 0 : i32
    %dma_start3A_5 = arith.constant 0 : i32
    %dma_start3A_6 = tpu.memref_slice %arg3[%dma_start3A_4, %dma_start3A_5] : memref<1024x256xf32, #tpu.memory_space<hbm>> -> memref<1024x256xf32, #tpu.memory_space<hbm>>
    tpu.enqueue_indirect_dma source(%dma_start3A_6 : memref<1024x256xf32, #tpu.memory_space<hbm>>) target(%arg7 : memref<128x256xf32, #tpu.memory_space<vmem>>) offsets(%dma_start3A_3 : memref<128xi32, #tpu.memory_space<vmem>>) semaphore(%arg9 : memref<!tpu.dma_semaphore, #tpu.memory_space<semaphore_mem>>)
    %dma_wait3A = arith.constant 0 : i32
    %dma_wait3A_7 = tpu.memref_slice %arg6[%dma_wait3A] : memref<256xi32, #tpu.memory_space<vmem>> -> memref<128xi32, #tpu.memory_space<vmem>>
    %dma_wait3A_8 = arith.constant 0 : i32
    %dma_wait3A_9 = arith.constant 0 : i32
    %dma_wait3A_10 = tpu.memref_slice %arg3[%dma_wait3A_8, %dma_wait3A_9] : memref<1024x256xf32, #tpu.memory_space<hbm>> -> memref<1024x256xf32, #tpu.memory_space<hbm>>
    tpu.wait_indirect_dma semaphore(%arg9 : memref<!tpu.dma_semaphore, #tpu.memory_space<semaphore_mem>>) src(%dma_wait3A_10 : memref<1024x256xf32, #tpu.memory_space<hbm>>) dst(%arg7 : memref<128x256xf32, #tpu.memory_space<vmem>>)
    %add3A_11 = arith.constant 0 : i32
    %add3A_12 = arith.addi %mul3A_2, %add3A_11 : i32
    "tpu.region"() ({
      %run_scoped3A = tpu.sem_alloc : memref<!tpu.dma_semaphore, #tpu.memory_space<semaphore_mem>>
      %dma_start3A_34 = arith.constant 0 : i32
      %dma_start3A_35 = tpu.memref_slice %arg2[%add3A_12, %dma_start3A_34] : memref<8192x256xf32, #tpu.memory_space<hbm>> -> memref<128x256xf32, #tpu.memory_space<hbm>>
      %dma_start3A_36 = arith.constant 0 : i32
      %dma_start3A_37 = tpu.memref_slice %arg2[%add3A_12, %dma_start3A_36] : memref<8192x256xf32, #tpu.memory_space<hbm>> -> memref<128x256xf32, #tpu.memory_space<hbm>>
      tpu.enqueue_dma source(%dma_start3A_37 : memref<128x256xf32, #tpu.memory_space<hbm>>) target(%arg8 : memref<128x256xf32, #tpu.memory_space<vmem>>) target_semaphore(%run_scoped3A : memref<!tpu.dma_semaphore, #tpu.memory_space<semaphore_mem>>)
      %dma_wait3A_38 = arith.constant 0 : i32
      %dma_wait3A_39 = tpu.memref_slice %arg2[%add3A_12, %dma_wait3A_38] : memref<8192x256xf32, #tpu.memory_space<hbm>> -> memref<128x256xf32, #tpu.memory_space<hbm>>
      %dma_wait3A_40 = arith.constant 0 : i32
      %dma_wait3A_41 = tpu.memref_slice %arg2[%add3A_12, %dma_wait3A_40] : memref<8192x256xf32, #tpu.memory_space<hbm>> -> memref<128x256xf32, #tpu.memory_space<hbm>>
      tpu.wait_dma2 semaphore(%run_scoped3A : memref<!tpu.dma_semaphore, #tpu.memory_space<semaphore_mem>>) src(%dma_wait3A_41 : memref<128x256xf32, #tpu.memory_space<hbm>>) dst(%arg8 : memref<128x256xf32, #tpu.memory_space<vmem>>)
      tpu.yield
    }) : () -> ()
    %parallel_loop3A = arith.constant 0 : i32
    %parallel_loop3A_13 = arith.constant 128 : i32
    %parallel_loop3A_14 = arith.constant 1 : i32
    scf.for %parallel_loop3A_34 = %parallel_loop3A to %parallel_loop3A_13 step %parallel_loop3A_14  : i32 {
      %parallel_loop3A_35 = arith.index_cast %parallel_loop3A_34 : i32 to index
      %parallel_loop3A_36 = arith.constant 0 : index
      %parallel_loop3A_37 = tpu.vector_load %arg8[%parallel_loop3A_35, %parallel_loop3A_36] {strides = array<i32>} : memref<128x256xf32, #tpu.memory_space<vmem>>, vector<1x16xf32>,
      %parallel_loop3A_38 = vector.shape_cast %parallel_loop3A_37 : vector<1x16xf32> to vector<16xf32>
      %parallel_loop3A_39 = arith.index_cast %parallel_loop3A_34 : i32 to index
      %parallel_loop3A_40 = arith.constant 0 : index
      %parallel_loop3A_41 = tpu.vector_load %arg7[%parallel_loop3A_39, %parallel_loop3A_40] {strides = array<i32>} : memref<128x256xf32, #tpu.memory_space<vmem>>, vector<1x16xf32>,
      %parallel_loop3A_42 = vector.shape_cast %parallel_loop3A_41 : vector<1x16xf32> to vector<16xf32>
      %parallel_loop3A_43 = arith.subf %parallel_loop3A_42, %parallel_loop3A_38 : vector<16xf32>
      %parallel_loop3A_44 = arith.constant 1.000000e-01 : f32
      %parallel_loop3A_45 = vector.broadcast %parallel_loop3A_44 : f32 to vector<16xf32>
      %parallel_loop3A_46 = arith.mulf %parallel_loop3A_45, %parallel_loop3A_43 : vector<16xf32>
      %parallel_loop3A_47 = arith.addf %parallel_loop3A_38, %parallel_loop3A_46 : vector<16xf32>
      %parallel_loop3A_48 = arith.index_cast %parallel_loop3A_34 : i32 to index
      %parallel_loop3A_49 = arith.constant 0 : index
      %parallel_loop3A_50 = tpu.vector_load %arg7[%parallel_loop3A_48, %parallel_loop3A_49] {strides = array<i32>} : memref<128x256xf32, #tpu.memory_space<vmem>>, vector<1x16xf32>,
      %parallel_loop3A_51 = vector.shape_cast %parallel_loop3A_50 : vector<1x16xf32> to vector<16xf32>
      %parallel_loop3A_52 = vector.shape_cast %parallel_loop3A_47 : vector<16xf32> to vector<1x16xf32>
      tpu.vector_store %arg7[%parallel_loop3A_48, %parallel_loop3A_49], %parallel_loop3A_52 {strides = array<i32>} : memref<128x256xf32, #tpu.memory_space<vmem>>, vector<1x16xf32>,
      %parallel_loop3A_53 = arith.index_cast %parallel_loop3A_34 : i32 to index
      %parallel_loop3A_54 = arith.constant 16 : index
      %parallel_loop3A_55 = tpu.vector_load %arg8[%parallel_loop3A_53, %parallel_loop3A_54] {strides = array<i32>} : memref<128x256xf32, #tpu.memory_space<vmem>>, vector<1x16xf32>,
      %parallel_loop3A_56 = vector.shape_cast %parallel_loop3A_55 : vector<1x16xf32> to vector<16xf32>
      %parallel_loop3A_57 = arith.index_cast %parallel_loop3A_34 : i32 to index
      %parallel_loop3A_58 = arith.constant 16 : index
      %parallel_loop3A_59 = tpu.vector_load %arg7[%parallel_loop3A_57, %parallel_loop3A_58] {strides = array<i32>} : memref<128x256xf32, #tpu.memory_space<vmem>>, vector<1x16xf32>,
      %parallel_loop3A_60 = vector.shape_cast %parallel_loop3A_59 : vector<1x16xf32> to vector<16xf32>
      %parallel_loop3A_61 = arith.subf %parallel_loop3A_60, %parallel_loop3A_56 : vector<16xf32>
      %parallel_loop3A_62 = arith.constant 1.000000e-01 : f32
      %parallel_loop3A_63 = vector.broadcast %parallel_loop3A_62 : f32 to vector<16xf32>
      %parallel_loop3A_64 = arith.mulf %parallel_loop3A_63, %parallel_loop3A_61 : vector<16xf32>
      %parallel_loop3A_65 = arith.addf %parallel_loop3A_56, %parallel_loop3A_64 : vector<16xf32>
      %parallel_loop3A_66 = arith.index_cast %parallel_loop3A_34 : i32 to index
      %parallel_loop3A_67 = arith.constant 16 : index
      %parallel_loop3A_68 = tpu.vector_load %arg7[%parallel_loop3A_66, %parallel_loop3A_67] {strides = array<i32>} : memref<128x256xf32, #tpu.memory_space<vmem>>, vector<1x16xf32>,
      %parallel_loop3A_69 = vector.shape_cast %parallel_loop3A_68 : vector<1x16xf32> to vector<16xf32>
      %parallel_loop3A_70 = vector.shape_cast %parallel_loop3A_65 : vector<16xf32> to vector<1x16xf32>
      tpu.vector_store %arg7[%parallel_loop3A_66, %parallel_loop3A_67], %parallel_loop3A_70 {strides = array<i32>} : memref<128x256xf32, #tpu.memory_space<vmem>>, vector<1x16xf32>,
      %parallel_loop3A_71 = arith.index_cast %parallel_loop3A_34 : i32 to index
      %parallel_loop3A_72 = arith.constant 32 : index
      %parallel_loop3A_73 = tpu.vector_load %arg8[%parallel_loop3A_71, %parallel_loop3A_72] {strides = array<i32>} : memref<128x256xf32, #tpu.memory_space<vmem>>, vector<1x16xf32>,
      %parallel_loop3A_74 = vector.shape_cast %parallel_loop3A_73 : vector<1x16xf32> to vector<16xf32>
      %parallel_loop3A_75 = arith.index_cast %parallel_loop3A_34 : i32 to index
      %parallel_loop3A_76 = arith.constant 32 : index
      %parallel_loop3A_77 = tpu.vector_load %arg7[%parallel_loop3A_75, %parallel_loop3A_76] {strides = array<i32>} : memref<128x256xf32, #tpu.memory_space<vmem>>, vector<1x16xf32>,
      %parallel_loop3A_78 = vector.shape_cast %parallel_loop3A_77 : vector<1x16xf32> to vector<16xf32>
      %parallel_loop3A_79 = arith.subf %parallel_loop3A_78, %parallel_loop3A_74 : vector<16xf32>
      %parallel_loop3A_80 = arith.constant 1.000000e-01 : f32
      %parallel_loop3A_81 = vector.broadcast %parallel_loop3A_80 : f32 to vector<16xf32>
      %parallel_loop3A_82 = arith.mulf %parallel_loop3A_81, %parallel_loop3A_79 : vector<16xf32>
      %parallel_loop3A_83 = arith.addf %parallel_loop3A_74, %parallel_loop3A_82 : vector<16xf32>
      %parallel_loop3A_84 = arith.index_cast %parallel_loop3A_34 : i32 to index
      %parallel_loop3A_85 = arith.constant 32 : index
      %parallel_loop3A_86 = tpu.vector_load %arg7[%parallel_loop3A_84, %parallel_loop3A_85] {strides = array<i32>} : memref<128x256xf32, #tpu.memory_space<vmem>>, vector<1x16xf32>,
      %parallel_loop3A_87 = vector.shape_cast %parallel_loop3A_86 : vector<1x16xf32> to vector<16xf32>
      %parallel_loop3A_88 = vector.shape_cast %parallel_loop3A_83 : vector<16xf32> to vector<1x16xf32>
      tpu.vector_store %arg7[%parallel_loop3A_84, %parallel_loop3A_85], %parallel_loop3A_88 {strides = array<i32>} : memref<128x256xf32, #tpu.memory_space<vmem>>, vector<1x16xf32>,
      %parallel_loop3A_89 = arith.index_cast %parallel_loop3A_34 : i32 to index
      %parallel_loop3A_90 = arith.constant 48 : index
      %parallel_loop3A_91 = tpu.vector_load %arg8[%parallel_loop3A_89, %parallel_loop3A_90] {strides = array<i32>} : memref<128x256xf32, #tpu.memory_space<vmem>>, vector<1x16xf32>,
      %parallel_loop3A_92 = vector.shape_cast %parallel_loop3A_91 : vector<1x16xf32> to vector<16xf32>
      %parallel_loop3A_93 = arith.index_cast %parallel_loop3A_34 : i32 to index
      %parallel_loop3A_94 = arith.constant 48 : index
      %parallel_loop3A_95 = tpu.vector_load %arg7[%parallel_loop3A_93, %parallel_loop3A_94] {strides = array<i32>} : memref<128x256xf32, #tpu.memory_space<vmem>>, vector<1x16xf32>,
      %parallel_loop3A_96 = vector.shape_cast %parallel_loop3A_95 : vector<1x16xf32> to vector<16xf32>
      %parallel_loop3A_97 = arith.subf %parallel_loop3A_96, %parallel_loop3A_92 : vector<16xf32>
      %parallel_loop3A_98 = arith.constant 1.000000e-01 : f32
      %parallel_loop3A_99 = vector.broadcast %parallel_loop3A_98 : f32 to vector<16xf32>
      %parallel_loop3A_100 = arith.mulf %parallel_loop3A_99, %parallel_loop3A_97 : vector<16xf32>
      %parallel_loop3A_101 = arith.addf %parallel_loop3A_92, %parallel_loop3A_100 : vector<16xf32>
      %parallel_loop3A_102 = arith.index_cast %parallel_loop3A_34 : i32 to index
      %parallel_loop3A_103 = arith.constant 48 : index
      %parallel_loop3A_104 = tpu.vector_load %arg7[%parallel_loop3A_102, %parallel_loop3A_103] {strides = array<i32>} : memref<128x256xf32, #tpu.memory_space<vmem>>, vector<1x16xf32>,
      %parallel_loop3A_105 = vector.shape_cast %parallel_loop3A_104 : vector<1x16xf32> to vector<16xf32>
      %parallel_loop3A_106 = vector.shape_cast %parallel_loop3A_101 : vector<16xf32> to vector<1x16xf32>
      tpu.vector_store %arg7[%parallel_loop3A_102, %parallel_loop3A_103], %parallel_loop3A_106 {strides = array<i32>} : memref<128x256xf32, #tpu.memory_space<vmem>>, vector<1x16xf32>,
      %parallel_loop3A_107 = arith.index_cast %parallel_loop3A_34 : i32 to index
      %parallel_loop3A_108 = arith.constant 64 : index
      %parallel_loop3A_109 = tpu.vector_load %arg8[%parallel_loop3A_107, %parallel_loop3A_108] {strides = array<i32>} : memref<128x256xf32, #tpu.memory_space<vmem>>, vector<1x16xf32>,
      %parallel_loop3A_110 = vector.shape_cast %parallel_loop3A_109 : vector<1x16xf32> to vector<16xf32>
      %parallel_loop3A_111 = arith.index_cast %parallel_loop3A_34 : i32 to index
      %parallel_loop3A_112 = arith.constant 64 : index
      %parallel_loop3A_113 = tpu.vector_load %arg7[%parallel_loop3A_111, %parallel_loop3A_112] {strides = array<i32>} : memref<128x256xf32, #tpu.memory_space<vmem>>, vector<1x16xf32>,
      %parallel_loop3A_114 = vector.shape_cast %parallel_loop3A_113 : vector<1x16xf32> to vector<16xf32>
      %parallel_loop3A_115 = arith.subf %parallel_loop3A_114, %parallel_loop3A_110 : vector<16xf32>
      %parallel_loop3A_116 = arith.constant 1.000000e-01 : f32
      %parallel_loop3A_117 = vector.broadcast %parallel_loop3A_116 : f32 to vector<16xf32>
      %parallel_loop3A_118 = arith.mulf %parallel_loop3A_117, %parallel_loop3A_115 : vector<16xf32>
      %parallel_loop3A_119 = arith.addf %parallel_loop3A_110, %parallel_loop3A_118 : vector<16xf32>
      %parallel_loop3A_120 = arith.index_cast %parallel_loop3A_34 : i32 to index
      %parallel_loop3A_121 = arith.constant 64 : index
      %parallel_loop3A_122 = tpu.vector_load %arg7[%parallel_loop3A_120, %parallel_loop3A_121] {strides = array<i32>} : memref<128x256xf32, #tpu.memory_space<vmem>>, vector<1x16xf32>,
      %parallel_loop3A_123 = vector.shape_cast %parallel_loop3A_122 : vector<1x16xf32> to vector<16xf32>
      %parallel_loop3A_124 = vector.shape_cast %parallel_loop3A_119 : vector<16xf32> to vector<1x16xf32>
      tpu.vector_store %arg7[%parallel_loop3A_120, %parallel_loop3A_121], %parallel_loop3A_124 {strides = array<i32>} : memref<128x256xf32, #tpu.memory_space<vmem>>, vector<1x16xf32>,
      %parallel_loop3A_125 = arith.index_cast %parallel_loop3A_34 : i32 to index
      %parallel_loop3A_126 = arith.constant 80 : index
      %parallel_loop3A_127 = tpu.vector_load %arg8[%parallel_loop3A_125, %parallel_loop3A_126] {strides = array<i32>} : memref<128x256xf32, #tpu.memory_space<vmem>>, vector<1x16xf32>,
      %parallel_loop3A_128 = vector.shape_cast %parallel_loop3A_127 : vector<1x16xf32> to vector<16xf32>
      %parallel_loop3A_129 = arith.index_cast %parallel_loop3A_34 : i32 to index
      %parallel_loop3A_130 = arith.constant 80 : index
      %parallel_loop3A_131 = tpu.vector_load %arg7[%parallel_loop3A_129, %parallel_loop3A_130] {strides = array<i32>} : memref<128x256xf32, #tpu.memory_space<vmem>>, vector<1x16xf32>,
      %parallel_loop3A_132 = vector.shape_cast %parallel_loop3A_131 : vector<1x16xf32> to vector<16xf32>
      %parallel_loop3A_133 = arith.subf %parallel_loop3A_132, %parallel_loop3A_128 : vector<16xf32>
      %parallel_loop3A_134 = arith.constant 1.000000e-01 : f32
      %parallel_loop3A_135 = vector.broadcast %parallel_loop3A_134 : f32 to vector<16xf32>
      %parallel_loop3A_136 = arith.mulf %parallel_loop3A_135, %parallel_loop3A_133 : vector<16xf32>
      %parallel_loop3A_137 = arith.addf %parallel_loop3A_128, %parallel_loop3A_136 : vector<16xf32>
      %parallel_loop3A_138 = arith.index_cast %parallel_loop3A_34 : i32 to index
      %parallel_loop3A_139 = arith.constant 80 : index
      %parallel_loop3A_140 = tpu.vector_load %arg7[%parallel_loop3A_138, %parallel_loop3A_139] {strides = array<i32>} : memref<128x256xf32, #tpu.memory_space<vmem>>, vector<1x16xf32>,
      %parallel_loop3A_141 = vector.shape_cast %parallel_loop3A_140 : vector<1x16xf32> to vector<16xf32>
      %parallel_loop3A_142 = vector.shape_cast %parallel_loop3A_137 : vector<16xf32> to vector<1x16xf32>
      tpu.vector_store %arg7[%parallel_loop3A_138, %parallel_loop3A_139], %parallel_loop3A_142 {strides = array<i32>} : memref<128x256xf32, #tpu.memory_space<vmem>>, vector<1x16xf32>,
      %parallel_loop3A_143 = arith.index_cast %parallel_loop3A_34 : i32 to index
      %parallel_loop3A_144 = arith.constant 96 : index
      %parallel_loop3A_145 = tpu.vector_load %arg8[%parallel_loop3A_143, %parallel_loop3A_144] {strides = array<i32>} : memref<128x256xf32, #tpu.memory_space<vmem>>, vector<1x16xf32>,
      %parallel_loop3A_146 = vector.shape_cast %parallel_loop3A_145 : vector<1x16xf32> to vector<16xf32>
      %parallel_loop3A_147 = arith.index_cast %parallel_loop3A_34 : i32 to index
      %parallel_loop3A_148 = arith.constant 96 : index
      %parallel_loop3A_149 = tpu.vector_load %arg7[%parallel_loop3A_147, %parallel_loop3A_148] {strides = array<i32>} : memref<128x256xf32, #tpu.memory_space<vmem>>, vector<1x16xf32>,
      %parallel_loop3A_150 = vector.shape_cast %parallel_loop3A_149 : vector<1x16xf32> to vector<16xf32>
      %parallel_loop3A_151 = arith.subf %parallel_loop3A_150, %parallel_loop3A_146 : vector<16xf32>
      %parallel_loop3A_152 = arith.constant 1.000000e-01 : f32
      %parallel_loop3A_153 = vector.broadcast %parallel_loop3A_152 : f32 to vector<16xf32>
      %parallel_loop3A_154 = arith.mulf %parallel_loop3A_153, %parallel_loop3A_151 : vector<16xf32>
      %parallel_loop3A_155 = arith.addf %parallel_loop3A_146, %parallel_loop3A_154 : vector<16xf32>
      %parallel_loop3A_156 = arith.index_cast %parallel_loop3A_34 : i32 to index
      %parallel_loop3A_157 = arith.constant 96 : index
      %parallel_loop3A_158 = tpu.vector_load %arg7[%parallel_loop3A_156, %parallel_loop3A_157] {strides = array<i32>} : memref<128x256xf32, #tpu.memory_space<vmem>>, vector<1x16xf32>,
      %parallel_loop3A_159 = vector.shape_cast %parallel_loop3A_158 : vector<1x16xf32> to vector<16xf32>
      %parallel_loop3A_160 = vector.shape_cast %parallel_loop3A_155 : vector<16xf32> to vector<1x16xf32>
      tpu.vector_store %arg7[%parallel_loop3A_156, %parallel_loop3A_157], %parallel_loop3A_160 {strides = array<i32>} : memref<128x256xf32, #tpu.memory_space<vmem>>, vector<1x16xf32>,
      %parallel_loop3A_161 = arith.index_cast %parallel_loop3A_34 : i32 to index
      %parallel_loop3A_162 = arith.constant 112 : index
      %parallel_loop3A_163 = tpu.vector_load %arg8[%parallel_loop3A_161, %parallel_loop3A_162] {strides = array<i32>} : memref<128x256xf32, #tpu.memory_space<vmem>>, vector<1x16xf32>,
      %parallel_loop3A_164 = vector.shape_cast %parallel_loop3A_163 : vector<1x16xf32> to vector<16xf32>
      %parallel_loop3A_165 = arith.index_cast %parallel_loop3A_34 : i32 to index
      %parallel_loop3A_166 = arith.constant 112 : index
      %parallel_loop3A_167 = tpu.vector_load %arg7[%parallel_loop3A_165, %parallel_loop3A_166] {strides = array<i32>} : memref<128x256xf32, #tpu.memory_space<vmem>>, vector<1x16xf32>,
      %parallel_loop3A_168 = vector.shape_cast %parallel_loop3A_167 : vector<1x16xf32> to vector<16xf32>
      %parallel_loop3A_169 = arith.subf %parallel_loop3A_168, %parallel_loop3A_164 : vector<16xf32>
      %parallel_loop3A_170 = arith.constant 1.000000e-01 : f32
      %parallel_loop3A_171 = vector.broadcast %parallel_loop3A_170 : f32 to vector<16xf32>
      %parallel_loop3A_172 = arith.mulf %parallel_loop3A_171, %parallel_loop3A_169 : vector<16xf32>
      %parallel_loop3A_173 = arith.addf %parallel_loop3A_164, %parallel_loop3A_172 : vector<16xf32>
      %parallel_loop3A_174 = arith.index_cast %parallel_loop3A_34 : i32 to index
      %parallel_loop3A_175 = arith.constant 112 : index
      %parallel_loop3A_176 = tpu.vector_load %arg7[%parallel_loop3A_174, %parallel_loop3A_175] {strides = array<i32>} : memref<128x256xf32, #tpu.memory_space<vmem>>, vector<1x16xf32>,
      %parallel_loop3A_177 = vector.shape_cast %parallel_loop3A_176 : vector<1x16xf32> to vector<16xf32>
      %parallel_loop3A_178 = vector.shape_cast %parallel_loop3A_173 : vector<16xf32> to vector<1x16xf32>
      tpu.vector_store %arg7[%parallel_loop3A_174, %parallel_loop3A_175], %parallel_loop3A_178 {strides = array<i32>} : memref<128x256xf32, #tpu.memory_space<vmem>>, vector<1x16xf32>,
      %parallel_loop3A_179 = arith.index_cast %parallel_loop3A_34 : i32 to index
      %parallel_loop3A_180 = arith.constant 128 : index
      %parallel_loop3A_181 = tpu.vector_load %arg8[%parallel_loop3A_179, %parallel_loop3A_180] {strides = array<i32>} : memref<128x256xf32, #tpu.memory_space<vmem>>, vector<1x16xf32>,
      %parallel_loop3A_182 = vector.shape_cast %parallel_loop3A_181 : vector<1x16xf32> to vector<16xf32>
      %parallel_loop3A_183 = arith.index_cast %parallel_loop3A_34 : i32 to index
      %parallel_loop3A_184 = arith.constant 128 : index
      %parallel_loop3A_185 = tpu.vector_load %arg7[%parallel_loop3A_183, %parallel_loop3A_184] {strides = array<i32>} : memref<128x256xf32, #tpu.memory_space<vmem>>, vector<1x16xf32>,
      %parallel_loop3A_186 = vector.shape_cast %parallel_loop3A_185 : vector<1x16xf32> to vector<16xf32>
      %parallel_loop3A_187 = arith.subf %parallel_loop3A_186, %parallel_loop3A_182 : vector<16xf32>
      %parallel_loop3A_188 = arith.constant 1.000000e-01 : f32
      %parallel_loop3A_189 = vector.broadcast %parallel_loop3A_188 : f32 to vector<16xf32>
      %parallel_loop3A_190 = arith.mulf %parallel_loop3A_189, %parallel_loop3A_187 : vector<16xf32>
      %parallel_loop3A_191 = arith.addf %parallel_loop3A_182, %parallel_loop3A_190 : vector<16xf32>
      %parallel_loop3A_192 = arith.index_cast %parallel_loop3A_34 : i32 to index
      %parallel_loop3A_193 = arith.constant 128 : index
      %parallel_loop3A_194 = tpu.vector_load %arg7[%parallel_loop3A_192, %parallel_loop3A_193] {strides = array<i32>} : memref<128x256xf32, #tpu.memory_space<vmem>>, vector<1x16xf32>,
      %parallel_loop3A_195 = vector.shape_cast %parallel_loop3A_194 : vector<1x16xf32> to vector<16xf32>
      %parallel_loop3A_196 = vector.shape_cast %parallel_loop3A_191 : vector<16xf32> to vector<1x16xf32>
      tpu.vector_store %arg7[%parallel_loop3A_192, %parallel_loop3A_193], %parallel_loop3A_196 {strides = array<i32>} : memref<128x256xf32, #tpu.memory_space<vmem>>, vector<1x16xf32>,
      %parallel_loop3A_197 = arith.index_cast %parallel_loop3A_34 : i32 to index
      %parallel_loop3A_198 = arith.constant 144 : index
      %parallel_loop3A_199 = tpu.vector_load %arg8[%parallel_loop3A_197, %parallel_loop3A_198] {strides = array<i32>} : memref<128x256xf32, #tpu.memory_space<vmem>>, vector<1x16xf32>,
      %parallel_loop3A_200 = vector.shape_cast %parallel_loop3A_199 : vector<1x16xf32> to vector<16xf32>
      %parallel_loop3A_201 = arith.index_cast %parallel_loop3A_34 : i32 to index
      %parallel_loop3A_202 = arith.constant 144 : index
      %parallel_loop3A_203 = tpu.vector_load %arg7[%parallel_loop3A_201, %parallel_loop3A_202] {strides = array<i32>} : memref<128x256xf32, #tpu.memory_space<vmem>>, vector<1x16xf32>,
      %parallel_loop3A_204 = vector.shape_cast %parallel_loop3A_203 : vector<1x16xf32> to vector<16xf32>
      %parallel_loop3A_205 = arith.subf %parallel_loop3A_204, %parallel_loop3A_200 : vector<16xf32>
      %parallel_loop3A_206 = arith.constant 1.000000e-01 : f32
      %parallel_loop3A_207 = vector.broadcast %parallel_loop3A_206 : f32 to vector<16xf32>
      %parallel_loop3A_208 = arith.mulf %parallel_loop3A_207, %parallel_loop3A_205 : vector<16xf32>
      %parallel_loop3A_209 = arith.addf %parallel_loop3A_200, %parallel_loop3A_208 : vector<16xf32>
      %parallel_loop3A_210 = arith.index_cast %parallel_loop3A_34 : i32 to index
      %parallel_loop3A_211 = arith.constant 144 : index
      %parallel_loop3A_212 = tpu.vector_load %arg7[%parallel_loop3A_210, %parallel_loop3A_211] {strides = array<i32>} : memref<128x256xf32, #tpu.memory_space<vmem>>, vector<1x16xf32>,
      %parallel_loop3A_213 = vector.shape_cast %parallel_loop3A_212 : vector<1x16xf32> to vector<16xf32>
      %parallel_loop3A_214 = vector.shape_cast %parallel_loop3A_209 : vector<16xf32> to vector<1x16xf32>
      tpu.vector_store %arg7[%parallel_loop3A_210, %parallel_loop3A_211], %parallel_loop3A_214 {strides = array<i32>} : memref<128x256xf32, #tpu.memory_space<vmem>>, vector<1x16xf32>,
      %parallel_loop3A_215 = arith.index_cast %parallel_loop3A_34 : i32 to index
      %parallel_loop3A_216 = arith.constant 160 : index
      %parallel_loop3A_217 = tpu.vector_load %arg8[%parallel_loop3A_215, %parallel_loop3A_216] {strides = array<i32>} : memref<128x256xf32, #tpu.memory_space<vmem>>, vector<1x16xf32>,
      %parallel_loop3A_218 = vector.shape_cast %parallel_loop3A_217 : vector<1x16xf32> to vector<16xf32>
      %parallel_loop3A_219 = arith.index_cast %parallel_loop3A_34 : i32 to index
      %parallel_loop3A_220 = arith.constant 160 : index
      %parallel_loop3A_221 = tpu.vector_load %arg7[%parallel_loop3A_219, %parallel_loop3A_220] {strides = array<i32>} : memref<128x256xf32, #tpu.memory_space<vmem>>, vector<1x16xf32>,
      %parallel_loop3A_222 = vector.shape_cast %parallel_loop3A_221 : vector<1x16xf32> to vector<16xf32>
      %parallel_loop3A_223 = arith.subf %parallel_loop3A_222, %parallel_loop3A_218 : vector<16xf32>
      %parallel_loop3A_224 = arith.constant 1.000000e-01 : f32
      %parallel_loop3A_225 = vector.broadcast %parallel_loop3A_224 : f32 to vector<16xf32>
      %parallel_loop3A_226 = arith.mulf %parallel_loop3A_225, %parallel_loop3A_223 : vector<16xf32>
      %parallel_loop3A_227 = arith.addf %parallel_loop3A_218, %parallel_loop3A_226 : vector<16xf32>
      %parallel_loop3A_228 = arith.index_cast %parallel_loop3A_34 : i32 to index
      %parallel_loop3A_229 = arith.constant 160 : index
      %parallel_loop3A_230 = tpu.vector_load %arg7[%parallel_loop3A_228, %parallel_loop3A_229] {strides = array<i32>} : memref<128x256xf32, #tpu.memory_space<vmem>>, vector<1x16xf32>,
      %parallel_loop3A_231 = vector.shape_cast %parallel_loop3A_230 : vector<1x16xf32> to vector<16xf32>
      %parallel_loop3A_232 = vector.shape_cast %parallel_loop3A_227 : vector<16xf32> to vector<1x16xf32>
      tpu.vector_store %arg7[%parallel_loop3A_228, %parallel_loop3A_229], %parallel_loop3A_232 {strides = array<i32>} : memref<128x256xf32, #tpu.memory_space<vmem>>, vector<1x16xf32>,
      %parallel_loop3A_233 = arith.index_cast %parallel_loop3A_34 : i32 to index
      %parallel_loop3A_234 = arith.constant 176 : index
      %parallel_loop3A_235 = tpu.vector_load %arg8[%parallel_loop3A_233, %parallel_loop3A_234] {strides = array<i32>} : memref<128x256xf32, #tpu.memory_space<vmem>>, vector<1x16xf32>,
      %parallel_loop3A_236 = vector.shape_cast %parallel_loop3A_235 : vector<1x16xf32> to vector<16xf32>
      %parallel_loop3A_237 = arith.index_cast %parallel_loop3A_34 : i32 to index
      %parallel_loop3A_238 = arith.constant 176 : index
      %parallel_loop3A_239 = tpu.vector_load %arg7[%parallel_loop3A_237, %parallel_loop3A_238] {strides = array<i32>} : memref<128x256xf32, #tpu.memory_space<vmem>>, vector<1x16xf32>,
      %parallel_loop3A_240 = vector.shape_cast %parallel_loop3A_239 : vector<1x16xf32> to vector<16xf32>
      %parallel_loop3A_241 = arith.subf %parallel_loop3A_240, %parallel_loop3A_236 : vector<16xf32>
      %parallel_loop3A_242 = arith.constant 1.000000e-01 : f32
      %parallel_loop3A_243 = vector.broadcast %parallel_loop3A_242 : f32 to vector<16xf32>
      %parallel_loop3A_244 = arith.mulf %parallel_loop3A_243, %parallel_loop3A_241 : vector<16xf32>
      %parallel_loop3A_245 = arith.addf %parallel_loop3A_236, %parallel_loop3A_244 : vector<16xf32>
      %parallel_loop3A_246 = arith.index_cast %parallel_loop3A_34 : i32 to index
      %parallel_loop3A_247 = arith.constant 176 : index
      %parallel_loop3A_248 = tpu.vector_load %arg7[%parallel_loop3A_246, %parallel_loop3A_247] {strides = array<i32>} : memref<128x256xf32, #tpu.memory_space<vmem>>, vector<1x16xf32>,
      %parallel_loop3A_249 = vector.shape_cast %parallel_loop3A_248 : vector<1x16xf32> to vector<16xf32>
      %parallel_loop3A_250 = vector.shape_cast %parallel_loop3A_245 : vector<16xf32> to vector<1x16xf32>
      tpu.vector_store %arg7[%parallel_loop3A_246, %parallel_loop3A_247], %parallel_loop3A_250 {strides = array<i32>} : memref<128x256xf32, #tpu.memory_space<vmem>>, vector<1x16xf32>,
      %parallel_loop3A_251 = arith.index_cast %parallel_loop3A_34 : i32 to index
      %parallel_loop3A_252 = arith.constant 192 : index
      %parallel_loop3A_253 = tpu.vector_load %arg8[%parallel_loop3A_251, %parallel_loop3A_252] {strides = array<i32>} : memref<128x256xf32, #tpu.memory_space<vmem>>, vector<1x16xf32>,
      %parallel_loop3A_254 = vector.shape_cast %parallel_loop3A_253 : vector<1x16xf32> to vector<16xf32>
      %parallel_loop3A_255 = arith.index_cast %parallel_loop3A_34 : i32 to index
      %parallel_loop3A_256 = arith.constant 192 : index
      %parallel_loop3A_257 = tpu.vector_load %arg7[%parallel_loop3A_255, %parallel_loop3A_256] {strides = array<i32>} : memref<128x256xf32, #tpu.memory_space<vmem>>, vector<1x16xf32>,
      %parallel_loop3A_258 = vector.shape_cast %parallel_loop3A_257 : vector<1x16xf32> to vector<16xf32>
      %parallel_loop3A_259 = arith.subf %parallel_loop3A_258, %parallel_loop3A_254 : vector<16xf32>
      %parallel_loop3A_260 = arith.constant 1.000000e-01 : f32
      %parallel_loop3A_261 = vector.broadcast %parallel_loop3A_260 : f32 to vector<16xf32>
      %parallel_loop3A_262 = arith.mulf %parallel_loop3A_261, %parallel_loop3A_259 : vector<16xf32>
      %parallel_loop3A_263 = arith.addf %parallel_loop3A_254, %parallel_loop3A_262 : vector<16xf32>
      %parallel_loop3A_264 = arith.index_cast %parallel_loop3A_34 : i32 to index
      %parallel_loop3A_265 = arith.constant 192 : index
      %parallel_loop3A_266 = tpu.vector_load %arg7[%parallel_loop3A_264, %parallel_loop3A_265] {strides = array<i32>} : memref<128x256xf32, #tpu.memory_space<vmem>>, vector<1x16xf32>,
      %parallel_loop3A_267 = vector.shape_cast %parallel_loop3A_266 : vector<1x16xf32> to vector<16xf32>
      %parallel_loop3A_268 = vector.shape_cast %parallel_loop3A_263 : vector<16xf32> to vector<1x16xf32>
      tpu.vector_store %arg7[%parallel_loop3A_264, %parallel_loop3A_265], %parallel_loop3A_268 {strides = array<i32>} : memref<128x256xf32, #tpu.memory_space<vmem>>, vector<1x16xf32>,
      %parallel_loop3A_269 = arith.index_cast %parallel_loop3A_34 : i32 to index
      %parallel_loop3A_270 = arith.constant 208 : index
      %parallel_loop3A_271 = tpu.vector_load %arg8[%parallel_loop3A_269, %parallel_loop3A_270] {strides = array<i32>} : memref<128x256xf32, #tpu.memory_space<vmem>>, vector<1x16xf32>,
      %parallel_loop3A_272 = vector.shape_cast %parallel_loop3A_271 : vector<1x16xf32> to vector<16xf32>
      %parallel_loop3A_273 = arith.index_cast %parallel_loop3A_34 : i32 to index
      %parallel_loop3A_274 = arith.constant 208 : index
      %parallel_loop3A_275 = tpu.vector_load %arg7[%parallel_loop3A_273, %parallel_loop3A_274] {strides = array<i32>} : memref<128x256xf32, #tpu.memory_space<vmem>>, vector<1x16xf32>,
      %parallel_loop3A_276 = vector.shape_cast %parallel_loop3A_275 : vector<1x16xf32> to vector<16xf32>
      %parallel_loop3A_277 = arith.subf %parallel_loop3A_276, %parallel_loop3A_272 : vector<16xf32>
      %parallel_loop3A_278 = arith.constant 1.000000e-01 : f32
      %parallel_loop3A_279 = vector.broadcast %parallel_loop3A_278 : f32 to vector<16xf32>
      %parallel_loop3A_280 = arith.mulf %parallel_loop3A_279, %parallel_loop3A_277 : vector<16xf32>
      %parallel_loop3A_281 = arith.addf %parallel_loop3A_272, %parallel_loop3A_280 : vector<16xf32>
      %parallel_loop3A_282 = arith.index_cast %parallel_loop3A_34 : i32 to index
      %parallel_loop3A_283 = arith.constant 208 : index
      %parallel_loop3A_284 = tpu.vector_load %arg7[%parallel_loop3A_282, %parallel_loop3A_283] {strides = array<i32>} : memref<128x256xf32, #tpu.memory_space<vmem>>, vector<1x16xf32>,
      %parallel_loop3A_285 = vector.shape_cast %parallel_loop3A_284 : vector<1x16xf32> to vector<16xf32>
      %parallel_loop3A_286 = vector.shape_cast %parallel_loop3A_281 : vector<16xf32> to vector<1x16xf32>
      tpu.vector_store %arg7[%parallel_loop3A_282, %parallel_loop3A_283], %parallel_loop3A_286 {strides = array<i32>} : memref<128x256xf32, #tpu.memory_space<vmem>>, vector<1x16xf32>,
      %parallel_loop3A_287 = arith.index_cast %parallel_loop3A_34 : i32 to index
      %parallel_loop3A_288 = arith.constant 224 : index
      %parallel_loop3A_289 = tpu.vector_load %arg8[%parallel_loop3A_287, %parallel_loop3A_288] {strides = array<i32>} : memref<128x256xf32, #tpu.memory_space<vmem>>, vector<1x16xf32>,
      %parallel_loop3A_290 = vector.shape_cast %parallel_loop3A_289 : vector<1x16xf32> to vector<16xf32>
      %parallel_loop3A_291 = arith.index_cast %parallel_loop3A_34 : i32 to index
      %parallel_loop3A_292 = arith.constant 224 : index
      %parallel_loop3A_293 = tpu.vector_load %arg7[%parallel_loop3A_291, %parallel_loop3A_292] {strides = array<i32>} : memref<128x256xf32, #tpu.memory_space<vmem>>, vector<1x16xf32>,
      %parallel_loop3A_294 = vector.shape_cast %parallel_loop3A_293 : vector<1x16xf32> to vector<16xf32>
      %parallel_loop3A_295 = arith.subf %parallel_loop3A_294, %parallel_loop3A_290 : vector<16xf32>
      %parallel_loop3A_296 = arith.constant 1.000000e-01 : f32
      %parallel_loop3A_297 = vector.broadcast %parallel_loop3A_296 : f32 to vector<16xf32>
      %parallel_loop3A_298 = arith.mulf %parallel_loop3A_297, %parallel_loop3A_295 : vector<16xf32>
      %parallel_loop3A_299 = arith.addf %parallel_loop3A_290, %parallel_loop3A_298 : vector<16xf32>
      %parallel_loop3A_300 = arith.index_cast %parallel_loop3A_34 : i32 to index
      %parallel_loop3A_301 = arith.constant 224 : index
      %parallel_loop3A_302 = tpu.vector_load %arg7[%parallel_loop3A_300, %parallel_loop3A_301] {strides = array<i32>} : memref<128x256xf32, #tpu.memory_space<vmem>>, vector<1x16xf32>,
      %parallel_loop3A_303 = vector.shape_cast %parallel_loop3A_302 : vector<1x16xf32> to vector<16xf32>
      %parallel_loop3A_304 = vector.shape_cast %parallel_loop3A_299 : vector<16xf32> to vector<1x16xf32>
      tpu.vector_store %arg7[%parallel_loop3A_300, %parallel_loop3A_301], %parallel_loop3A_304 {strides = array<i32>} : memref<128x256xf32, #tpu.memory_space<vmem>>, vector<1x16xf32>,
      %parallel_loop3A_305 = arith.index_cast %parallel_loop3A_34 : i32 to index
      %parallel_loop3A_306 = arith.constant 240 : index
      %parallel_loop3A_307 = tpu.vector_load %arg8[%parallel_loop3A_305, %parallel_loop3A_306] {strides = array<i32>} : memref<128x256xf32, #tpu.memory_space<vmem>>, vector<1x16xf32>,
      %parallel_loop3A_308 = vector.shape_cast %parallel_loop3A_307 : vector<1x16xf32> to vector<16xf32>
      %parallel_loop3A_309 = arith.index_cast %parallel_loop3A_34 : i32 to index
      %parallel_loop3A_310 = arith.constant 240 : index
      %parallel_loop3A_311 = tpu.vector_load %arg7[%parallel_loop3A_309, %parallel_loop3A_310] {strides = array<i32>} : memref<128x256xf32, #tpu.memory_space<vmem>>, vector<1x16xf32>,
      %parallel_loop3A_312 = vector.shape_cast %parallel_loop3A_311 : vector<1x16xf32> to vector<16xf32>
      %parallel_loop3A_313 = arith.subf %parallel_loop3A_312, %parallel_loop3A_308 : vector<16xf32>
      %parallel_loop3A_314 = arith.constant 1.000000e-01 : f32
      %parallel_loop3A_315 = vector.broadcast %parallel_loop3A_314 : f32 to vector<16xf32>
      %parallel_loop3A_316 = arith.mulf %parallel_loop3A_315, %parallel_loop3A_313 : vector<16xf32>
      %parallel_loop3A_317 = arith.addf %parallel_loop3A_308, %parallel_loop3A_316 : vector<16xf32>
      %parallel_loop3A_318 = arith.index_cast %parallel_loop3A_34 : i32 to index
      %parallel_loop3A_319 = arith.constant 240 : index
      %parallel_loop3A_320 = tpu.vector_load %arg7[%parallel_loop3A_318, %parallel_loop3A_319] {strides = array<i32>} : memref<128x256xf32, #tpu.memory_space<vmem>>, vector<1x16xf32>,
      %parallel_loop3A_321 = vector.shape_cast %parallel_loop3A_320 : vector<1x16xf32> to vector<16xf32>
      %parallel_loop3A_322 = vector.shape_cast %parallel_loop3A_317 : vector<16xf32> to vector<1x16xf32>
      tpu.vector_store %arg7[%parallel_loop3A_318, %parallel_loop3A_319], %parallel_loop3A_322 {strides = array<i32>} : memref<128x256xf32, #tpu.memory_space<vmem>>, vector<1x16xf32>,
    } {sc.loop_unroll_factor = 4 : i64, sc.parallel_access}
    %add3A_15 = arith.constant 0 : i32
    %add3A_16 = arith.addi %mul3A_2, %add3A_15 : i32
    "tpu.region"() ({
      %run_scoped3A = tpu.sem_alloc : memref<!tpu.dma_semaphore, #tpu.memory_space<semaphore_mem>>
      %dma_start3A_34 = arith.constant 0 : i32
      %dma_start3A_35 = tpu.memref_slice %arg5[%add3A_16, %dma_start3A_34] : memref<8192x256xf32, #tpu.memory_space<hbm>> -> memref<128x256xf32, #tpu.memory_space<hbm>>
      %dma_start3A_36 = arith.constant 0 : i32
      %dma_start3A_37 = tpu.memref_slice %arg5[%add3A_16, %dma_start3A_36] : memref<8192x256xf32, #tpu.memory_space<hbm>> -> memref<128x256xf32, #tpu.memory_space<hbm>>
      tpu.enqueue_dma source(%arg7 : memref<128x256xf32, #tpu.memory_space<vmem>>) target(%dma_start3A_37 : memref<128x256xf32, #tpu.memory_space<hbm>>) target_semaphore(%run_scoped3A : memref<!tpu.dma_semaphore, #tpu.memory_space<semaphore_mem>>)
      %dma_wait3A_38 = arith.constant 0 : i32
      %dma_wait3A_39 = tpu.memref_slice %arg5[%add3A_16, %dma_wait3A_38] : memref<8192x256xf32, #tpu.memory_space<hbm>> -> memref<128x256xf32, #tpu.memory_space<hbm>>
      %dma_wait3A_40 = arith.constant 0 : i32
      %dma_wait3A_41 = tpu.memref_slice %arg5[%add3A_16, %dma_wait3A_40] : memref<8192x256xf32, #tpu.memory_space<hbm>> -> memref<128x256xf32, #tpu.memory_space<hbm>>
      tpu.wait_dma2 semaphore(%run_scoped3A : memref<!tpu.dma_semaphore, #tpu.memory_space<semaphore_mem>>) src(%arg7 : memref<128x256xf32, #tpu.memory_space<vmem>>) dst(%dma_wait3A_41 : memref<128x256xf32, #tpu.memory_space<hbm>>)
      tpu.yield
    }) : () -> ()
    %dma_start3A_17 = arith.constant 128 : i32
    %dma_start3A_18 = tpu.memref_slice %arg6[%dma_start3A_17] : memref<256xi32, #tpu.memory_space<vmem>> -> memref<128xi32, #tpu.memory_space<vmem>>
    %dma_start3A_19 = arith.constant 0 : i32
    %dma_start3A_20 = arith.constant 0 : i32
    %dma_start3A_21 = tpu.memref_slice %arg3[%dma_start3A_19, %dma_start3A_20] : memref<1024x256xf32, #tpu.memory_space<hbm>> -> memref<1024x256xf32, #tpu.memory_space<hbm>>
    tpu.enqueue_indirect_dma source(%dma_start3A_21 : memref<1024x256xf32, #tpu.memory_space<hbm>>) target(%arg7 : memref<128x256xf32, #tpu.memory_space<vmem>>) offsets(%dma_start3A_18 : memref<128xi32, #tpu.memory_space<vmem>>) semaphore(%arg9 : memref<!tpu.dma_semaphore, #tpu.memory_space<semaphore_mem>>)
    %dma_wait3A_22 = arith.constant 128 : i32
    %dma_wait3A_23 = tpu.memref_slice %arg6[%dma_wait3A_22] : memref<256xi32, #tpu.memory_space<vmem>> -> memref<128xi32, #tpu.memory_space<vmem>>
    %dma_wait3A_24 = arith.constant 0 : i32
    %dma_wait3A_25 = arith.constant 0 : i32
    %dma_wait3A_26 = tpu.memref_slice %arg3[%dma_wait3A_24, %dma_wait3A_25] : memref<1024x256xf32, #tpu.memory_space<hbm>> -> memref<1024x256xf32, #tpu.memory_space<hbm>>
    tpu.wait_indirect_dma semaphore(%arg9 : memref<!tpu.dma_semaphore, #tpu.memory_space<semaphore_mem>>) src(%dma_wait3A_26 : memref<1024x256xf32, #tpu.memory_space<hbm>>) dst(%arg7 : memref<128x256xf32, #tpu.memory_space<vmem>>)
    %add3A_27 = arith.constant 128 : i32
    %add3A_28 = arith.addi %mul3A_2, %add3A_27 : i32
    "tpu.region"() ({
      %run_scoped3A = tpu.sem_alloc : memref<!tpu.dma_semaphore, #tpu.memory_space<semaphore_mem>>
      %dma_start3A_34 = arith.constant 0 : i32
      %dma_start3A_35 = tpu.memref_slice %arg2[%add3A_28, %dma_start3A_34] : memref<8192x256xf32, #tpu.memory_space<hbm>> -> memref<128x256xf32, #tpu.memory_space<hbm>>
      %dma_start3A_36 = arith.constant 0 : i32
      %dma_start3A_37 = tpu.memref_slice %arg2[%add3A_28, %dma_start3A_36] : memref<8192x256xf32, #tpu.memory_space<hbm>> -> memref<128x256xf32, #tpu.memory_space<hbm>>
      tpu.enqueue_dma source(%dma_start3A_37 : memref<128x256xf32, #tpu.memory_space<hbm>>) target(%arg8 : memref<128x256xf32, #tpu.memory_space<vmem>>) target_semaphore(%run_scoped3A : memref<!tpu.dma_semaphore, #tpu.memory_space<semaphore_mem>>)
      %dma_wait3A_38 = arith.constant 0 : i32
      %dma_wait3A_39 = tpu.memref_slice %arg2[%add3A_28, %dma_wait3A_38] : memref<8192x256xf32, #tpu.memory_space<hbm>> -> memref<128x256xf32, #tpu.memory_space<hbm>>
      %dma_wait3A_40 = arith.constant 0 : i32
      %dma_wait3A_41 = tpu.memref_slice %arg2[%add3A_28, %dma_wait3A_40] : memref<8192x256xf32, #tpu.memory_space<hbm>> -> memref<128x256xf32, #tpu.memory_space<hbm>>
      tpu.wait_dma2 semaphore(%run_scoped3A : memref<!tpu.dma_semaphore, #tpu.memory_space<semaphore_mem>>) src(%dma_wait3A_41 : memref<128x256xf32, #tpu.memory_space<hbm>>) dst(%arg8 : memref<128x256xf32, #tpu.memory_space<vmem>>)
      tpu.yield
    }) : () -> ()
    %parallel_loop3A_29 = arith.constant 0 : i32
    %parallel_loop3A_30 = arith.constant 128 : i32
    %parallel_loop3A_31 = arith.constant 1 : i32
    scf.for %parallel_loop3A_34 = %parallel_loop3A_29 to %parallel_loop3A_30 step %parallel_loop3A_31  : i32 {
      %parallel_loop3A_35 = arith.index_cast %parallel_loop3A_34 : i32 to index
      %parallel_loop3A_36 = arith.constant 0 : index
      %parallel_loop3A_37 = tpu.vector_load %arg8[%parallel_loop3A_35, %parallel_loop3A_36] {strides = array<i32>} : memref<128x256xf32, #tpu.memory_space<vmem>>, vector<1x16xf32>,
      %parallel_loop3A_38 = vector.shape_cast %parallel_loop3A_37 : vector<1x16xf32> to vector<16xf32>
      %parallel_loop3A_39 = arith.index_cast %parallel_loop3A_34 : i32 to index
      %parallel_loop3A_40 = arith.constant 0 : index
      %parallel_loop3A_41 = tpu.vector_load %arg7[%parallel_loop3A_39, %parallel_loop3A_40] {strides = array<i32>} : memref<128x256xf32, #tpu.memory_space<vmem>>, vector<1x16xf32>,
      %parallel_loop3A_42 = vector.shape_cast %parallel_loop3A_41 : vector<1x16xf32> to vector<16xf32>
      %parallel_loop3A_43 = arith.subf %parallel_loop3A_42, %parallel_loop3A_38 : vector<16xf32>
      %parallel_loop3A_44 = arith.constant 1.000000e-01 : f32
      %parallel_loop3A_45 = vector.broadcast %parallel_loop3A_44 : f32 to vector<16xf32>
      %parallel_loop3A_46 = arith.mulf %parallel_loop3A_45, %parallel_loop3A_43 : vector<16xf32>
      %parallel_loop3A_47 = arith.addf %parallel_loop3A_38, %parallel_loop3A_46 : vector<16xf32>
      %parallel_loop3A_48 = arith.index_cast %parallel_loop3A_34 : i32 to index
      %parallel_loop3A_49 = arith.constant 0 : index
      %parallel_loop3A_50 = tpu.vector_load %arg7[%parallel_loop3A_48, %parallel_loop3A_49] {strides = array<i32>} : memref<128x256xf32, #tpu.memory_space<vmem>>, vector<1x16xf32>,
      %parallel_loop3A_51 = vector.shape_cast %parallel_loop3A_50 : vector<1x16xf32> to vector<16xf32>
      %parallel_loop3A_52 = vector.shape_cast %parallel_loop3A_47 : vector<16xf32> to vector<1x16xf32>
      tpu.vector_store %arg7[%parallel_loop3A_48, %parallel_loop3A_49], %parallel_loop3A_52 {strides = array<i32>} : memref<128x256xf32, #tpu.memory_space<vmem>>, vector<1x16xf32>,
      %parallel_loop3A_53 = arith.index_cast %parallel_loop3A_34 : i32 to index
      %parallel_loop3A_54 = arith.constant 16 : index
      %parallel_loop3A_55 = tpu.vector_load %arg8[%parallel_loop3A_53, %parallel_loop3A_54] {strides = array<i32>} : memref<128x256xf32, #tpu.memory_space<vmem>>, vector<1x16xf32>,
      %parallel_loop3A_56 = vector.shape_cast %parallel_loop3A_55 : vector<1x16xf32> to vector<16xf32>
      %parallel_loop3A_57 = arith.index_cast %parallel_loop3A_34 : i32 to index
      %parallel_loop3A_58 = arith.constant 16 : index
      %parallel_loop3A_59 = tpu.vector_load %arg7[%parallel_loop3A_57, %parallel_loop3A_58] {strides = array<i32>} : memref<128x256xf32, #tpu.memory_space<vmem>>, vector<1x16xf32>,
      %parallel_loop3A_60 = vector.shape_cast %parallel_loop3A_59 : vector<1x16xf32> to vector<16xf32>
      %parallel_loop3A_61 = arith.subf %parallel_loop3A_60, %parallel_loop3A_56 : vector<16xf32>
      %parallel_loop3A_62 = arith.constant 1.000000e-01 : f32
      %parallel_loop3A_63 = vector.broadcast %parallel_loop3A_62 : f32 to vector<16xf32>
      %parallel_loop3A_64 = arith.mulf %parallel_loop3A_63, %parallel_loop3A_61 : vector<16xf32>
      %parallel_loop3A_65 = arith.addf %parallel_loop3A_56, %parallel_loop3A_64 : vector<16xf32>
      %parallel_loop3A_66 = arith.index_cast %parallel_loop3A_34 : i32 to index
      %parallel_loop3A_67 = arith.constant 16 : index
      %parallel_loop3A_68 = tpu.vector_load %arg7[%parallel_loop3A_66, %parallel_loop3A_67] {strides = array<i32>} : memref<128x256xf32, #tpu.memory_space<vmem>>, vector<1x16xf32>,
      %parallel_loop3A_69 = vector.shape_cast %parallel_loop3A_68 : vector<1x16xf32> to vector<16xf32>
      %parallel_loop3A_70 = vector.shape_cast %parallel_loop3A_65 : vector<16xf32> to vector<1x16xf32>
      tpu.vector_store %arg7[%parallel_loop3A_66, %parallel_loop3A_67], %parallel_loop3A_70 {strides = array<i32>} : memref<128x256xf32, #tpu.memory_space<vmem>>, vector<1x16xf32>,
      %parallel_loop3A_71 = arith.index_cast %parallel_loop3A_34 : i32 to index
      %parallel_loop3A_72 = arith.constant 32 : index
      %parallel_loop3A_73 = tpu.vector_load %arg8[%parallel_loop3A_71, %parallel_loop3A_72] {strides = array<i32>} : memref<128x256xf32, #tpu.memory_space<vmem>>, vector<1x16xf32>,
      %parallel_loop3A_74 = vector.shape_cast %parallel_loop3A_73 : vector<1x16xf32> to vector<16xf32>
      %parallel_loop3A_75 = arith.index_cast %parallel_loop3A_34 : i32 to index
      %parallel_loop3A_76 = arith.constant 32 : index
      %parallel_loop3A_77 = tpu.vector_load %arg7[%parallel_loop3A_75, %parallel_loop3A_76] {strides = array<i32>} : memref<128x256xf32, #tpu.memory_space<vmem>>, vector<1x16xf32>,
      %parallel_loop3A_78 = vector.shape_cast %parallel_loop3A_77 : vector<1x16xf32> to vector<16xf32>
      %parallel_loop3A_79 = arith.subf %parallel_loop3A_78, %parallel_loop3A_74 : vector<16xf32>
      %parallel_loop3A_80 = arith.constant 1.000000e-01 : f32
      %parallel_loop3A_81 = vector.broadcast %parallel_loop3A_80 : f32 to vector<16xf32>
      %parallel_loop3A_82 = arith.mulf %parallel_loop3A_81, %parallel_loop3A_79 : vector<16xf32>
      %parallel_loop3A_83 = arith.addf %parallel_loop3A_74, %parallel_loop3A_82 : vector<16xf32>
      %parallel_loop3A_84 = arith.index_cast %parallel_loop3A_34 : i32 to index
      %parallel_loop3A_85 = arith.constant 32 : index
      %parallel_loop3A_86 = tpu.vector_load %arg7[%parallel_loop3A_84, %parallel_loop3A_85] {strides = array<i32>} : memref<128x256xf32, #tpu.memory_space<vmem>>, vector<1x16xf32>,
      %parallel_loop3A_87 = vector.shape_cast %parallel_loop3A_86 : vector<1x16xf32> to vector<16xf32>
      %parallel_loop3A_88 = vector.shape_cast %parallel_loop3A_83 : vector<16xf32> to vector<1x16xf32>
      tpu.vector_store %arg7[%parallel_loop3A_84, %parallel_loop3A_85], %parallel_loop3A_88 {strides = array<i32>} : memref<128x256xf32, #tpu.memory_space<vmem>>, vector<1x16xf32>,
      %parallel_loop3A_89 = arith.index_cast %parallel_loop3A_34 : i32 to index
      %parallel_loop3A_90 = arith.constant 48 : index
      %parallel_loop3A_91 = tpu.vector_load %arg8[%parallel_loop3A_89, %parallel_loop3A_90] {strides = array<i32>} : memref<128x256xf32, #tpu.memory_space<vmem>>, vector<1x16xf32>,
      %parallel_loop3A_92 = vector.shape_cast %parallel_loop3A_91 : vector<1x16xf32> to vector<16xf32>
      %parallel_loop3A_93 = arith.index_cast %parallel_loop3A_34 : i32 to index
      %parallel_loop3A_94 = arith.constant 48 : index
      %parallel_loop3A_95 = tpu.vector_load %arg7[%parallel_loop3A_93, %parallel_loop3A_94] {strides = array<i32>} : memref<128x256xf32, #tpu.memory_space<vmem>>, vector<1x16xf32>,
      %parallel_loop3A_96 = vector.shape_cast %parallel_loop3A_95 : vector<1x16xf32> to vector<16xf32>
      %parallel_loop3A_97 = arith.subf %parallel_loop3A_96, %parallel_loop3A_92 : vector<16xf32>
      %parallel_loop3A_98 = arith.constant 1.000000e-01 : f32
      %parallel_loop3A_99 = vector.broadcast %parallel_loop3A_98 : f32 to vector<16xf32>
      %parallel_loop3A_100 = arith.mulf %parallel_loop3A_99, %parallel_loop3A_97 : vector<16xf32>
      %parallel_loop3A_101 = arith.addf %parallel_loop3A_92, %parallel_loop3A_100 : vector<16xf32>
      %parallel_loop3A_102 = arith.index_cast %parallel_loop3A_34 : i32 to index
      %parallel_loop3A_103 = arith.constant 48 : index
      %parallel_loop3A_104 = tpu.vector_load %arg7[%parallel_loop3A_102, %parallel_loop3A_103] {strides = array<i32>} : memref<128x256xf32, #tpu.memory_space<vmem>>, vector<1x16xf32>,
      %parallel_loop3A_105 = vector.shape_cast %parallel_loop3A_104 : vector<1x16xf32> to vector<16xf32>
      %parallel_loop3A_106 = vector.shape_cast %parallel_loop3A_101 : vector<16xf32> to vector<1x16xf32>
      tpu.vector_store %arg7[%parallel_loop3A_102, %parallel_loop3A_103], %parallel_loop3A_106 {strides = array<i32>} : memref<128x256xf32, #tpu.memory_space<vmem>>, vector<1x16xf32>,
      %parallel_loop3A_107 = arith.index_cast %parallel_loop3A_34 : i32 to index
      %parallel_loop3A_108 = arith.constant 64 : index
      %parallel_loop3A_109 = tpu.vector_load %arg8[%parallel_loop3A_107, %parallel_loop3A_108] {strides = array<i32>} : memref<128x256xf32, #tpu.memory_space<vmem>>, vector<1x16xf32>,
      %parallel_loop3A_110 = vector.shape_cast %parallel_loop3A_109 : vector<1x16xf32> to vector<16xf32>
      %parallel_loop3A_111 = arith.index_cast %parallel_loop3A_34 : i32 to index
      %parallel_loop3A_112 = arith.constant 64 : index
      %parallel_loop3A_113 = tpu.vector_load %arg7[%parallel_loop3A_111, %parallel_loop3A_112] {strides = array<i32>} : memref<128x256xf32, #tpu.memory_space<vmem>>, vector<1x16xf32>,
      %parallel_loop3A_114 = vector.shape_cast %parallel_loop3A_113 : vector<1x16xf32> to vector<16xf32>
      %parallel_loop3A_115 = arith.subf %parallel_loop3A_114, %parallel_loop3A_110 : vector<16xf32>
      %parallel_loop3A_116 = arith.constant 1.000000e-01 : f32
      %parallel_loop3A_117 = vector.broadcast %parallel_loop3A_116 : f32 to vector<16xf32>
      %parallel_loop3A_118 = arith.mulf %parallel_loop3A_117, %parallel_loop3A_115 : vector<16xf32>
      %parallel_loop3A_119 = arith.addf %parallel_loop3A_110, %parallel_loop3A_118 : vector<16xf32>
      %parallel_loop3A_120 = arith.index_cast %parallel_loop3A_34 : i32 to index
      %parallel_loop3A_121 = arith.constant 64 : index
      %parallel_loop3A_122 = tpu.vector_load %arg7[%parallel_loop3A_120, %parallel_loop3A_121] {strides = array<i32>} : memref<128x256xf32, #tpu.memory_space<vmem>>, vector<1x16xf32>,
      %parallel_loop3A_123 = vector.shape_cast %parallel_loop3A_122 : vector<1x16xf32> to vector<16xf32>
      %parallel_loop3A_124 = vector.shape_cast %parallel_loop3A_119 : vector<16xf32> to vector<1x16xf32>
      tpu.vector_store %arg7[%parallel_loop3A_120, %parallel_loop3A_121], %parallel_loop3A_124 {strides = array<i32>} : memref<128x256xf32, #tpu.memory_space<vmem>>, vector<1x16xf32>,
      %parallel_loop3A_125 = arith.index_cast %parallel_loop3A_34 : i32 to index
      %parallel_loop3A_126 = arith.constant 80 : index
      %parallel_loop3A_127 = tpu.vector_load %arg8[%parallel_loop3A_125, %parallel_loop3A_126] {strides = array<i32>} : memref<128x256xf32, #tpu.memory_space<vmem>>, vector<1x16xf32>,
      %parallel_loop3A_128 = vector.shape_cast %parallel_loop3A_127 : vector<1x16xf32> to vector<16xf32>
      %parallel_loop3A_129 = arith.index_cast %parallel_loop3A_34 : i32 to index
      %parallel_loop3A_130 = arith.constant 80 : index
      %parallel_loop3A_131 = tpu.vector_load %arg7[%parallel_loop3A_129, %parallel_loop3A_130] {strides = array<i32>} : memref<128x256xf32, #tpu.memory_space<vmem>>, vector<1x16xf32>,
      %parallel_loop3A_132 = vector.shape_cast %parallel_loop3A_131 : vector<1x16xf32> to vector<16xf32>
      %parallel_loop3A_133 = arith.subf %parallel_loop3A_132, %parallel_loop3A_128 : vector<16xf32>
      %parallel_loop3A_134 = arith.constant 1.000000e-01 : f32
      %parallel_loop3A_135 = vector.broadcast %parallel_loop3A_134 : f32 to vector<16xf32>
      %parallel_loop3A_136 = arith.mulf %parallel_loop3A_135, %parallel_loop3A_133 : vector<16xf32>
      %parallel_loop3A_137 = arith.addf %parallel_loop3A_128, %parallel_loop3A_136 : vector<16xf32>
      %parallel_loop3A_138 = arith.index_cast %parallel_loop3A_34 : i32 to index
      %parallel_loop3A_139 = arith.constant 80 : index
      %parallel_loop3A_140 = tpu.vector_load %arg7[%parallel_loop3A_138, %parallel_loop3A_139] {strides = array<i32>} : memref<128x256xf32, #tpu.memory_space<vmem>>, vector<1x16xf32>,
      %parallel_loop3A_141 = vector.shape_cast %parallel_loop3A_140 : vector<1x16xf32> to vector<16xf32>
      %parallel_loop3A_142 = vector.shape_cast %parallel_loop3A_137 : vector<16xf32> to vector<1x16xf32>
      tpu.vector_store %arg7[%parallel_loop3A_138, %parallel_loop3A_139], %parallel_loop3A_142 {strides = array<i32>} : memref<128x256xf32, #tpu.memory_space<vmem>>, vector<1x16xf32>,
      %parallel_loop3A_143 = arith.index_cast %parallel_loop3A_34 : i32 to index
      %parallel_loop3A_144 = arith.constant 96 : index
      %parallel_loop3A_145 = tpu.vector_load %arg8[%parallel_loop3A_143, %parallel_loop3A_144] {strides = array<i32>} : memref<128x256xf32, #tpu.memory_space<vmem>>, vector<1x16xf32>,
      %parallel_loop3A_146 = vector.shape_cast %parallel_loop3A_145 : vector<1x16xf32> to vector<16xf32>
      %parallel_loop3A_147 = arith.index_cast %parallel_loop3A_34 : i32 to index
      %parallel_loop3A_148 = arith.constant 96 : index
      %parallel_loop3A_149 = tpu.vector_load %arg7[%parallel_loop3A_147, %parallel_loop3A_148] {strides = array<i32>} : memref<128x256xf32, #tpu.memory_space<vmem>>, vector<1x16xf32>,
      %parallel_loop3A_150 = vector.shape_cast %parallel_loop3A_149 : vector<1x16xf32> to vector<16xf32>
      %parallel_loop3A_151 = arith.subf %parallel_loop3A_150, %parallel_loop3A_146 : vector<16xf32>
      %parallel_loop3A_152 = arith.constant 1.000000e-01 : f32
      %parallel_loop3A_153 = vector.broadcast %parallel_loop3A_152 : f32 to vector<16xf32>
      %parallel_loop3A_154 = arith.mulf %parallel_loop3A_153, %parallel_loop3A_151 : vector<16xf32>
      %parallel_loop3A_155 = arith.addf %parallel_loop3A_146, %parallel_loop3A_154 : vector<16xf32>
      %parallel_loop3A_156 = arith.index_cast %parallel_loop3A_34 : i32 to index
      %parallel_loop3A_157 = arith.constant 96 : index
      %parallel_loop3A_158 = tpu.vector_load %arg7[%parallel_loop3A_156, %parallel_loop3A_157] {strides = array<i32>} : memref<128x256xf32, #tpu.memory_space<vmem>>, vector<1x16xf32>,
      %parallel_loop3A_159 = vector.shape_cast %parallel_loop3A_158 : vector<1x16xf32> to vector<16xf32>
      %parallel_loop3A_160 = vector.shape_cast %parallel_loop3A_155 : vector<16xf32> to vector<1x16xf32>
      tpu.vector_store %arg7[%parallel_loop3A_156, %parallel_loop3A_157], %parallel_loop3A_160 {strides = array<i32>} : memref<128x256xf32, #tpu.memory_space<vmem>>, vector<1x16xf32>,
      %parallel_loop3A_161 = arith.index_cast %parallel_loop3A_34 : i32 to index
      %parallel_loop3A_162 = arith.constant 112 : index
      %parallel_loop3A_163 = tpu.vector_load %arg8[%parallel_loop3A_161, %parallel_loop3A_162] {strides = array<i32>} : memref<128x256xf32, #tpu.memory_space<vmem>>, vector<1x16xf32>,
      %parallel_loop3A_164 = vector.shape_cast %parallel_loop3A_163 : vector<1x16xf32> to vector<16xf32>
      %parallel_loop3A_165 = arith.index_cast %parallel_loop3A_34 : i32 to index
      %parallel_loop3A_166 = arith.constant 112 : index
      %parallel_loop3A_167 = tpu.vector_load %arg7[%parallel_loop3A_165, %parallel_loop3A_166] {strides = array<i32>} : memref<128x256xf32, #tpu.memory_space<vmem>>, vector<1x16xf32>,
      %parallel_loop3A_168 = vector.shape_cast %parallel_loop3A_167 : vector<1x16xf32> to vector<16xf32>
      %parallel_loop3A_169 = arith.subf %parallel_loop3A_168, %parallel_loop3A_164 : vector<16xf32>
      %parallel_loop3A_170 = arith.constant 1.000000e-01 : f32
      %parallel_loop3A_171 = vector.broadcast %parallel_loop3A_170 : f32 to vector<16xf32>
      %parallel_loop3A_172 = arith.mulf %parallel_loop3A_171, %parallel_loop3A_169 : vector<16xf32>
      %parallel_loop3A_173 = arith.addf %parallel_loop3A_164, %parallel_loop3A_172 : vector<16xf32>
      %parallel_loop3A_174 = arith.index_cast %parallel_loop3A_34 : i32 to index
      %parallel_loop3A_175 = arith.constant 112 : index
      %parallel_loop3A_176 = tpu.vector_load %arg7[%parallel_loop3A_174, %parallel_loop3A_175] {strides = array<i32>} : memref<128x256xf32, #tpu.memory_space<vmem>>, vector<1x16xf32>,
      %parallel_loop3A_177 = vector.shape_cast %parallel_loop3A_176 : vector<1x16xf32> to vector<16xf32>
      %parallel_loop3A_178 = vector.shape_cast %parallel_loop3A_173 : vector<16xf32> to vector<1x16xf32>
      tpu.vector_store %arg7[%parallel_loop3A_174, %parallel_loop3A_175], %parallel_loop3A_178 {strides = array<i32>} : memref<128x256xf32, #tpu.memory_space<vmem>>, vector<1x16xf32>,
      %parallel_loop3A_179 = arith.index_cast %parallel_loop3A_34 : i32 to index
      %parallel_loop3A_180 = arith.constant 128 : index
      %parallel_loop3A_181 = tpu.vector_load %arg8[%parallel_loop3A_179, %parallel_loop3A_180] {strides = array<i32>} : memref<128x256xf32, #tpu.memory_space<vmem>>, vector<1x16xf32>,
      %parallel_loop3A_182 = vector.shape_cast %parallel_loop3A_181 : vector<1x16xf32> to vector<16xf32>
      %parallel_loop3A_183 = arith.index_cast %parallel_loop3A_34 : i32 to index
      %parallel_loop3A_184 = arith.constant 128 : index
      %parallel_loop3A_185 = tpu.vector_load %arg7[%parallel_loop3A_183, %parallel_loop3A_184] {strides = array<i32>} : memref<128x256xf32, #tpu.memory_space<vmem>>, vector<1x16xf32>,
      %parallel_loop3A_186 = vector.shape_cast %parallel_loop3A_185 : vector<1x16xf32> to vector<16xf32>
      %parallel_loop3A_187 = arith.subf %parallel_loop3A_186, %parallel_loop3A_182 : vector<16xf32>
      %parallel_loop3A_188 = arith.constant 1.000000e-01 : f32
      %parallel_loop3A_189 = vector.broadcast %parallel_loop3A_188 : f32 to vector<16xf32>
      %parallel_loop3A_190 = arith.mulf %parallel_loop3A_189, %parallel_loop3A_187 : vector<16xf32>
      %parallel_loop3A_191 = arith.addf %parallel_loop3A_182, %parallel_loop3A_190 : vector<16xf32>
      %parallel_loop3A_192 = arith.index_cast %parallel_loop3A_34 : i32 to index
      %parallel_loop3A_193 = arith.constant 128 : index
      %parallel_loop3A_194 = tpu.vector_load %arg7[%parallel_loop3A_192, %parallel_loop3A_193] {strides = array<i32>} : memref<128x256xf32, #tpu.memory_space<vmem>>, vector<1x16xf32>,
      %parallel_loop3A_195 = vector.shape_cast %parallel_loop3A_194 : vector<1x16xf32> to vector<16xf32>
      %parallel_loop3A_196 = vector.shape_cast %parallel_loop3A_191 : vector<16xf32> to vector<1x16xf32>
      tpu.vector_store %arg7[%parallel_loop3A_192, %parallel_loop3A_193], %parallel_loop3A_196 {strides = array<i32>} : memref<128x256xf32, #tpu.memory_space<vmem>>, vector<1x16xf32>,
      %parallel_loop3A_197 = arith.index_cast %parallel_loop3A_34 : i32 to index
      %parallel_loop3A_198 = arith.constant 144 : index
      %parallel_loop3A_199 = tpu.vector_load %arg8[%parallel_loop3A_197, %parallel_loop3A_198] {strides = array<i32>} : memref<128x256xf32, #tpu.memory_space<vmem>>, vector<1x16xf32>,
      %parallel_loop3A_200 = vector.shape_cast %parallel_loop3A_199 : vector<1x16xf32> to vector<16xf32>
      %parallel_loop3A_201 = arith.index_cast %parallel_loop3A_34 : i32 to index
      %parallel_loop3A_202 = arith.constant 144 : index
      %parallel_loop3A_203 = tpu.vector_load %arg7[%parallel_loop3A_201, %parallel_loop3A_202] {strides = array<i32>} : memref<128x256xf32, #tpu.memory_space<vmem>>, vector<1x16xf32>,
      %parallel_loop3A_204 = vector.shape_cast %parallel_loop3A_203 : vector<1x16xf32> to vector<16xf32>
      %parallel_loop3A_205 = arith.subf %parallel_loop3A_204, %parallel_loop3A_200 : vector<16xf32>
      %parallel_loop3A_206 = arith.constant 1.000000e-01 : f32
      %parallel_loop3A_207 = vector.broadcast %parallel_loop3A_206 : f32 to vector<16xf32>
      %parallel_loop3A_208 = arith.mulf %parallel_loop3A_207, %parallel_loop3A_205 : vector<16xf32>
      %parallel_loop3A_209 = arith.addf %parallel_loop3A_200, %parallel_loop3A_208 : vector<16xf32>
      %parallel_loop3A_210 = arith.index_cast %parallel_loop3A_34 : i32 to index
      %parallel_loop3A_211 = arith.constant 144 : index
      %parallel_loop3A_212 = tpu.vector_load %arg7[%parallel_loop3A_210, %parallel_loop3A_211] {strides = array<i32>} : memref<128x256xf32, #tpu.memory_space<vmem>>, vector<1x16xf32>,
      %parallel_loop3A_213 = vector.shape_cast %parallel_loop3A_212 : vector<1x16xf32> to vector<16xf32>
      %parallel_loop3A_214 = vector.shape_cast %parallel_loop3A_209 : vector<16xf32> to vector<1x16xf32>
      tpu.vector_store %arg7[%parallel_loop3A_210, %parallel_loop3A_211], %parallel_loop3A_214 {strides = array<i32>} : memref<128x256xf32, #tpu.memory_space<vmem>>, vector<1x16xf32>,
      %parallel_loop3A_215 = arith.index_cast %parallel_loop3A_34 : i32 to index
      %parallel_loop3A_216 = arith.constant 160 : index
      %parallel_loop3A_217 = tpu.vector_load %arg8[%parallel_loop3A_215, %parallel_loop3A_216] {strides = array<i32>} : memref<128x256xf32, #tpu.memory_space<vmem>>, vector<1x16xf32>,
      %parallel_loop3A_218 = vector.shape_cast %parallel_loop3A_217 : vector<1x16xf32> to vector<16xf32>
      %parallel_loop3A_219 = arith.index_cast %parallel_loop3A_34 : i32 to index
      %parallel_loop3A_220 = arith.constant 160 : index
      %parallel_loop3A_221 = tpu.vector_load %arg7[%parallel_loop3A_219, %parallel_loop3A_220] {strides = array<i32>} : memref<128x256xf32, #tpu.memory_space<vmem>>, vector<1x16xf32>,
      %parallel_loop3A_222 = vector.shape_cast %parallel_loop3A_221 : vector<1x16xf32> to vector<16xf32>
      %parallel_loop3A_223 = arith.subf %parallel_loop3A_222, %parallel_loop3A_218 : vector<16xf32>
      %parallel_loop3A_224 = arith.constant 1.000000e-01 : f32
      %parallel_loop3A_225 = vector.broadcast %parallel_loop3A_224 : f32 to vector<16xf32>
      %parallel_loop3A_226 = arith.mulf %parallel_loop3A_225, %parallel_loop3A_223 : vector<16xf32>
      %parallel_loop3A_227 = arith.addf %parallel_loop3A_218, %parallel_loop3A_226 : vector<16xf32>
      %parallel_loop3A_228 = arith.index_cast %parallel_loop3A_34 : i32 to index
      %parallel_loop3A_229 = arith.constant 160 : index
      %parallel_loop3A_230 = tpu.vector_load %arg7[%parallel_loop3A_228, %parallel_loop3A_229] {strides = array<i32>} : memref<128x256xf32, #tpu.memory_space<vmem>>, vector<1x16xf32>,
      %parallel_loop3A_231 = vector.shape_cast %parallel_loop3A_230 : vector<1x16xf32> to vector<16xf32>
      %parallel_loop3A_232 = vector.shape_cast %parallel_loop3A_227 : vector<16xf32> to vector<1x16xf32>
      tpu.vector_store %arg7[%parallel_loop3A_228, %parallel_loop3A_229], %parallel_loop3A_232 {strides = array<i32>} : memref<128x256xf32, #tpu.memory_space<vmem>>, vector<1x16xf32>,
      %parallel_loop3A_233 = arith.index_cast %parallel_loop3A_34 : i32 to index
      %parallel_loop3A_234 = arith.constant 176 : index
      %parallel_loop3A_235 = tpu.vector_load %arg8[%parallel_loop3A_233, %parallel_loop3A_234] {strides = array<i32>} : memref<128x256xf32, #tpu.memory_space<vmem>>, vector<1x16xf32>,
      %parallel_loop3A_236 = vector.shape_cast %parallel_loop3A_235 : vector<1x16xf32> to vector<16xf32>
      %parallel_loop3A_237 = arith.index_cast %parallel_loop3A_34 : i32 to index
      %parallel_loop3A_238 = arith.constant 176 : index
      %parallel_loop3A_239 = tpu.vector_load %arg7[%parallel_loop3A_237, %parallel_loop3A_238] {strides = array<i32>} : memref<128x256xf32, #tpu.memory_space<vmem>>, vector<1x16xf32>,
      %parallel_loop3A_240 = vector.shape_cast %parallel_loop3A_239 : vector<1x16xf32> to vector<16xf32>
      %parallel_loop3A_241 = arith.subf %parallel_loop3A_240, %parallel_loop3A_236 : vector<16xf32>
      %parallel_loop3A_242 = arith.constant 1.000000e-01 : f32
      %parallel_loop3A_243 = vector.broadcast %parallel_loop3A_242 : f32 to vector<16xf32>
      %parallel_loop3A_244 = arith.mulf %parallel_loop3A_243, %parallel_loop3A_241 : vector<16xf32>
      %parallel_loop3A_245 = arith.addf %parallel_loop3A_236, %parallel_loop3A_244 : vector<16xf32>
      %parallel_loop3A_246 = arith.index_cast %parallel_loop3A_34 : i32 to index
      %parallel_loop3A_247 = arith.constant 176 : index
      %parallel_loop3A_248 = tpu.vector_load %arg7[%parallel_loop3A_246, %parallel_loop3A_247] {strides = array<i32>} : memref<128x256xf32, #tpu.memory_space<vmem>>, vector<1x16xf32>,
      %parallel_loop3A_249 = vector.shape_cast %parallel_loop3A_248 : vector<1x16xf32> to vector<16xf32>
      %parallel_loop3A_250 = vector.shape_cast %parallel_loop3A_245 : vector<16xf32> to vector<1x16xf32>
      tpu.vector_store %arg7[%parallel_loop3A_246, %parallel_loop3A_247], %parallel_loop3A_250 {strides = array<i32>} : memref<128x256xf32, #tpu.memory_space<vmem>>, vector<1x16xf32>,
      %parallel_loop3A_251 = arith.index_cast %parallel_loop3A_34 : i32 to index
      %parallel_loop3A_252 = arith.constant 192 : index
      %parallel_loop3A_253 = tpu.vector_load %arg8[%parallel_loop3A_251, %parallel_loop3A_252] {strides = array<i32>} : memref<128x256xf32, #tpu.memory_space<vmem>>, vector<1x16xf32>,
      %parallel_loop3A_254 = vector.shape_cast %parallel_loop3A_253 : vector<1x16xf32> to vector<16xf32>
      %parallel_loop3A_255 = arith.index_cast %parallel_loop3A_34 : i32 to index
      %parallel_loop3A_256 = arith.constant 192 : index
      %parallel_loop3A_257 = tpu.vector_load %arg7[%parallel_loop3A_255, %parallel_loop3A_256] {strides = array<i32>} : memref<128x256xf32, #tpu.memory_space<vmem>>, vector<1x16xf32>,
      %parallel_loop3A_258 = vector.shape_cast %parallel_loop3A_257 : vector<1x16xf32> to vector<16xf32>
      %parallel_loop3A_259 = arith.subf %parallel_loop3A_258, %parallel_loop3A_254 : vector<16xf32>
      %parallel_loop3A_260 = arith.constant 1.000000e-01 : f32
      %parallel_loop3A_261 = vector.broadcast %parallel_loop3A_260 : f32 to vector<16xf32>
      %parallel_loop3A_262 = arith.mulf %parallel_loop3A_261, %parallel_loop3A_259 : vector<16xf32>
      %parallel_loop3A_263 = arith.addf %parallel_loop3A_254, %parallel_loop3A_262 : vector<16xf32>
      %parallel_loop3A_264 = arith.index_cast %parallel_loop3A_34 : i32 to index
      %parallel_loop3A_265 = arith.constant 192 : index
      %parallel_loop3A_266 = tpu.vector_load %arg7[%parallel_loop3A_264, %parallel_loop3A_265] {strides = array<i32>} : memref<128x256xf32, #tpu.memory_space<vmem>>, vector<1x16xf32>,
      %parallel_loop3A_267 = vector.shape_cast %parallel_loop3A_266 : vector<1x16xf32> to vector<16xf32>
      %parallel_loop3A_268 = vector.shape_cast %parallel_loop3A_263 : vector<16xf32> to vector<1x16xf32>
      tpu.vector_store %arg7[%parallel_loop3A_264, %parallel_loop3A_265], %parallel_loop3A_268 {strides = array<i32>} : memref<128x256xf32, #tpu.memory_space<vmem>>, vector<1x16xf32>,
      %parallel_loop3A_269 = arith.index_cast %parallel_loop3A_34 : i32 to index
      %parallel_loop3A_270 = arith.constant 208 : index
      %parallel_loop3A_271 = tpu.vector_load %arg8[%parallel_loop3A_269, %parallel_loop3A_270] {strides = array<i32>} : memref<128x256xf32, #tpu.memory_space<vmem>>, vector<1x16xf32>,
      %parallel_loop3A_272 = vector.shape_cast %parallel_loop3A_271 : vector<1x16xf32> to vector<16xf32>
      %parallel_loop3A_273 = arith.index_cast %parallel_loop3A_34 : i32 to index
      %parallel_loop3A_274 = arith.constant 208 : index
      %parallel_loop3A_275 = tpu.vector_load %arg7[%parallel_loop3A_273, %parallel_loop3A_274] {strides = array<i32>} : memref<128x256xf32, #tpu.memory_space<vmem>>, vector<1x16xf32>,
      %parallel_loop3A_276 = vector.shape_cast %parallel_loop3A_275 : vector<1x16xf32> to vector<16xf32>
      %parallel_loop3A_277 = arith.subf %parallel_loop3A_276, %parallel_loop3A_272 : vector<16xf32>
      %parallel_loop3A_278 = arith.constant 1.000000e-01 : f32
      %parallel_loop3A_279 = vector.broadcast %parallel_loop3A_278 : f32 to vector<16xf32>
      %parallel_loop3A_280 = arith.mulf %parallel_loop3A_279, %parallel_loop3A_277 : vector<16xf32>
      %parallel_loop3A_281 = arith.addf %parallel_loop3A_272, %parallel_loop3A_280 : vector<16xf32>
      %parallel_loop3A_282 = arith.index_cast %parallel_loop3A_34 : i32 to index
      %parallel_loop3A_283 = arith.constant 208 : index
      %parallel_loop3A_284 = tpu.vector_load %arg7[%parallel_loop3A_282, %parallel_loop3A_283] {strides = array<i32>} : memref<128x256xf32, #tpu.memory_space<vmem>>, vector<1x16xf32>,
      %parallel_loop3A_285 = vector.shape_cast %parallel_loop3A_284 : vector<1x16xf32> to vector<16xf32>
      %parallel_loop3A_286 = vector.shape_cast %parallel_loop3A_281 : vector<16xf32> to vector<1x16xf32>
      tpu.vector_store %arg7[%parallel_loop3A_282, %parallel_loop3A_283], %parallel_loop3A_286 {strides = array<i32>} : memref<128x256xf32, #tpu.memory_space<vmem>>, vector<1x16xf32>,
      %parallel_loop3A_287 = arith.index_cast %parallel_loop3A_34 : i32 to index
      %parallel_loop3A_288 = arith.constant 224 : index
      %parallel_loop3A_289 = tpu.vector_load %arg8[%parallel_loop3A_287, %parallel_loop3A_288] {strides = array<i32>} : memref<128x256xf32, #tpu.memory_space<vmem>>, vector<1x16xf32>,
      %parallel_loop3A_290 = vector.shape_cast %parallel_loop3A_289 : vector<1x16xf32> to vector<16xf32>
      %parallel_loop3A_291 = arith.index_cast %parallel_loop3A_34 : i32 to index
      %parallel_loop3A_292 = arith.constant 224 : index
      %parallel_loop3A_293 = tpu.vector_load %arg7[%parallel_loop3A_291, %parallel_loop3A_292] {strides = array<i32>} : memref<128x256xf32, #tpu.memory_space<vmem>>, vector<1x16xf32>,
      %parallel_loop3A_294 = vector.shape_cast %parallel_loop3A_293 : vector<1x16xf32> to vector<16xf32>
      %parallel_loop3A_295 = arith.subf %parallel_loop3A_294, %parallel_loop3A_290 : vector<16xf32>
      %parallel_loop3A_296 = arith.constant 1.000000e-01 : f32
      %parallel_loop3A_297 = vector.broadcast %parallel_loop3A_296 : f32 to vector<16xf32>
      %parallel_loop3A_298 = arith.mulf %parallel_loop3A_297, %parallel_loop3A_295 : vector<16xf32>
      %parallel_loop3A_299 = arith.addf %parallel_loop3A_290, %parallel_loop3A_298 : vector<16xf32>
      %parallel_loop3A_300 = arith.index_cast %parallel_loop3A_34 : i32 to index
      %parallel_loop3A_301 = arith.constant 224 : index
      %parallel_loop3A_302 = tpu.vector_load %arg7[%parallel_loop3A_300, %parallel_loop3A_301] {strides = array<i32>} : memref<128x256xf32, #tpu.memory_space<vmem>>, vector<1x16xf32>,
      %parallel_loop3A_303 = vector.shape_cast %parallel_loop3A_302 : vector<1x16xf32> to vector<16xf32>
      %parallel_loop3A_304 = vector.shape_cast %parallel_loop3A_299 : vector<16xf32> to vector<1x16xf32>
      tpu.vector_store %arg7[%parallel_loop3A_300, %parallel_loop3A_301], %parallel_loop3A_304 {strides = array<i32>} : memref<128x256xf32, #tpu.memory_space<vmem>>, vector<1x16xf32>,
      %parallel_loop3A_305 = arith.index_cast %parallel_loop3A_34 : i32 to index
      %parallel_loop3A_306 = arith.constant 240 : index
      %parallel_loop3A_307 = tpu.vector_load %arg8[%parallel_loop3A_305, %parallel_loop3A_306] {strides = array<i32>} : memref<128x256xf32, #tpu.memory_space<vmem>>, vector<1x16xf32>,
      %parallel_loop3A_308 = vector.shape_cast %parallel_loop3A_307 : vector<1x16xf32> to vector<16xf32>
      %parallel_loop3A_309 = arith.index_cast %parallel_loop3A_34 : i32 to index
      %parallel_loop3A_310 = arith.constant 240 : index
      %parallel_loop3A_311 = tpu.vector_load %arg7[%parallel_loop3A_309, %parallel_loop3A_310] {strides = array<i32>} : memref<128x256xf32, #tpu.memory_space<vmem>>, vector<1x16xf32>,
      %parallel_loop3A_312 = vector.shape_cast %parallel_loop3A_311 : vector<1x16xf32> to vector<16xf32>
      %parallel_loop3A_313 = arith.subf %parallel_loop3A_312, %parallel_loop3A_308 : vector<16xf32>
      %parallel_loop3A_314 = arith.constant 1.000000e-01 : f32
      %parallel_loop3A_315 = vector.broadcast %parallel_loop3A_314 : f32 to vector<16xf32>
      %parallel_loop3A_316 = arith.mulf %parallel_loop3A_315, %parallel_loop3A_313 : vector<16xf32>
      %parallel_loop3A_317 = arith.addf %parallel_loop3A_308, %parallel_loop3A_316 : vector<16xf32>
      %parallel_loop3A_318 = arith.index_cast %parallel_loop3A_34 : i32 to index
      %parallel_loop3A_319 = arith.constant 240 : index
      %parallel_loop3A_320 = tpu.vector_load %arg7[%parallel_loop3A_318, %parallel_loop3A_319] {strides = array<i32>} : memref<128x256xf32, #tpu.memory_space<vmem>>, vector<1x16xf32>,
      %parallel_loop3A_321 = vector.shape_cast %parallel_loop3A_320 : vector<1x16xf32> to vector<16xf32>
      %parallel_loop3A_322 = vector.shape_cast %parallel_loop3A_317 : vector<16xf32> to vector<1x16xf32>
      tpu.vector_store %arg7[%parallel_loop3A_318, %parallel_loop3A_319], %parallel_loop3A_322 {strides = array<i32>} : memref<128x256xf32, #tpu.memory_space<vmem>>, vector<1x16xf32>,
    } {sc.loop_unroll_factor = 4 : i64, sc.parallel_access}
    %add3A_32 = arith.constant 128 : i32
    %add3A_33 = arith.addi %mul3A_2, %add3A_32 : i32
    "tpu.region"() ({
      %run_scoped3A = tpu.sem_alloc : memref<!tpu.dma_semaphore, #tpu.memory_space<semaphore_mem>>
      %dma_start3A_34 = arith.constant 0 : i32
      %dma_start3A_35 = tpu.memref_slice %arg5[%add3A_33, %dma_start3A_34] : memref<8192x256xf32, #tpu.memory_space<hbm>> -> memref<128x256xf32, #tpu.memory_space<hbm>>
      %dma_start3A_36 = arith.constant 0 : i32
      %dma_start3A_37 = tpu.memref_slice %arg5[%add3A_33, %dma_start3A_36] : memref<8192x256xf32, #tpu.memory_space<hbm>> -> memref<128x256xf32, #tpu.memory_space<hbm>>
      tpu.enqueue_dma source(%arg7 : memref<128x256xf32, #tpu.memory_space<vmem>>) target(%dma_start3A_37 : memref<128x256xf32, #tpu.memory_space<hbm>>) target_semaphore(%run_scoped3A : memref<!tpu.dma_semaphore, #tpu.memory_space<semaphore_mem>>)
      %dma_wait3A_38 = arith.constant 0 : i32
      %dma_wait3A_39 = tpu.memref_slice %arg5[%add3A_33, %dma_wait3A_38] : memref<8192x256xf32, #tpu.memory_space<hbm>> -> memref<128x256xf32, #tpu.memory_space<hbm>>
      %dma_wait3A_40 = arith.constant 0 : i32
      %dma_wait3A_41 = tpu.memref_slice %arg5[%add3A_33, %dma_wait3A_40] : memref<8192x256xf32, #tpu.memory_space<hbm>> -> memref<128x256xf32, #tpu.memory_space<hbm>>
      tpu.wait_dma2 semaphore(%run_scoped3A : memref<!tpu.dma_semaphore, #tpu.memory_space<semaphore_mem>>) src(%arg7 : memref<128x256xf32, #tpu.memory_space<vmem>>) dst(%dma_wait3A_41 : memref<128x256xf32, #tpu.memory_space<hbm>>)
      tpu.yield
    }) : () -> ()
    return
  }
}

module attributes {stable_mosaic.version = 14 : i64} {
  func.func @_pass1_body(%arg0: i32, %arg1: memref<512x256xf32, #tpu.memory_space<vmem>>, %arg2: memref<1024x256xf32, #tpu.memory_space<vmem>>, %arg3: memref<512x1xf32, #tpu.memory_space<vmem>>, %arg4: memref<512x1xf32, #tpu.memory_space<vmem>>, %arg5: memref<1x1024xf32, #tpu.memory_space<vmem>>, %arg6: memref<512x1024xf32, #tpu.memory_space<vmem>>, %arg7: memref<512x1xi32, #tpu.memory_space<vmem>>, %arg8: memref<8x1024xf32, #tpu.memory_space<vmem>>, %arg9: memref<8x128xf32, #tpu.memory_space<vmem>>) attributes {dimension_semantics = [#tpu.dimension_semantics<arbitrary>], iteration_bounds = array<i64: 16>, scalar_prefetch = 0 : i64, scratch_operands = 0 : i64, tpu.core_type = #tpu.core_type<tc>, window_params = [{transform_indices = @transform_0, window_bounds = array<i64: 512, 256>}, {pipeline_mode = #tpu.pipeline_mode<synchronous>, transform_indices = @transform_1, window_bounds = array<i64: 1024, 256>}, {pipeline_mode = #tpu.pipeline_mode<synchronous>, transform_indices = @transform_2, window_bounds = array<i64: 512, 1>}, {transform_indices = @transform_3, window_bounds = array<i64: 512, 1>}, {pipeline_mode = #tpu.pipeline_mode<synchronous>, transform_indices = @transform_4, window_bounds = array<i64: 1, 1024>}, {transform_indices = @transform_5, window_bounds = array<i64: 512, 1024>}, {transform_indices = @transform_6, window_bounds = array<i64: 512, 1>}, {pipeline_mode = #tpu.pipeline_mode<synchronous>, transform_indices = @transform_7, window_bounds = array<i64: 8, 1024>}, {pipeline_mode = #tpu.pipeline_mode<synchronous>, transform_indices = @transform_8, window_bounds = array<i64: 8, 128>}]} {
    %get3A = arith.constant 0 : index
    %get3A_0 = arith.constant 0 : index
    %get3A_1 = vector.load %arg1[%get3A, %get3A_0] : memref<512x256xf32, #tpu.memory_space<vmem>>, vector<512x256xf32>
    %get3A_2 = arith.constant 0 : index
    %get3A_3 = arith.constant 0 : index
    %get3A_4 = vector.load %arg2[%get3A_2, %get3A_3] : memref<1024x256xf32, #tpu.memory_space<vmem>>, vector<1024x256xf32>
    %eq3A = arith.constant 0 : i32
    %eq3A_5 = arith.cmpi eq, %arg0, %eq3A : i32
    %convert_element_type3A = arith.extui %eq3A_5 : i1 to i32
    %cond3A = arith.constant 0 : i32
    %cond3A_6 = arith.cmpi ne, %convert_element_type3A, %cond3A : i32
    scf.if %cond3A_6 {
      %broadcast_in_dim3A_146 = arith.constant 0.000000e+00 : f32
      %broadcast_in_dim3A_147 = vector.broadcast %broadcast_in_dim3A_146 : f32 to vector<8x1024xf32>
      %swap3A_148 = arith.constant 0 : index
      %swap3A_149 = arith.constant 0 : index
      %swap3A_150 = vector.load %arg8[%swap3A_148, %swap3A_149] : memref<8x1024xf32, #tpu.memory_space<vmem>>, vector<8x1024xf32>
      tpu.vector_store %arg8[%swap3A_148, %swap3A_149], %broadcast_in_dim3A_147 {strides = array<i32>} : memref<8x1024xf32, #tpu.memory_space<vmem>>, vector<8x1024xf32>,
      %broadcast_in_dim3A_151 = arith.constant 0.000000e+00 : f32
      %broadcast_in_dim3A_152 = vector.broadcast %broadcast_in_dim3A_151 : f32 to vector<8x128xf32>
      %swap3A_153 = arith.constant 0 : index
      %swap3A_154 = arith.constant 0 : index
      %swap3A_155 = vector.load %arg9[%swap3A_153, %swap3A_154] : memref<8x128xf32, #tpu.memory_space<vmem>>, vector<8x128xf32>
      tpu.vector_store %arg9[%swap3A_153, %swap3A_154], %broadcast_in_dim3A_152 {strides = array<i32>} : memref<8x128xf32, #tpu.memory_space<vmem>>, vector<8x128xf32>,
      %mul3A_156 = arith.mulf %get3A_4, %get3A_4 : vector<1024x256xf32>
      %reduce_sum3A_157 = arith.constant dense<0.000000e+00> : vector<1024xf32>
      %reduce_sum3A_158 = vector.multi_reduction <add>, %mul3A_156, %reduce_sum3A_157 [1] : vector<1024x256xf32> to vector<1024xf32>
      %broadcast_in_dim3A_159 = vector.shape_cast %reduce_sum3A_158 : vector<1024xf32> to vector<1024x1xf32>
      %dot_general3A_160 = arith.constant dense<0.000000e+00> : vector<1024x1024xf32>
      %dot_general3A_161 = tpu.matmul %get3A_4, %get3A_4, %dot_general3A_160 {dimension_numbers = #tpu.dot_dimension_numbers<[1], [1], [0], [0], [0, 0, 1, 0], [], []>, transpose_lhs_hint = false} : vector<1024x256xf32>, vector<1024x256xf32>, vector<1024x1024xf32> -> vector<1024x1024xf32>
      %get3A_162 = arith.constant 0 : index
      %get3A_163 = arith.constant 0 : index
      %get3A_164 = vector.load %arg5[%get3A_162, %get3A_163] : memref<1x1024xf32, #tpu.memory_space<vmem>>, vector<1x1024xf32>
      %add3A_165 = vector.broadcast %broadcast_in_dim3A_159 : vector<1024x1xf32> to vector<1024x1024xf32>
      %add3A_166 = vector.broadcast %get3A_164 : vector<1x1024xf32> to vector<1024x1024xf32>
      %add3A_167 = arith.addf %add3A_165, %add3A_166 : vector<1024x1024xf32>
      %mul3A_168 = arith.constant 2.000000e+00 : f32
      %mul3A_169 = vector.broadcast %mul3A_168 : f32 to vector<1024x1024xf32>
      %mul3A_170 = arith.mulf %mul3A_169, %dot_general3A_161 : vector<1024x1024xf32>
      %sub3A_171 = arith.subf %add3A_167, %mul3A_170 : vector<1024x1024xf32>
      %max3A_172 = arith.constant 0.000000e+00 : f32
      %max3A_173 = vector.broadcast %max3A_172 : f32 to vector<1024x1024xf32>
      %max3A_174 = arith.maximumf %sub3A_171, %max3A_173 : vector<1024x1024xf32>
      %sqrt3A_175 = math.sqrt %max3A_174 : vector<1024x1024xf32>
      %reduce_sum3A_176 = vector.shape_cast %sqrt3A_175 : vector<1024x1024xf32> to vector<1x1024x1024xf32>
      %reduce_sum3A_177 = arith.constant dense<0.000000e+00> : vector<1xf32>
      %reduce_sum3A_178 = vector.multi_reduction <add>, %reduce_sum3A_176, %reduce_sum3A_177 [1, 2] : vector<1x1024x1024xf32> to vector<1xf32>
      %reduce_sum3A_179 = vector.shape_cast %reduce_sum3A_178 : vector<1xf32> to vector<1x1x1xf32>
      %reduce_sum3A_180 = vector.extract %reduce_sum3A_179[0, 0, 0] : f32 from vector<1x1x1xf32>
      %broadcast_in_dim3A_181 = vector.broadcast %reduce_sum3A_180 : f32 to vector<1x1xf32>
      %neg3A = arith.constant 0.000000e+00 : f32
      %neg3A_182 = vector.broadcast %neg3A : f32 to vector<1x1xf32>
      %neg3A_183 = arith.subf %neg3A_182, %broadcast_in_dim3A_181 : vector<1x1xf32>
      %div3A_184 = arith.constant 0x49800000 : f32
      %div3A_185 = vector.broadcast %div3A_184 : f32 to vector<1x1xf32>
      %div3A_186 = arith.divf %neg3A_183, %div3A_185 : vector<1x1xf32>
      %swap3A_187 = arith.constant 0 : index
      %swap3A_188 = arith.constant 2 : index
      %swap3A_189 = vector.load %arg9[%swap3A_187, %swap3A_188] : memref<8x128xf32, #tpu.memory_space<vmem>>, vector<1x1xf32>
      tpu.vector_store %arg9[%swap3A_187, %swap3A_188], %div3A_186 {strides = array<i32>} : memref<8x128xf32, #tpu.memory_space<vmem>>, vector<1x1xf32>,
    } else {
    }
    %get3A_7 = arith.constant 0 : index
    %get3A_8 = arith.constant 0 : index
    %get3A_9 = vector.load %arg3[%get3A_7, %get3A_8] : memref<512x1xf32, #tpu.memory_space<vmem>>, vector<512x1xf32>
    %mul3A = vector.broadcast %get3A_9 : vector<512x1xf32> to vector<512x256xf32>
    %mul3A_10 = arith.mulf %get3A_1, %mul3A : vector<512x256xf32>
    %get3A_11 = arith.constant 0 : index
    %get3A_12 = arith.constant 0 : index
    %get3A_13 = vector.load %arg4[%get3A_11, %get3A_12] : memref<512x1xf32, #tpu.memory_space<vmem>>, vector<512x1xf32>
    %get3A_14 = arith.constant 0 : index
    %get3A_15 = arith.constant 0 : index
    %get3A_16 = vector.load %arg5[%get3A_14, %get3A_15] : memref<1x1024xf32, #tpu.memory_space<vmem>>, vector<1x1024xf32>
    %dot_general3A = arith.constant dense<0.000000e+00> : vector<512x1024xf32>
    %dot_general3A_17 = tpu.matmul %mul3A_10, %get3A_4, %dot_general3A {dimension_numbers = #tpu.dot_dimension_numbers<[1], [1], [0], [0], [0, 0, 1, 0], [], []>, transpose_lhs_hint = false} : vector<512x256xf32>, vector<1024x256xf32>, vector<512x1024xf32> -> vector<512x1024xf32>
    %add3A = vector.broadcast %get3A_13 : vector<512x1xf32> to vector<512x1024xf32>
    %add3A_18 = vector.broadcast %get3A_16 : vector<1x1024xf32> to vector<512x1024xf32>
    %add3A_19 = arith.addf %add3A, %add3A_18 : vector<512x1024xf32>
    %mul3A_20 = arith.constant 2.000000e+00 : f32
    %mul3A_21 = vector.broadcast %mul3A_20 : f32 to vector<512x1024xf32>
    %mul3A_22 = arith.mulf %mul3A_21, %dot_general3A_17 : vector<512x1024xf32>
    %sub3A = arith.subf %add3A_19, %mul3A_22 : vector<512x1024xf32>
    %max3A = arith.constant 0.000000e+00 : f32
    %max3A_23 = vector.broadcast %max3A : f32 to vector<512x1024xf32>
    %max3A_24 = arith.maximumf %sub3A, %max3A_23 : vector<512x1024xf32>
    %sqrt3A = math.sqrt %max3A_24 : vector<512x1024xf32>
    %add3A_25 = arith.constant 1.000000e+00 : f32
    %add3A_26 = vector.broadcast %add3A_25 : f32 to vector<512x1024xf32>
    %add3A_27 = arith.addf %add3A_26, %sqrt3A : vector<512x1024xf32>
    %div3A = arith.constant 1.000000e+00 : f32
    %div3A_28 = vector.broadcast %div3A : f32 to vector<512x1024xf32>
    %div3A_29 = arith.divf %div3A_28, %add3A_27 : vector<512x1024xf32>
    %reduce_sum3A = arith.constant dense<0.000000e+00> : vector<512xf32>
    %reduce_sum3A_30 = vector.multi_reduction <add>, %div3A_29, %reduce_sum3A [1] : vector<512x1024xf32> to vector<512xf32>
    %broadcast_in_dim3A = vector.shape_cast %reduce_sum3A_30 : vector<512xf32> to vector<512x1xf32>
    %div3A_31 = arith.constant 1.000000e+00 : f32
    %div3A_32 = vector.broadcast %div3A_31 : f32 to vector<512x1xf32>
    %div3A_33 = arith.divf %div3A_32, %broadcast_in_dim3A : vector<512x1xf32>
    %mul3A_34 = vector.broadcast %div3A_33 : vector<512x1xf32> to vector<512x1024xf32>
    %mul3A_35 = arith.mulf %div3A_29, %mul3A_34 : vector<512x1024xf32>
    %swap3A = arith.constant 0 : index
    %swap3A_36 = arith.constant 0 : index
    %swap3A_37 = vector.load %arg6[%swap3A, %swap3A_36] : memref<512x1024xf32, #tpu.memory_space<vmem>>, vector<512x1024xf32>
    tpu.vector_store %arg6[%swap3A, %swap3A_36], %mul3A_35 {strides = array<i32>} : memref<512x1024xf32, #tpu.memory_space<vmem>>, vector<512x1024xf32>,
    %get3A_38 = arith.constant 0 : index
    %get3A_39 = arith.constant 0 : index
    %get3A_40 = vector.load %arg8[%get3A_38, %get3A_39] : memref<8x1024xf32, #tpu.memory_space<vmem>>, vector<1x1024xf32>
    %mul3A_41 = arith.mulf %mul3A_35, %mul3A_35 : vector<512x1024xf32>
    %reduce_sum3A_42 = arith.constant dense<0.000000e+00> : vector<1024xf32>
    %reduce_sum3A_43 = vector.multi_reduction <add>, %mul3A_41, %reduce_sum3A_42 [0] : vector<512x1024xf32> to vector<1024xf32>
    %broadcast_in_dim3A_44 = vector.shape_cast %reduce_sum3A_43 : vector<1024xf32> to vector<1x1024xf32>
    %add3A_45 = arith.addf %get3A_40, %broadcast_in_dim3A_44 : vector<1x1024xf32>
    %swap3A_46 = arith.constant 0 : index
    %swap3A_47 = arith.constant 0 : index
    %swap3A_48 = vector.load %arg8[%swap3A_46, %swap3A_47] : memref<8x1024xf32, #tpu.memory_space<vmem>>, vector<1x1024xf32>
    tpu.vector_store %arg8[%swap3A_46, %swap3A_47], %add3A_45 {strides = array<i32>} : memref<8x1024xf32, #tpu.memory_space<vmem>>, vector<1x1024xf32>,
    %reduce_min3A = arith.constant dense<0x7F800000> : vector<512xf32>
    %reduce_min3A_49 = vector.multi_reduction <minimumf>, %sqrt3A, %reduce_min3A [1] : vector<512x1024xf32> to vector<512xf32>
    %broadcast_in_dim3A_50 = vector.shape_cast %reduce_min3A_49 : vector<512xf32> to vector<512x1xf32>
    %iota3A = tpu.iota {dimensions = array<i32: 1>} : vector<512x1024xi32>
    %eq3A_51 = vector.broadcast %broadcast_in_dim3A_50 : vector<512x1xf32> to vector<512x1024xf32>
    %eq3A_52 = arith.cmpf oeq, %sqrt3A, %eq3A_51 : vector<512x1024xf32>
    %jit3A = arith.constant 1024 : i32
    %broadcast_in_dim3A_53 = vector.broadcast %jit3A : i32 to vector<512x1024xi32>
    %select_n3A = arith.select %eq3A_52, %iota3A, %broadcast_in_dim3A_53 : vector<512x1024xi1>, vector<512x1024xi32>
    %reduce_min3A_54 = arith.constant dense<2147483647> : vector<512xi32>
    %reduce_min3A_55 = vector.multi_reduction <minsi>, %select_n3A, %reduce_min3A_54 [1] : vector<512x1024xi32> to vector<512xi32>
    %broadcast_in_dim3A_56 = vector.shape_cast %reduce_min3A_55 : vector<512xi32> to vector<512x1xi32>
    %swap3A_57 = arith.constant 0 : index
    %swap3A_58 = arith.constant 0 : index
    %swap3A_59 = vector.load %arg7[%swap3A_57, %swap3A_58] : memref<512x1xi32, #tpu.memory_space<vmem>>, vector<512x1xi32>
    tpu.vector_store %arg7[%swap3A_57, %swap3A_58], %broadcast_in_dim3A_56 {strides = array<i32>} : memref<512x1xi32, #tpu.memory_space<vmem>>, vector<512x1xi32>,
    %slice3A = vector.extract_strided_slice %get3A_1 {offsets = [1, 0], sizes = [511, 256], strides = [1, 1]} : vector<512x256xf32> to vector<511x256xf32>
    %slice3A_60 = vector.extract_strided_slice %get3A_1 {offsets = [0, 0], sizes = [511, 256], strides = [1, 1]} : vector<512x256xf32> to vector<511x256xf32>
    %sub3A_61 = arith.subf %slice3A, %slice3A_60 : vector<511x256xf32>
    %get3A_62 = arith.constant 0 : index
    %get3A_63 = arith.constant 0 : index
    %get3A_64 = vector.load %arg9[%get3A_62, %get3A_63] : memref<8x128xf32, #tpu.memory_space<vmem>>, vector<1x1xf32>
    %mul3A_65 = arith.mulf %sub3A_61, %sub3A_61 : vector<511x256xf32>
    %reduce_sum3A_66 = vector.shape_cast %mul3A_65 : vector<511x256xf32> to vector<1x511x256xf32>
    %reduce_sum3A_67 = arith.constant dense<0.000000e+00> : vector<1xf32>
    %reduce_sum3A_68 = vector.multi_reduction <add>, %reduce_sum3A_66, %reduce_sum3A_67 [1, 2] : vector<1x511x256xf32> to vector<1xf32>
    %reduce_sum3A_69 = vector.shape_cast %reduce_sum3A_68 : vector<1xf32> to vector<1x1x1xf32>
    %reduce_sum3A_70 = vector.extract %reduce_sum3A_69[0, 0, 0] : f32 from vector<1x1x1xf32>
    %broadcast_in_dim3A_71 = vector.broadcast %reduce_sum3A_70 : f32 to vector<1x1xf32>
    %add3A_72 = arith.addf %get3A_64, %broadcast_in_dim3A_71 : vector<1x1xf32>
    %swap3A_73 = arith.constant 0 : index
    %swap3A_74 = arith.constant 0 : index
    %swap3A_75 = vector.load %arg9[%swap3A_73, %swap3A_74] : memref<8x128xf32, #tpu.memory_space<vmem>>, vector<1x1xf32>
    tpu.vector_store %arg9[%swap3A_73, %swap3A_74], %add3A_72 {strides = array<i32>} : memref<8x128xf32, #tpu.memory_space<vmem>>, vector<1x1xf32>,
    %jit3A_76 = arith.constant 32 : i32
    %div3A_77 = vector.broadcast %jit3A_76 : i32 to vector<512x1xi32>
    %div3A_78 = arith.divsi %broadcast_in_dim3A_56, %div3A_77 : vector<512x1xi32>
    %sign3A = arith.constant 0 : i32
    %sign3A_79 = vector.broadcast %sign3A : i32 to vector<512x1xi32>
    %sign3A_80 = arith.cmpi sgt, %broadcast_in_dim3A_56, %sign3A_79 : vector<512x1xi32>
    %sign3A_81 = arith.extui %sign3A_80 : vector<512x1xi1> to vector<512x1xi32>
    %sign3A_82 = arith.constant 0 : i32
    %sign3A_83 = vector.broadcast %sign3A_82 : i32 to vector<512x1xi32>
    %sign3A_84 = arith.cmpi slt, %broadcast_in_dim3A_56, %sign3A_83 : vector<512x1xi32>
    %sign3A_85 = arith.extui %sign3A_84 : vector<512x1xi1> to vector<512x1xi32>
    %sign3A_86 = arith.subi %sign3A_81, %sign3A_85 : vector<512x1xi32>
    %sign3A_87 = arith.constant 0 : i32
    %sign3A_88 = arith.cmpi sgt, %jit3A_76, %sign3A_87 : i32
    %sign3A_89 = arith.extui %sign3A_88 : i1 to i32
    %sign3A_90 = arith.constant 0 : i32
    %sign3A_91 = arith.cmpi slt, %jit3A_76, %sign3A_90 : i32
    %sign3A_92 = arith.extui %sign3A_91 : i1 to i32
    %sign3A_93 = arith.subi %sign3A_89, %sign3A_92 : i32
    %ne3A = vector.broadcast %sign3A_93 : i32 to vector<512x1xi32>
    %ne3A_94 = arith.cmpi ne, %sign3A_86, %ne3A : vector<512x1xi32>
    %rem3A = vector.broadcast %jit3A_76 : i32 to vector<512x1xi32>
    %rem3A_95 = arith.remsi %broadcast_in_dim3A_56, %rem3A : vector<512x1xi32>
    %ne3A_96 = arith.constant 0 : i32
    %ne3A_97 = vector.broadcast %ne3A_96 : i32 to vector<512x1xi32>
    %ne3A_98 = arith.cmpi ne, %rem3A_95, %ne3A_97 : vector<512x1xi32>
    %and3A = arith.andi %ne3A_94, %ne3A_98 : vector<512x1xi1>
    %sub3A_99 = arith.constant 1 : i32
    %sub3A_100 = vector.broadcast %sub3A_99 : i32 to vector<512x1xi32>
    %sub3A_101 = arith.subi %div3A_78, %sub3A_100 : vector<512x1xi32>
    %select_n3A_102 = arith.select %and3A, %sub3A_101, %div3A_78 : vector<512x1xi1>, vector<512x1xi32>
    %jit3A_103 = arith.constant 32 : i32
    %eq3A_104 = arith.constant 0 : i32
    %eq3A_105 = arith.cmpi eq, %jit3A_103, %eq3A_104 : i32
    %jit3A_106 = arith.constant 1 : i32
    %select_n3A_107 = arith.select %eq3A_105, %jit3A_106, %jit3A_103 : i32
    %rem3A_108 = vector.broadcast %select_n3A_107 : i32 to vector<512x1xi32>
    %rem3A_109 = arith.remsi %broadcast_in_dim3A_56, %rem3A_108 : vector<512x1xi32>
    %ne3A_110 = arith.constant 0 : i32
    %ne3A_111 = vector.broadcast %ne3A_110 : i32 to vector<512x1xi32>
    %ne3A_112 = arith.cmpi ne, %rem3A_109, %ne3A_111 : vector<512x1xi32>
    %lt3A = arith.constant 0 : i32
    %lt3A_113 = vector.broadcast %lt3A : i32 to vector<512x1xi32>
    %lt3A_114 = arith.cmpi slt, %rem3A_109, %lt3A_113 : vector<512x1xi32>
    %lt3A_115 = arith.constant 0 : i32
    %lt3A_116 = arith.cmpi slt, %select_n3A_107, %lt3A_115 : i32
    %ne3A_117 = vector.broadcast %lt3A_116 : i1 to vector<512x1xi1>
    %ne3A_118 = vector.broadcast %ne3A_117 : vector<512x1xi1> to vector<512x1xi1>
    %ne3A_119 = arith.xori %lt3A_114, %ne3A_118 : vector<512x1xi1>
    %and3A_120 = arith.andi %ne3A_119, %ne3A_112 : vector<512x1xi1>
    %add3A_121 = vector.broadcast %select_n3A_107 : i32 to vector<512x1xi32>
    %add3A_122 = arith.addi %rem3A_109, %add3A_121 : vector<512x1xi32>
    %select_n3A_123 = arith.select %and3A_120, %add3A_122, %rem3A_109 : vector<512x1xi1>, vector<512x1xi32>
    %slice3A_124 = vector.extract_strided_slice %select_n3A_102 {offsets = [1, 0], sizes = [511, 1], strides = [1, 1]} : vector<512x1xi32> to vector<511x1xi32>
    %slice3A_125 = vector.extract_strided_slice %select_n3A_102 {offsets = [0, 0], sizes = [511, 1], strides = [1, 1]} : vector<512x1xi32> to vector<511x1xi32>
    %sub3A_126 = arith.subi %slice3A_124, %slice3A_125 : vector<511x1xi32>
    %abs3A = math.absi %sub3A_126 : vector<511x1xi32>
    %slice3A_127 = vector.extract_strided_slice %select_n3A_123 {offsets = [1, 0], sizes = [511, 1], strides = [1, 1]} : vector<512x1xi32> to vector<511x1xi32>
    %slice3A_128 = vector.extract_strided_slice %select_n3A_123 {offsets = [0, 0], sizes = [511, 1], strides = [1, 1]} : vector<512x1xi32> to vector<511x1xi32>
    %sub3A_129 = arith.subi %slice3A_127, %slice3A_128 : vector<511x1xi32>
    %abs3A_130 = math.absi %sub3A_129 : vector<511x1xi32>
    %add3A_131 = arith.addi %abs3A, %abs3A_130 : vector<511x1xi32>
    %get3A_132 = arith.constant 0 : index
    %get3A_133 = arith.constant 1 : index
    %get3A_134 = vector.load %arg9[%get3A_132, %get3A_133] : memref<8x128xf32, #tpu.memory_space<vmem>>, vector<1x1xf32>
    %reduce_sum3A_135 = vector.shape_cast %add3A_131 : vector<511x1xi32> to vector<1x511x1xi32>
    %reduce_sum3A_136 = arith.constant dense<0> : vector<1xi32>
    %reduce_sum3A_137 = vector.multi_reduction <add>, %reduce_sum3A_135, %reduce_sum3A_136 [1, 2] : vector<1x511x1xi32> to vector<1xi32>
    %reduce_sum3A_138 = vector.shape_cast %reduce_sum3A_137 : vector<1xi32> to vector<1x1x1xi32>
    %reduce_sum3A_139 = vector.extract %reduce_sum3A_138[0, 0, 0] : i32 from vector<1x1x1xi32>
    %broadcast_in_dim3A_140 = vector.broadcast %reduce_sum3A_139 : i32 to vector<1x1xi32>
    %convert_element_type3A_141 = arith.sitofp %broadcast_in_dim3A_140 : vector<1x1xi32> to vector<1x1xf32>
    %add3A_142 = arith.addf %get3A_134, %convert_element_type3A_141 : vector<1x1xf32>
    %swap3A_143 = arith.constant 0 : index
    %swap3A_144 = arith.constant 1 : index
    %swap3A_145 = vector.load %arg9[%swap3A_143, %swap3A_144] : memref<8x128xf32, #tpu.memory_space<vmem>>, vector<1x1xf32>
    tpu.vector_store %arg9[%swap3A_143, %swap3A_144], %add3A_142 {strides = array<i32>} : memref<8x128xf32, #tpu.memory_space<vmem>>, vector<1x1xf32>,
    return
  }
  func.func @transform_0(%arg0: i32) -> (i32, i32) {
    %c0_i32 = arith.constant 0 : i32
    %c0_i32_0 = arith.constant 0 : i32
    return %arg0, %c0_i32 : i32, i32
  }
  func.func @transform_1(%arg0: i32) -> (i32, i32) {
    %c0_i32 = arith.constant 0 : i32
    %c0_i32_0 = arith.constant 0 : i32
    %c0_i32_1 = arith.constant 0 : i32
    return %c0_i32, %c0_i32_0 : i32, i32
  }
  func.func @transform_2(%arg0: i32) -> (i32, i32) {
    %c0_i32 = arith.constant 0 : i32
    %c0_i32_0 = arith.constant 0 : i32
    %c0_i32_1 = arith.constant 0 : i32
    return %c0_i32, %c0_i32_0 : i32, i32
  }
  func.func @transform_3(%arg0: i32) -> (i32, i32) {
    %c0_i32 = arith.constant 0 : i32
    %c0_i32_0 = arith.constant 0 : i32
    return %arg0, %c0_i32 : i32, i32
  }
  func.func @transform_4(%arg0: i32) -> (i32, i32) {
    %c0_i32 = arith.constant 0 : i32
    %c0_i32_0 = arith.constant 0 : i32
    %c0_i32_1 = arith.constant 0 : i32
    return %c0_i32, %c0_i32_0 : i32, i32
  }
  func.func @transform_5(%arg0: i32) -> (i32, i32) {
    %c0_i32 = arith.constant 0 : i32
    %c0_i32_0 = arith.constant 0 : i32
    return %arg0, %c0_i32 : i32, i32
  }
  func.func @transform_6(%arg0: i32) -> (i32, i32) {
    %c0_i32 = arith.constant 0 : i32
    %c0_i32_0 = arith.constant 0 : i32
    return %arg0, %c0_i32 : i32, i32
  }
  func.func @transform_7(%arg0: i32) -> (i32, i32) {
    %c0_i32 = arith.constant 0 : i32
    %c0_i32_0 = arith.constant 0 : i32
    %c0_i32_1 = arith.constant 0 : i32
    return %c0_i32, %c0_i32_0 : i32, i32
  }
  func.func @transform_8(%arg0: i32) -> (i32, i32) {
    %c0_i32 = arith.constant 0 : i32
    %c0_i32_0 = arith.constant 0 : i32
    %c0_i32_1 = arith.constant 0 : i32
    return %c0_i32, %c0_i32_0 : i32, i32
  }
}

module attributes {stable_mosaic.version = 14 : i64} {
  func.func @_pass2_body(%arg0: i32, %arg1: memref<512x1024xf32, #tpu.memory_space<vmem>>, %arg2: memref<8x1024xf32, #tpu.memory_space<vmem>>, %arg3: memref<8x128xf32, #tpu.memory_space<vmem>>) attributes {dimension_semantics = [#tpu.dimension_semantics<arbitrary>], iteration_bounds = array<i64: 16>, scalar_prefetch = 0 : i64, scratch_operands = 0 : i64, tpu.core_type = #tpu.core_type<tc>, window_params = [{transform_indices = @transform_0, window_bounds = array<i64: 512, 1024>}, {pipeline_mode = #tpu.pipeline_mode<synchronous>, transform_indices = @transform_1, window_bounds = array<i64: 8, 1024>}, {pipeline_mode = #tpu.pipeline_mode<synchronous>, transform_indices = @transform_2, window_bounds = array<i64: 8, 128>}]} {
    %eq3A = arith.constant 0 : i32
    %eq3A_0 = arith.cmpi eq, %arg0, %eq3A : i32
    %convert_element_type3A = arith.extui %eq3A_0 : i1 to i32
    %cond3A = arith.constant 0 : i32
    %cond3A_1 = arith.cmpi ne, %convert_element_type3A, %cond3A : i32
    scf.if %cond3A_1 {
      %broadcast_in_dim3A_34 = arith.constant 0.000000e+00 : f32
      %broadcast_in_dim3A_35 = vector.broadcast %broadcast_in_dim3A_34 : f32 to vector<8x128xf32>
      %swap3A_36 = arith.constant 0 : index
      %swap3A_37 = arith.constant 0 : index
      %swap3A_38 = vector.load %arg3[%swap3A_36, %swap3A_37] : memref<8x128xf32, #tpu.memory_space<vmem>>, vector<8x128xf32>
      tpu.vector_store %arg3[%swap3A_36, %swap3A_37], %broadcast_in_dim3A_35 {strides = array<i32>} : memref<8x128xf32, #tpu.memory_space<vmem>>, vector<8x128xf32>,
    } else {
    }
    %get3A = arith.constant 0 : index
    %get3A_2 = arith.constant 0 : index
    %get3A_3 = vector.load %arg1[%get3A, %get3A_2] : memref<512x1024xf32, #tpu.memory_space<vmem>>, vector<512x1024xf32>
    %get3A_4 = arith.constant 0 : index
    %get3A_5 = arith.constant 0 : index
    %get3A_6 = vector.load %arg2[%get3A_4, %get3A_5] : memref<8x1024xf32, #tpu.memory_space<vmem>>, vector<1x1024xf32>
    %mul3A = arith.mulf %get3A_3, %get3A_3 : vector<512x1024xf32>
    %div3A = vector.broadcast %get3A_6 : vector<1x1024xf32> to vector<512x1024xf32>
    %div3A_7 = arith.divf %mul3A, %div3A : vector<512x1024xf32>
    %reduce_sum3A = arith.constant dense<0.000000e+00> : vector<512xf32>
    %reduce_sum3A_8 = vector.multi_reduction <add>, %div3A_7, %reduce_sum3A [1] : vector<512x1024xf32> to vector<512xf32>
    %broadcast_in_dim3A = vector.shape_cast %reduce_sum3A_8 : vector<512xf32> to vector<512x1xf32>
    %log3A = math.log %get3A_3 : vector<512x1024xf32>
    %log3A_9 = math.log %get3A_6 : vector<1x1024xf32>
    %sub3A = vector.broadcast %log3A_9 : vector<1x1024xf32> to vector<512x1024xf32>
    %sub3A_10 = arith.subf %log3A, %sub3A : vector<512x1024xf32>
    %mul3A_11 = arith.mulf %div3A_7, %sub3A_10 : vector<512x1024xf32>
    %reduce_sum3A_12 = arith.constant dense<0.000000e+00> : vector<512xf32>
    %reduce_sum3A_13 = vector.multi_reduction <add>, %mul3A_11, %reduce_sum3A_12 [1] : vector<512x1024xf32> to vector<512xf32>
    %broadcast_in_dim3A_14 = vector.shape_cast %reduce_sum3A_13 : vector<512xf32> to vector<512x1xf32>
    %div3A_15 = arith.divf %broadcast_in_dim3A_14, %broadcast_in_dim3A : vector<512x1xf32>
    %log3A_16 = math.log %broadcast_in_dim3A : vector<512x1xf32>
    %sub3A_17 = arith.subf %div3A_15, %log3A_16 : vector<512x1xf32>
    %get3A_18 = arith.constant 0 : index
    %get3A_19 = arith.constant 0 : index
    %get3A_20 = vector.load %arg3[%get3A_18, %get3A_19] : memref<8x128xf32, #tpu.memory_space<vmem>>, vector<1x1xf32>
    %reduce_sum3A_21 = vector.shape_cast %sub3A_17 : vector<512x1xf32> to vector<1x512x1xf32>
    %reduce_sum3A_22 = arith.constant dense<0.000000e+00> : vector<1xf32>
    %reduce_sum3A_23 = vector.multi_reduction <add>, %reduce_sum3A_21, %reduce_sum3A_22 [1, 2] : vector<1x512x1xf32> to vector<1xf32>
    %reduce_sum3A_24 = vector.shape_cast %reduce_sum3A_23 : vector<1xf32> to vector<1x1x1xf32>
    %reduce_sum3A_25 = vector.extract %reduce_sum3A_24[0, 0, 0] : f32 from vector<1x1x1xf32>
    %broadcast_in_dim3A_26 = vector.broadcast %reduce_sum3A_25 : f32 to vector<1x1xf32>
    %add3A = arith.addf %get3A_20, %broadcast_in_dim3A_26 : vector<1x1xf32>
    %swap3A = arith.constant 0 : index
    %swap3A_27 = arith.constant 0 : index
    %swap3A_28 = vector.load %arg3[%swap3A, %swap3A_27] : memref<8x128xf32, #tpu.memory_space<vmem>>, vector<1x1xf32>
    tpu.vector_store %arg3[%swap3A, %swap3A_27], %add3A {strides = array<i32>} : memref<8x128xf32, #tpu.memory_space<vmem>>, vector<1x1xf32>,
    %eq3A_29 = arith.constant 15 : i32
    %eq3A_30 = arith.cmpi eq, %arg0, %eq3A_29 : i32
    %convert_element_type3A_31 = arith.extui %eq3A_30 : i1 to i32
    %cond3A_32 = arith.constant 0 : i32
    %cond3A_33 = arith.cmpi ne, %convert_element_type3A_31, %cond3A_32 : i32
    scf.if %cond3A_33 {
      %get3A_34 = arith.constant 0 : index
      %get3A_35 = arith.constant 0 : index
      %get3A_36 = vector.load %arg3[%get3A_34, %get3A_35] : memref<8x128xf32, #tpu.memory_space<vmem>>, vector<1x1xf32>
      %div3A_37 = arith.constant 8.192000e+03 : f32
      %div3A_38 = vector.broadcast %div3A_37 : f32 to vector<1x1xf32>
      %div3A_39 = arith.divf %get3A_36, %div3A_38 : vector<1x1xf32>
      %swap3A_40 = arith.constant 0 : index
      %swap3A_41 = arith.constant 0 : index
      %swap3A_42 = vector.load %arg3[%swap3A_40, %swap3A_41] : memref<8x128xf32, #tpu.memory_space<vmem>>, vector<1x1xf32>
      tpu.vector_store %arg3[%swap3A_40, %swap3A_41], %div3A_39 {strides = array<i32>} : memref<8x128xf32, #tpu.memory_space<vmem>>, vector<1x1xf32>,
    } else {
    }
    return
  }
  func.func @transform_0(%arg0: i32) -> (i32, i32) {
    %c0_i32 = arith.constant 0 : i32
    %c0_i32_0 = arith.constant 0 : i32
    return %arg0, %c0_i32 : i32, i32
  }
  func.func @transform_1(%arg0: i32) -> (i32, i32) {
    %c0_i32 = arith.constant 0 : i32
    %c0_i32_0 = arith.constant 0 : i32
    %c0_i32_1 = arith.constant 0 : i32
    return %c0_i32, %c0_i32_0 : i32, i32
  }
  func.func @transform_2(%arg0: i32) -> (i32, i32) {
    %c0_i32 = arith.constant 0 : i32
    %c0_i32_0 = arith.constant 0 : i32
    %c0_i32_1 = arith.constant 0 : i32
    return %c0_i32, %c0_i32_0 : i32, i32
  }
}

</mosaic_0001>

<sc_bundles>
// kernel: kernel.5.cloned.1.call-start
scs
__scs_entry_jumppad:
0x0: {  	(pc) =	sbr.rel $0x88, $3  }
0x1: {  	(tag) =	ssettag $0x0;
	lr =	simm.s32 $0x1  }
0x2: {  	[smem:$0x3F9F] =	sst lr;
	_ =	strace $0xD0000000  }
0x3: {  	_ = 	snop  }
0x4: {  	_ = 	snop  }
0x5: {  	_ = 	snop  }
0x6: {  	_ = 	snop  }
0x7: {  	_ = 	snop  }
__scs_overlays_trampoline_lowered:
0x8: {  	[smem:$0x3FAE] =	sst s0  }
0x9: {  	[smem:$0x3FAF] =	sst s1  }
0xa: {  	[smem:$0x3FB0] =	sst s2  }
0xb: {  	[smem:$0x3FB1] =	sst s3  }
0xc: {  	[smem:$0x3FB2] =	sst s4  }
0xd: {  	[smem:$0x3FB3] =	sst s5  }
0xe: {  	[smem:$0x3FB4] =	sst s6  }
0xf: {  	[smem:$0x3FB5] =	sst s7  }
0x10: {  	[smem:$0x3FB6] =	sst s8  }
0x11: {  	[smem:$0x3FB7] =	sst s9;
	s0 =	simm.s32 @!p0 $0x0  }
0x12: {  	s1 =	sld [smem:$0x3F9D];
	s0 =	simm.s32 @p0 $0x1  }
0x13: {  	[smem:$0x3FB8] =	sst s0;
	s0 =	simm.s32 @!p1 $0x0  }
0x14: {  	s2 =	sld [smem:$0x3F9C];
	s0 =	simm.s32 @p1 $0x1  }
0x15: {  	[smem:$0x3FB9] =	sst s0;
	s0 =	simm.s32 @!p2 $0x0  }
0x16: {  	s3 =	sld [smem:$0x3FDB];
	s0 =	simm.s32 @p2 $0x1  }
0x17: {  	s4 =	simm.s32 $0x1BF5;
	[smem:$0x3FBB] =	sst s0  }
0x18: {  	s0 =	sld [smem:$0x3F9E];
	_ =	swait.ge [sflag:s4], $0x0  }
0x19: {  	s7 =	sld [smem:$0x3F9F]  }
0x1a: {  	s8 =	sadd.s32 $0xFFFFE003, lr  }
0x1b: {  	s9 =	sadd.s32 $0xFFFFFEF7, lr;
	s5 =	simm.s32 $0xFFFFFFFF;
	p2 =	slt.u32 s8, $0xFFFFF086  }
0x1c: {  	p1 =	slt.u32 s9, $0xF7A;
	s5 =	simm.s32 @!p2 $0x0  }
0x1d: {  	s5 =	simm.s32 @p1 $0x1;
	p0 =	seq.s32 s7, s2  }
0x1e: {  	s7 =	smul.u32 @!p0 $0xF7A, s2;
	p2 =	seq.s32 @!p0 s5, $0x0  }
0x1f: {  	s9 =	smul.u32 $0xF7A, s1;
	s8 =	simm.s32 @!p0 $0x1BF5;
	p2 =	por !p2, p0  }
0x20: {  	[sflag:s8] =	ssyncset.s32 @!p0 $0xFFFFF086;
	s6 =	sadd.s32 @!p0 s3, s7;
	s7 =	simm.s32 @!p0 $0x108  }
0x21: {  	s3 =	sadd.s32 s3, s9;
	s6 =	sadd.s32 @!p0 $0x88, s6;
	s7 =	simm.s32 @p2 $0x1082  }
0x22: {  	[simem:s7], [sflag:s8] =	dma.local @!p0 [hbm:s6], $0xF7A  }
0x23: {  	s9 =	sor.u32 $0xD0000000, s2;
	s6 =	simm.s32 $0x108;
	_ =	swait.ge @!p0 [sflag:s8], $0x0  }
0x24: {  	s3 =	sadd.s32 $0x88, s3;
	s6 =	simm.s32 @!p1 $0x1082;
	[sflag:s4] =	ssyncset.s32 $0xFFFFF086  }
0x25: {  	[simem:s6], [sflag:s4] =	dma.local [hbm:s3], $0xF7A  }
0x26: {  	[smem:$0x3F9F] =	sst s1;
	(tag) =	ssettag s2;
	_ =	strace s9  }
0x27: {  	s1 =	sld [smem:$0x3FAF]  }
0x28: {  	s2 =	sld [smem:$0x3FB0]  }
0x29: {  	s4 =	sld [smem:$0x3FB2]  }
0x2a: {  	p0 =	seq.s32 s5, $0x0;
	s5 =	sld [smem:$0x3FB3]  }
0x2b: {  	s6 =	sld [smem:$0x3FB4]  }
0x2c: {  	s7 =	sld [smem:$0x3FB5]  }
0x2d: {  	s3 =	simm.s32 $0x108;
	s8 =	sld [smem:$0x3FB6]  }
0x2e: {  	s3 =	simm.s32 @!p0 $0x1082;
	s9 =	sld [smem:$0x3FB7]  }
0x2f: {  	lr =	sadd.s32 s0, s3;
	s0 =	sld [smem:$0x3FAE]  }
0x30: {  	s3 =	sld [smem:$0x3FB1]  }
0x31: {  	[smem:$0x3FBA] =	sst s10  }
0x32: {  	s10 =	sld [smem:$0x3FB8];
	_ =	sdelay $0x3  }
0x33: {  	p0 =	seq.s32 s10, $0x1;
	s10 =	sld [smem:$0x3FBA];
	_ =	sdelay $0x3  }
0x34: {  	[smem:$0x3FBA] =	sst s10  }
0x35: {  	s10 =	sld [smem:$0x3FB9];
	_ =	sdelay $0x3  }
0x36: {  	p1 =	seq.s32 s10, $0x1;
	s10 =	sld [smem:$0x3FBA];
	_ =	sdelay $0x3  }
0x37: {  	[smem:$0x3FBA] =	sst s10  }
0x38: {  	s10 =	sld [smem:$0x3FBB]  }
0x39: {  	_ = 	snop;
	(pc) =	sbr.ind lr, $3  }
0x3a: {  	_ = 	snop  }
0x3b: {  	_ = 	snop  }
0x3c: {  	p2 =	seq.s32 s10, $0x1;
	s10 =	sld [smem:$0x3FBA]  }
0x3d: {  	_ =	shalt  }
0x3e: {  	_ =	shalt  }
0x3f: {  	_ =	shalt  }
0x40: {  	_ =	shalt  }
0x41: {  	_ =	shalt  }
0x42: {  	_ =	shalt  }
0x43: {  	_ =	shalt  }
0x44: {  	_ =	shalt  }
0x45: {  	_ =	shalt  }
0x46: {  	_ =	shalt  }
0x47: {  	_ =	shalt  }
0x48: {  	_ =	shalt  }
0x49: {  	_ =	shalt  }
0x4a: {  	_ =	shalt  }
0x4b: {  	_ =	shalt  }
0x4c: {  	_ =	shalt  }
0x4d: {  	_ =	shalt  }
0x4e: {  	_ =	shalt  }
0x4f: {  	_ =	shalt  }
0x50: {  	_ =	shalt  }
0x51: {  	_ =	shalt  }
0x52: {  	_ =	shalt  }
0x53: {  	_ =	shalt  }
0x54: {  	_ =	shalt  }
0x55: {  	_ =	shalt  }
0x56: {  	_ =	shalt  }
0x57: {  	_ =	shalt  }
0x58: {  	_ =	shalt  }
0x59: {  	_ =	shalt  }
0x5a: {  	_ =	shalt  }
0x5b: {  	_ =	shalt  }
0x5c: {  	_ =	shalt  }
0x5d: {  	_ =	shalt  }
0x5e: {  	_ =	shalt  }
0x5f: {  	_ =	shalt  }
0x60: {  	_ =	shalt  }
0x61: {  	_ =	shalt  }
0x62: {  	_ =	shalt  }
0x63: {  	_ =	shalt  }
0x64: {  	_ =	shalt  }
0x65: {  	_ =	shalt  }
0x66: {  	_ =	shalt  }
0x67: {  	_ =	shalt  }
0x68: {  	_ =	shalt  }
0x69: {  	_ =	shalt  }
0x6a: {  	_ =	shalt  }
0x6b: {  	_ =	shalt  }
0x6c: {  	_ =	shalt  }
0x6d: {  	_ =	shalt  }
0x6e: {  	_ =	shalt  }
0x6f: {  	_ =	shalt  }
0x70: {  	_ =	shalt  }
0x71: {  	_ =	shalt  }
0x72: {  	_ =	shalt  }
0x73: {  	_ =	shalt  }
0x74: {  	_ =	shalt  }
0x75: {  	_ =	shalt  }
0x76: {  	_ =	shalt  }
0x77: {  	_ =	shalt  }
0x78: {  	_ =	shalt  }
0x79: {  	_ =	shalt  }
0x7a: {  	_ =	shalt  }
0x7b: {  	_ =	shalt  }
0x7c: {  	_ =	shalt  }
0x7d: {  	_ =	shalt  }
0x7e: {  	_ =	shalt  }
0x7f: {  	_ =	shalt  }
0x80: {  	_ =	shalt  }
0x81: {  	_ =	shalt  }
0x82: {  	_ =	shalt  }
0x83: {  	_ =	shalt  }
0x84: {  	_ =	shalt  }
0x85: {  	_ =	shalt  }
0x86: {  	_ =	shalt  }
0x87: {  	_ =	shalt  }
.Lfunc_end0:
.L_simem_size_0:
called_computation_lowered:
.L_overlay_start_0:
0x88: {  	s2 =	sld [smem:$0x3FD9]  }
0x89: {  	s3 =	sld [smem:$0x3FFE];
	_ =	sdelay $0x1  }
0x8a: {  	s1 =	srdreg.scid  }
0x8b: {  	s0 =	sand.u32 $0x1, s1  }
0x8c: {  	s14 =	sshll.u32 s0, $0xA;
	s2 =	sadd.s32 s3, s2  }
0x8d: {  	s2 =	sadd.s32 s2, s14  }
0x8e: {  	[smem:$0x3FC6] =	sst s2  }
0x8f: {  	_ = 	snop  }
0x90: {  	s2 =	sld [smem:$0x3FD0];
	_ =	sdelay $0x1  }
0x91: {  	s15 =	sld [smem:$0x3FC9]  }
0x92: {  	s5 =	simm.s32 $0xA;
	s6 =	simm.s32 $0x10;
	s4 =	sld [smem:$0x3FC8]  }
0x93: {  	[smem:s6], [sflag:s5] =	dma.local [hbm:s2], $0x1  }
0x94: {  	_ =	swait.eq [sflag:s5], $0x1  }
0x95: {  	[sflag:s5] =	ssyncset.done $0x0  }
0x96: {  	[sflag:s5] =	ssyncadd.s32 $0xFFFFFFFF  }
0x97: {  	s16 =	sld [smem:$0x10];
	(tm) =	ssettm $0x1  }
0x98: {  	s17 =	sld [smem:$0x3FFB];
	_ =	sdelay $0x3  }
0x99: {  	_ =	strace s17  }
0x9a: {  	s5 =	sld [smem:$0x3FFC];
	_ =	sdelay $0x3  }
0x9b: {  	_ =	strace s5  }
0x9c: {  	s5 =	sld [smem:$0x3FFD];
	_ =	sdelay $0x3  }
0x9d: {  	_ =	strace s5  }
0x9e: {  	_ =	strace $0x8FFFFFFF  }
0x9f: {  	s18 =	sld [smem:$0x3FDB];
	_ =	sdelay $0x1  }
0xa0: {  	s19 =	simm.s32 $_scs_section_size  }
0xa1: {  	s7 =	simm.s32 $_size__tile_overlayer_lowered;
	s8 =	simm.s32 $_tile_overlayer_lowered  }
0xa2: {  	s22 =	simm.s32 $0x1BFF;
	s21 =	sshll.u32 s8, $0x1;
	s5 =	sadd.s32 s19, s18  }
0xa3: {  	s9 =	simm.s32 $0x0;
	s20 =	sshll.u32 s7, $0x1;
	s7 =	sadd.s32 s21, s5  }
0xa4: {  	[timem:s9], [sflag:s22] =	dma.local [hbm:s7], s20  }
0xa5: {  	_ =	swait.ge [sflag:s22], s20  }
0xa6: {  	s6 =	ssub.s32 $0x0, s20;
	[sflag:s22] =	ssyncset.done $0x0  }
0xa7: {  	[sflag:s22] =	ssyncadd.s32 s6;
	_ =	sdelay $0x1  }
0xa8: {  	s23 =	simm.s32 $0x1B8B  }
0xa9: {  	_ =	swait.ge [sflag:s23], $0x1  }
0xaa: {  	[sflag:s23] =	ssyncset.done $0x0  }
0xab: {  	s25 =	simm.s32 $0x1B8E;
	s24 =	sld [smem:$0x3FFE];
	[sflag:s23] =	ssyncadd.s32 $0xFFFFFFFF  }
0xac: {  	s26 =	simm.s32 $execute0_lowered;
	[smem:$0x3FD2] =	sst s25  }
0xad: {  	s7 =	sshll.u32 s26, $0x1;
	_ =	strace $0x80000046;
	[dreg:$0x1] =	wrdreg $0xFFFFFFFF  }
0xae: {  	s28 =	simm.s32 $_size_execute0_lowered;
	s5 =	sadd.s32 s5, s7;
	[dreg:$0x0] =	wrdreg $0x0  }
0xaf: {  	s7 =	sshll.u32 s28, $0x1;
	[dreg:$0x2] =	wrdreg s5  }
0xb0: {  	[dreg:$0x3] =	wrdreg s7  }
0xb1: {  	[dreg:$0x4] =	wrdreg $0xC0  }
0xb2: {  	_ =	task [dreg:s9], $0x5FFFF  }
0xb3: {  	[dreg:$0x1] =	wrdreg $0xFFFFFFFF  }
0xb4: {  	[dreg:$0x0] =	wrdreg $0x60  }
0xb5: {  	[dreg:$0x2] =	wrdreg s15  }
0xb6: {  	[dreg:$0x3] =	wrdreg s4  }
0xb7: {  	[dreg:$0x4] =	wrdreg s24  }
0xb8: {  	[dreg:$0x5] =	wrdreg s16  }
0xb9: {  	[dreg:$0x6] =	wrdreg $0x9  }
0xba: {  	_ =	task.clear_ibuf [dreg:s9], $0x7FFFF;
	_ =	strace $0x90000046  }
0xbb: {  	s29 =	simm.s32 $0x9;
	_ =	strace $0x80000048  }
0xbc: {  	_ =	swait.ge [sflag:s29], $0x1  }
0xbd: {  	[sflag:s29] =	ssyncadd.s32 $0xFFFFFFFF  }
0xbe: {  	_ =	strace $0x90000048  }
0xbf: {  	_ =	sfence  }
0xc0: {  	s30 =	sld [smem:$0x0];
	_ =	sdelay $0x2  }
0xc1: {  	s31 =	sshll.u32 s1, $0xD;
	s1 =	sshrl.u32 s1, $0x2  }
0xc2: {  	s3 =	sand.u32 $0x4000, s31;
	s1 =	sadd.s32 s1, s30  }
0xc3: {  	s0 =	sor.u32 s3, s0;
	s1 =	sshll.u32 s1, $0x11  }
0xc4: {  	s0 =	sor.u32 s1, s0  }
0xc5: {  	s0 =	sadd.s32 $0x8F2B, s0  }
0xc6: {  	[sflag:s0] =	ssyncadd.remote.s32 $0x1  }
0xc7: {  	_ =	sfence.sel $0xFFFF  }
0xc8: {  	[dreg:$0x0] =	wrdreg $0xFFFFFFFF;
	(pc) =	sbr.abs _section_cstart, $3  }
0xc9: {  	[dreg:$0x1] =	wrdreg $0xFFFFFFFF  }
0xca: {  	_ =	task.clear_ibuf [dreg:s9], $0x2FFFF;
	_ =	strace $0x9FFFFFFF  }
0xcb: {  	(tm) =	ssettm $0x7FFFFFFF  }
tec
execute0_lowered:
.L_overlay_start_1:
0x0: {  	(tag) =	ssettag $0x1  }
0x1: {  	s0 =	rddreg [dreg:$0x0]  }
0x2: {  	s1 =	rddreg [dreg:$0x2];
	s3 =	srdreg.scid  }
0x3: {  	s7 =	simm.s32 $0x0;
	s5 =	stileid.u32;
	s3 =	sand.u32 $0x1, s3  }
0x4: {  	s5 =	sshll.u32 s5, $0x9;
	s4 =	ssub.s32 $0x2, s3;
	s3 =	sshll.u32 s3, $0x8  }
0x5: {  	[smem:$0x7FF] =	sst s7;
	s3 =	sor.u32 s3, s5  }
0x6: {  	s2 =	rddreg [dreg:$0x3];
	_ =	strace $0x80000047;
	s5 =	sshrl.u32 s3, $0x3  }
0x7: {  	s6 =	sshrl.u32 s4, $0x1;
	s3 =	sshll.u32 s3, $0x5;
	s1 =	sadd.s32 s1, s5  }
0x8: {  	s4 =	ssub.s32 s4, s6;
	s28 =	sadd.s32 s0, s3;
	[dreg:$0x19] =	wrdreg s1  }
0x9: {  	s29 =	sor.u32 $0x1000, s3;
	s3 =	sadd.s32 s2, s3;
	[dreg:$0x1a] =	wrdreg s28  }
0xa: {  	s31 =	smax.u32 s4, $0x1;
	[dreg:$0x1b] =	wrdreg s3  }
0xb: {  	v2 =	vlaneseq.u32;
	s0 =	sadd.s32 s0, s29;
	[dreg:$0x1e] =	wrdreg s31  }
0xc: {  	vm0 =	vmmov $0xffff;
	v1 =	vshrl.u32 v2, $0x3;
	s30 =	sadd.s32 s2, s29;
	s2 =	simm.s32 $0x2;
	[dreg:$0x1c] =	wrdreg s0  }
0xd: {  	v0 =	vand.u32 $0x7, v2;
	v2 =	vor.u32 $0x8, v2;
	v1 =	vmul.u32 $0x8, v1;
	s1 =	simm.s32 $0x100;
	s3 =	simm.s32 $0x0;
	[dreg:$0x1d] =	wrdreg s30  }
.LBB2_1:
0xe: {  	[dreg:$0x1f] =	wrdreg s3  }
0xf: {  	s0 =	rddreg [dreg:$0x19]  }
0x10: {  	[tilespmem:s7], [sflag:$0x2] =	stream.linear.gather [hbm4b:s0+s7], $0x100, $0x38;
	[tilespmem:$0x10100] =	vst v63  }
0x11: {  	_ =	swait.ge [sflag:s2], $0x100  }
0x12: {  	[sflag:s2] =	ssyncset.done $0x0  }
0x13: {  	[sflag:s2] =	ssyncadd.s32 $0xFFFFFF00  }
0x14: {  	v3 =	vld [tilespmem:$0x0];
	_ =	sdelay $0x4  }
0x15: {  	v4 =	vshll.u32 v3, $0x1  }
0x16: {  	v3 =	vand.u32 $0x7, v3;
	v4 =	vand.u32 $0xFFFFFFF0, v4  }
0x17: {  	v3 =	vor.u32 v3, v4  }
0x18: {  	v4 =	vperm.xlane v3, v0;
	_ =	sdelay $0x1  }
0x19: {  	v3 =	vperm.xlane v3, v2;
	v4 =	vadd.s32 v1, v4;
	_ =	sdelay $0x1  }
0x1a: {  	v3 =	vadd.s32 v1, v3;
	_ =	sdelay $0x1  }
0x1b: {  	s24 =	rddreg [dreg:$0x1]  }
0x1c: {  	[tilespmem:s1], [sflag:$0x1] =	stream.indirect_vreg.gather [hbm4b:s24+s7], $0x80, v4, vm0, $0xb8;
	[tilespmem:$0x10100] =	vst v63  }
0x1d: {  	s25 =	simm.s32 $0x900  }
0x1e: {  	[tilespmem:s25], [sflag:$0x1] =	stream.indirect_vreg.gather [hbm4b:s24+s7], $0x80, v3, vm0, $0xb8;
	[tilespmem:$0x10100] =	vst v63  }
0x1f: {  	v3 =	vld [tilespmem:$0x10];
	_ =	sdelay $0x4  }
0x20: {  	v4 =	vshll.u32 v3, $0x1  }
0x21: {  	v3 =	vand.u32 $0x7, v3;
	v4 =	vand.u32 $0xFFFFFFF0, v4  }
0x22: {  	v3 =	vor.u32 v3, v4  }
0x23: {  	v4 =	vperm.xlane v3, v0;
	_ =	sdelay $0x1  }
0x24: {  	v3 =	vperm.xlane v3, v2;
	v4 =	vadd.s32 v1, v4;
	_ =	sdelay $0x1  }
0x25: {  	v3 =	vadd.s32 v1, v3;
	_ =	sdelay $0x1  }
0x26: {  	s26 =	simm.s32 $0x1100  }
0x27: {  	[tilespmem:s26], [sflag:$0x1] =	stream.indirect_vreg.gather [hbm4b:s24+s7], $0x80, v4, vm0, $0xb8;
	[tilespmem:$0x10100] =	vst v63  }
0x28: {  	s28 =	simm.s32 $0x1900  }
0x29: {  	[tilespmem:s28], [sflag:$0x1] =	stream.indirect_vreg.gather [hbm4b:s24+s7], $0x80, v3, vm0, $0xb8;
	[tilespmem:$0x10100] =	vst v63  }
0x2a: {  	v3 =	vld [tilespmem:$0x20];
	_ =	sdelay $0x4  }
0x2b: {  	v4 =	vshll.u32 v3, $0x1  }
0x2c: {  	v3 =	vand.u32 $0x7, v3;
	v4 =	vand.u32 $0xFFFFFFF0, v4  }
0x2d: {  	v3 =	vor.u32 v3, v4  }
0x2e: {  	v4 =	vperm.xlane v3, v0;
	_ =	sdelay $0x1  }
0x2f: {  	v3 =	vperm.xlane v3, v2;
	v4 =	vadd.s32 v1, v4;
	_ =	sdelay $0x1  }
0x30: {  	v3 =	vadd.s32 v1, v3;
	_ =	sdelay $0x1  }
0x31: {  	s30 =	simm.s32 $0x2100  }
0x32: {  	[tilespmem:s30], [sflag:$0x1] =	stream.indirect_vreg.gather [hbm4b:s24+s7], $0x80, v4, vm0, $0xb8;
	[tilespmem:$0x10100] =	vst v63  }
0x33: {  	s3 =	simm.s32 $0x2900  }
0x34: {  	[tilespmem:s3], [sflag:$0x1] =	stream.indirect_vreg.gather [hbm4b:s24+s7], $0x80, v3, vm0, $0xb8;
	[tilespmem:$0x10100] =	vst v63  }
0x35: {  	v3 =	vld [tilespmem:$0x30];
	_ =	sdelay $0x4  }
0x36: {  	v4 =	vshll.u32 v3, $0x1  }
0x37: {  	v3 =	vand.u32 $0x7, v3;
	v4 =	vand.u32 $0xFFFFFFF0, v4  }
0x38: {  	v3 =	vor.u32 v3, v4  }
0x39: {  	v4 =	vperm.xlane v3, v0;
	_ =	sdelay $0x1  }
0x3a: {  	v3 =	vperm.xlane v3, v2;
	v4 =	vadd.s32 v1, v4;
	_ =	sdelay $0x1  }
0x3b: {  	v3 =	vadd.s32 v1, v3;
	_ =	sdelay $0x1  }
0x3c: {  	s4 =	simm.s32 $0x3100  }
0x3d: {  	[tilespmem:s4], [sflag:$0x1] =	stream.indirect_vreg.gather [hbm4b:s24+s7], $0x80, v4, vm0, $0xb8;
	[tilespmem:$0x10100] =	vst v63  }
0x3e: {  	s5 =	simm.s32 $0x3900  }
0x3f: {  	[tilespmem:s5], [sflag:$0x1] =	stream.indirect_vreg.gather [hbm4b:s24+s7], $0x80, v3, vm0, $0xb8;
	[tilespmem:$0x10100] =	vst v63  }
0x40: {  	v3 =	vld [tilespmem:$0x40];
	_ =	sdelay $0x4  }
0x41: {  	v4 =	vshll.u32 v3, $0x1  }
0x42: {  	v3 =	vand.u32 $0x7, v3;
	v4 =	vand.u32 $0xFFFFFFF0, v4  }
0x43: {  	v3 =	vor.u32 v3, v4  }
0x44: {  	v4 =	vperm.xlane v3, v0;
	_ =	sdelay $0x1  }
0x45: {  	v3 =	vperm.xlane v3, v2;
	v4 =	vadd.s32 v1, v4;
	_ =	sdelay $0x1  }
0x46: {  	v3 =	vadd.s32 v1, v3;
	_ =	sdelay $0x1  }
0x47: {  	s6 =	simm.s32 $0x4100  }
0x48: {  	[tilespmem:s6], [sflag:$0x1] =	stream.indirect_vreg.gather [hbm4b:s24+s7], $0x80, v4, vm0, $0xb8;
	[tilespmem:$0x10100] =	vst v63  }
0x49: {  	s8 =	simm.s32 $0x4900  }
0x4a: {  	[tilespmem:s8], [sflag:$0x1] =	stream.indirect_vreg.gather [hbm4b:s24+s7], $0x80, v3, vm0, $0xb8;
	[tilespmem:$0x10100] =	vst v63  }
0x4b: {  	v3 =	vld [tilespmem:$0x50];
	_ =	sdelay $0x4  }
0x4c: {  	v4 =	vshll.u32 v3, $0x1  }
0x4d: {  	v3 =	vand.u32 $0x7, v3;
	v4 =	vand.u32 $0xFFFFFFF0, v4  }
0x4e: {  	v3 =	vor.u32 v3, v4  }
0x4f: {  	v4 =	vperm.xlane v3, v0;
	_ =	sdelay $0x1  }
0x50: {  	v3 =	vperm.xlane v3, v2;
	v4 =	vadd.s32 v1, v4;
	_ =	sdelay $0x1  }
0x51: {  	v3 =	vadd.s32 v1, v3;
	_ =	sdelay $0x1  }
0x52: {  	s9 =	simm.s32 $0x5100  }
0x53: {  	[tilespmem:s9], [sflag:$0x1] =	stream.indirect_vreg.gather [hbm4b:s24+s7], $0x80, v4, vm0, $0xb8;
	[tilespmem:$0x10100] =	vst v63  }
0x54: {  	s10 =	simm.s32 $0x5900  }
0x55: {  	[tilespmem:s10], [sflag:$0x1] =	stream.indirect_vreg.gather [hbm4b:s24+s7], $0x80, v3, vm0, $0xb8;
	[tilespmem:$0x10100] =	vst v63  }
0x56: {  	v3 =	vld [tilespmem:$0x60];
	_ =	sdelay $0x4  }
0x57: {  	v4 =	vshll.u32 v3, $0x1  }
0x58: {  	v3 =	vand.u32 $0x7, v3;
	v4 =	vand.u32 $0xFFFFFFF0, v4  }
0x59: {  	v3 =	vor.u32 v3, v4  }
0x5a: {  	v4 =	vperm.xlane v3, v0;
	_ =	sdelay $0x1  }
0x5b: {  	v3 =	vperm.xlane v3, v2;
	v4 =	vadd.s32 v1, v4;
	_ =	sdelay $0x1  }
0x5c: {  	v3 =	vadd.s32 v1, v3;
	_ =	sdelay $0x1  }
0x5d: {  	s11 =	simm.s32 $0x6100  }
0x5e: {  	[tilespmem:s11], [sflag:$0x1] =	stream.indirect_vreg.gather [hbm4b:s24+s7], $0x80, v4, vm0, $0xb8;
	[tilespmem:$0x10100] =	vst v63  }
0x5f: {  	s12 =	simm.s32 $0x6900  }
0x60: {  	[tilespmem:s12], [sflag:$0x1] =	stream.indirect_vreg.gather [hbm4b:s24+s7], $0x80, v3, vm0, $0xb8;
	[tilespmem:$0x10100] =	vst v63  }
0x61: {  	v3 =	vld [tilespmem:$0x70];
	_ =	sdelay $0x4  }
0x62: {  	v4 =	vshll.u32 v3, $0x1  }
0x63: {  	v3 =	vand.u32 $0x7, v3;
	v4 =	vand.u32 $0xFFFFFFF0, v4  }
0x64: {  	v3 =	vor.u32 v3, v4  }
0x65: {  	v4 =	vperm.xlane v3, v0;
	_ =	sdelay $0x1  }
0x66: {  	v3 =	vperm.xlane v3, v2;
	v4 =	vadd.s32 v1, v4;
	_ =	sdelay $0x1  }
0x67: {  	v3 =	vadd.s32 v1, v3;
	_ =	sdelay $0x1  }
0x68: {  	s13 =	simm.s32 $0x7100  }
0x69: {  	[tilespmem:s13], [sflag:$0x1] =	stream.indirect_vreg.gather [hbm4b:s24+s7], $0x80, v4, vm0, $0xb8;
	[tilespmem:$0x10100] =	vst v63  }
0x6a: {  	s14 =	simm.s32 $0x7900;
	s15 =	simm.s32 $0x1  }
0x6b: {  	[tilespmem:s14], [sflag:$0x1] =	stream.indirect_vreg.gather [hbm4b:s24+s7], $0x80, v3, vm0, $0xb8;
	[tilespmem:$0x10100] =	vst v63  }
0x6c: {  	_ =	swait.ge [sflag:s15], $0x8000  }
0x6d: {  	[sflag:s15] =	ssyncset.done $0x0  }
0x6e: {  	s17 =	simm.s32 $0x8100;
	s16 =	rddreg [dreg:$0x1a];
	[sflag:s15] =	ssyncadd.s32 $0xFFFF8000  }
0x6f: {  	[tilespmem:s17], [sflag:$0x2] =	stream.linear.gather [hbm4b:s16+s7], $0x8000, $0x38;
	[tilespmem:$0x10100] =	vst v63  }
0x70: {  	_ =	swait.ge [sflag:s2], $0x8000  }
0x71: {  	s18 =	sand.u32 $0x7800, s7;
	s19 =	sand.u32 $0x200, s7;
	[sflag:s2] =	ssyncset.done $0x0  }
0x72: {  	s20 =	sor.u32 s19, s18;
	[sflag:s2] =	ssyncadd.s32 $0xFFFF8000  }
0x73: {  	v3 =	vld [tilespmem:s20+$0x8280]  }
0x74: {  	v4 =	vld [tilespmem:s20+$0x280]  }
0x75: {  	v5 =	vld [tilespmem:s20+$0x8290]  }
0x76: {  	v6 =	vld [tilespmem:s20+$0x290]  }
0x77: {  	v7 =	vld [tilespmem:s20+$0x82A0]  }
0x78: {  	v8 =	vld [tilespmem:s20+$0x2A0]  }
0x79: {  	v9 =	vld [tilespmem:s20+$0x82B0]  }
0x7a: {  	v10 =	vld [tilespmem:s20+$0x2B0]  }
0x7b: {  	v11 =	vld [tilespmem:s20+$0x82C0]  }
0x7c: {  	v12 =	vld [tilespmem:s20+$0x2C0]  }
0x7d: {  	v13 =	vld [tilespmem:s20+$0x82D0]  }
0x7e: {  	v14 =	vld [tilespmem:s20+$0x2D0]  }
0x7f: {  	v15 =	vld [tilespmem:s20+$0x82E0]  }
0x80: {  	v16 =	vld [tilespmem:s20+$0x2E0]  }
0x81: {  	v17 =	vld [tilespmem:s20+$0x82F0];
	v4 =	vsub.f32 v4, v3  }
0x82: {  	v18 =	vld [tilespmem:s20+$0x2F0];
	v6 =	vsub.f32 v6, v5  }
0x83: {  	v19 =	vld [tilespmem:s20+$0x8100];
	v8 =	vsub.f32 v8, v7;
	v4 =	vmul.f32 $1.000000010e-01, v4  }
0x84: {  	v20 =	vld [tilespmem:s20+$0x100];
	v10 =	vsub.f32 v10, v9;
	v6 =	vmul.f32 $1.000000010e-01, v6  }
0x85: {  	v58 =	vld [tilespmem:s20+$0x160];
	v3 =	vadd.f32 v4, v3;
	v4 =	vmul.f32 $1.000000010e-01, v8;
	v8 =	vsub.f32 v12, v11  }
0x86: {  	v59 =	vld [tilespmem:s20+$0x8170];
	v5 =	vadd.f32 v6, v5;
	v6 =	vmul.f32 $1.000000010e-01, v10;
	v10 =	vsub.f32 v14, v13  }
0x87: {  	v60 =	vld [tilespmem:s20+$0x170];
	[tilespmem:s20+$0x280] =	vst v3;
	v3 =	vadd.f32 v4, v7;
	v4 =	vmul.f32 $1.000000010e-01, v8;
	v7 =	vsub.f32 v16, v15  }
0x88: {  	v21 =	vld [tilespmem:s20+$0x8180];
	[tilespmem:s20+$0x290] =	vst v5;
	v5 =	vadd.f32 v6, v9;
	v6 =	vmul.f32 $1.000000010e-01, v10;
	v9 =	vsub.f32 v18, v17  }
0x89: {  	p0 =	por $0x0, $0x0;
	s0 =	simm.s32 $0x1;
	v22 =	vld [tilespmem:s20+$0x180];
	[tilespmem:s20+$0x2A0] =	vst v3;
	v3 =	vadd.f32 v4, v11;
	v4 =	vmul.f32 $1.000000010e-01, v7  }
0x8a: {  	s0 =	simm.s32 @!p0 $0x0;
	v23 =	vld [tilespmem:s20+$0x8190];
	[tilespmem:s20+$0x2B0] =	vst v5;
	v5 =	vadd.f32 v6, v13;
	v6 =	vmul.f32 $1.000000010e-01, v9  }
0x8b: {  	s0 =	sshll.u32 s0, $0x9;
	v24 =	vld [tilespmem:s20+$0x190];
	[tilespmem:s20+$0x2C0] =	vst v3;
	v3 =	vadd.f32 v4, v15  }
0x8c: {  	s0 =	sadd.s32 $0x0, s0;
	v25 =	vld [tilespmem:s20+$0x1A0];
	[tilespmem:s20+$0x2D0] =	vst v5;
	v5 =	vadd.f32 v6, v17  }
0x8d: {  	s21 =	sadd.s32 $0x180, s0;
	v27 =	vld [tilespmem:s20+$0x81B0];
	[tilespmem:s20+$0x2E0] =	vst v3  }
0x8e: {  	s22 =	sor.u32 $0x400, s21;
	v28 =	vld [tilespmem:s20+$0x1B0];
	[tilespmem:s20+$0x2F0] =	vst v5  }
0x8f: {  	v5 =	vld [tilespmem:s22+$0x8100]  }
0x90: {  	v11 =	vld [tilespmem:s22+$0x100]  }
0x91: {  	v29 =	vld [tilespmem:s20+$0x81C0]  }
0x92: {  	v30 =	vld [tilespmem:s20+$0x1C0]  }
0x93: {  	v31 =	vld [tilespmem:s20+$0x81D0]  }
0x94: {  	v32 =	vld [tilespmem:s20+$0x1D0]  }
0x95: {  	v33 =	vld [tilespmem:s20+$0x81E0];
	v11 =	vsub.f32 v11, v5  }
0x96: {  	v34 =	vld [tilespmem:s20+$0x1E0]  }
0x97: {  	v35 =	vld [tilespmem:s20+$0x81F0];
	v11 =	vmul.f32 $1.000000010e-01, v11  }
0x98: {  	v61 =	vld [tilespmem:s20+$0x1F0]  }
0x99: {  	v12 =	vld [tilespmem:s20+$0x8110];
	v5 =	vadd.f32 v11, v5  }
0x9a: {  	v14 =	vld [tilespmem:s20+$0x110]  }
0x9b: {  	s23 =	sor.u32 $0x410, s21;
	v8 =	vld [tilespmem:s20+$0x8120];
	[tilespmem:s22+$0x100] =	vst v5  }
0x9c: {  	v5 =	vld [tilespmem:s23+$0x8100]  }
0x9d: {  	v26 =	vld [tilespmem:s23+$0x100]  }
0x9e: {  	v10 =	vld [tilespmem:s20+$0x120]  }
0x9f: {  	v7 =	vld [tilespmem:s20+$0x8130]  }
0xa0: {  	v9 =	vld [tilespmem:s20+$0x130]  }
0xa1: {  	v13 =	vld [tilespmem:s20+$0x150]  }
0xa2: {  	v3 =	vld [tilespmem:s20+$0x8150];
	v26 =	vsub.f32 v26, v5  }
0xa3: {  	v4 =	vld [tilespmem:s20+$0x8140]  }
0xa4: {  	v14 =	vsub.f32 v14, v12;
	v6 =	vld [tilespmem:s20+$0x140];
	v26 =	vmul.f32 $1.000000010e-01, v26  }
0xa5: {  	v36 =	vld [tilespmem:s20+$0x8200];
	v9 =	vsub.f32 v9, v7  }
0xa6: {  	v63 =	vld [tilespmem:s20+$0x200];
	v20 =	vsub.f32 v20, v19;
	v14 =	vmul.f32 $1.000000010e-01, v14;
	v5 =	vadd.f32 v26, v5  }
0xa7: {  	v15 =	vld [tilespmem:s20+$0x8160];
	v9 =	vmul.f32 $1.000000010e-01, v9;
	v13 =	vsub.f32 v13, v3  }
0xa8: {  	s24 =	sor.u32 $0x420, s21;
	v10 =	vsub.f32 v10, v8;
	v12 =	vadd.f32 v14, v12;
	v11 =	vld [tilespmem:s20+$0x81A0];
	[tilespmem:s23+$0x100] =	vst v5;
	v5 =	vmul.f32 $1.000000010e-01, v20  }
0xa9: {  	v6 =	vsub.f32 v6, v4;
	v7 =	vadd.f32 v9, v7;
	v9 =	vmul.f32 $1.000000010e-01, v13;
	v62 =	vld [tilespmem:s24+$0x8100]  }
0xaa: {  	v10 =	vmul.f32 $1.000000010e-01, v10;
	[tilespmem:s20+$0x110] =	vst v12;
	v12 =	vsub.f32 v60, v59;
	v37 =	vld [tilespmem:s24+$0x100];
	v5 =	vadd.f32 v5, v19  }
0xab: {  	v38 =	vld [tilespmem:s20+$0x250];
	v6 =	vmul.f32 $1.000000010e-01, v6;
	[tilespmem:s20+$0x130] =	vst v7;
	v3 =	vadd.f32 v9, v3  }
0xac: {  	v40 =	vld [tilespmem:s20+$0x8260];
	v7 =	vmul.f32 $1.000000010e-01, v12;
	[tilespmem:s20+$0x100] =	vst v5;
	v5 =	vadd.f32 v10, v8;
	v8 =	vsub.f32 v58, v15  }
0xad: {  	v14 =	vld [tilespmem:s20+$0x8210];
	v9 =	vsub.f32 v22, v21;
	[tilespmem:s20+$0x150] =	vst v3  }
0xae: {  	v13 =	vld [tilespmem:s20+$0x8220];
	v4 =	vadd.f32 v6, v4;
	v3 =	vadd.f32 v7, v59;
	[tilespmem:s20+$0x120] =	vst v5;
	v5 =	vmul.f32 $1.000000010e-01, v8  }
0xaf: {  	v6 =	vld [tilespmem:s20+$0x220];
	v7 =	vmul.f32 $1.000000010e-01, v9;
	v9 =	vsub.f32 v25, v11;
	v8 =	vsub.f32 v37, v62  }
0xb0: {  	v12 =	vld [tilespmem:s20+$0x8230];
	[tilespmem:s20+$0x140] =	vst v4;
	v4 =	vadd.f32 v5, v15;
	v5 =	vsub.f32 v24, v23  }
0xb1: {  	[tilespmem:s20+$0x170] =	vst v3;
	v3 =	vadd.f32 v7, v21;
	v25 =	vld [tilespmem:s20+$0x8240];
	v7 =	vmul.f32 $1.000000010e-01, v9;
	v8 =	vmul.f32 $1.000000010e-01, v8  }
0xb2: {  	v9 =	vsub.f32 v30, v29;
	v30 =	vld [tilespmem:s20+$0x8250];
	[tilespmem:s20+$0x160] =	vst v4;
	v4 =	vmul.f32 $1.000000010e-01, v5;
	v5 =	vsub.f32 v28, v27  }
0xb3: {  	v10 =	vld [tilespmem:s20+$0x210];
	v8 =	vadd.f32 v8, v62  }
0xb4: {  	[tilespmem:s20+$0x180] =	vst v3;
	v37 =	vsub.f32 v32, v31;
	v15 =	vld [tilespmem:s20+$0x230];
	v4 =	vadd.f32 v4, v23;
	v5 =	vmul.f32 $1.000000010e-01, v5  }
0xb5: {  	s5 =	sor.u32 $0x400, s0;
	v3 =	vadd.f32 v7, v11;
	v7 =	vmul.f32 $1.000000010e-01, v9;
	v28 =	vld [tilespmem:s20+$0x240];
	[tilespmem:s24+$0x100] =	vst v8;
	v8 =	vsub.f32 v34, v33  }
0xb6: {  	s4 =	sor.u32 $0x430, s21;
	v11 =	vsub.f32 v61, v35;
	v41 =	vld [tilespmem:s5+$0x8100];
	[tilespmem:s20+$0x190] =	vst v4;
	v4 =	vadd.f32 v5, v27;
	v5 =	vmul.f32 $1.000000010e-01, v37  }
0xb7: {  	[tilespmem:s20+$0x1A0] =	vst v3;
	v3 =	vadd.f32 v7, v29;
	v9 =	vld [tilespmem:s4+$0x8100];
	v7 =	vmul.f32 $1.000000010e-01, v8;
	v8 =	vsub.f32 v63, v36  }
0xb8: {  	v10 =	vsub.f32 v10, v14;
	v39 =	vld [tilespmem:s4+$0x100];
	[tilespmem:s20+$0x1B0] =	vst v4;
	v4 =	vadd.f32 v5, v31;
	v5 =	vmul.f32 $1.000000010e-01, v11  }
0xb9: {  	v6 =	vsub.f32 v6, v13;
	[tilespmem:s20+$0x1C0] =	vst v3;
	v11 =	vld [tilespmem:s20+$0x260];
	v3 =	vadd.f32 v7, v33;
	v7 =	vmul.f32 $1.000000010e-01, v8  }
0xba: {  	v8 =	vld [tilespmem:s20+$0x8270];
	[tilespmem:s20+$0x1D0] =	vst v4;
	v4 =	vadd.f32 v5, v35;
	v5 =	vmul.f32 $1.000000010e-01, v10;
	v10 =	vsub.f32 v15, v12  }
0xbb: {  	v6 =	vmul.f32 $1.000000010e-01, v6;
	v15 =	vld [tilespmem:s20+$0x270];
	[tilespmem:s20+$0x1E0] =	vst v3;
	v3 =	vadd.f32 v7, v36;
	v7 =	vsub.f32 v28, v25  }
0xbc: {  	s2 =	sadd.s32 $0x80, s0;
	[tilespmem:s20+$0x1F0] =	vst v4;
	v4 =	vadd.f32 v5, v14;
	v5 =	vmul.f32 $1.000000010e-01, v10;
	v10 =	vsub.f32 v38, v30;
	v14 =	vld [tilespmem:s5+$0x100]  }
0xbd: {  	s6 =	sor.u32 $0x400, s2;
	[tilespmem:s20+$0x200] =	vst v3;
	v3 =	vadd.f32 v6, v13;
	v6 =	vmul.f32 $1.000000010e-01, v7;
	v7 =	vsub.f32 v39, v9  }
0xbe: {  	v13 =	vld [tilespmem:s6+$0x8100];
	[tilespmem:s20+$0x210] =	vst v4;
	v4 =	vadd.f32 v5, v12;
	v5 =	vmul.f32 $1.000000010e-01, v10  }
0xbf: {  	v10 =	vld [tilespmem:s6+$0x100];
	[tilespmem:s20+$0x220] =	vst v3;
	v3 =	vadd.f32 v6, v25;
	v6 =	vsub.f32 v11, v40;
	v7 =	vmul.f32 $1.000000010e-01, v7  }
0xc0: {  	[tilespmem:s20+$0x230] =	vst v4;
	v4 =	vadd.f32 v5, v30;
	v5 =	vsub.f32 v15, v8  }
0xc1: {  	[tilespmem:s20+$0x240] =	vst v3;
	v3 =	vmul.f32 $1.000000010e-01, v6;
	v6 =	vadd.f32 v7, v9;
	v7 =	vsub.f32 v14, v41  }
0xc2: {  	s12 =	sadd.s32 $0x100, s0;
	[tilespmem:s20+$0x250] =	vst v4;
	v4 =	vmul.f32 $1.000000010e-01, v5  }
0xc3: {  	s25 =	sor.u32 $0x400, s12;
	v3 =	vadd.f32 v3, v40;
	[tilespmem:s4+$0x100] =	vst v6;
	v6 =	vmul.f32 $1.000000010e-01, v7  }
0xc4: {  	s26 =	sor.u32 $0x440, s21;
	v5 =	vld [tilespmem:s25+$0x100];
	v7 =	vsub.f32 v10, v13;
	v4 =	vadd.f32 v4, v8  }
0xc5: {  	v9 =	vld [tilespmem:s26+$0x8100];
	[tilespmem:s20+$0x260] =	vst v3;
	v6 =	vadd.f32 v6, v41  }
0xc6: {  	v3 =	vld [tilespmem:s26+$0x100];
	v7 =	vmul.f32 $1.000000010e-01, v7;
	[tilespmem:s20+$0x270] =	vst v4  }
0xc7: {  	s18 =	simm.s32 $0x200;
	s28 =	sor.u32 $0x410, s0;
	s20 =	simm.s32 $0x400;
	v4 =	vld [tilespmem:s25+$0x8100];
	[tilespmem:s5+$0x100] =	vst v6  }
0xc8: {  	s4 =	sand.u32 $0x200, s18;
	v6 =	vadd.f32 v7, v13;
	s5 =	sand.u32 $0x7800, s20;
	v7 =	vld [tilespmem:s28+$0x8100]  }
0xc9: {  	v8 =	vld [tilespmem:s28+$0x100];
	s22 =	sor.u32 s4, s5  }
0xca: {  	v11 =	vld [tilespmem:s22+$0x280]  }
0xcb: {  	v12 =	vld [tilespmem:s22+$0x8290]  }
0xcc: {  	s30 =	sor.u32 $0x410, s2;
	[tilespmem:s6+$0x100] =	vst v6;
	v13 =	vld [tilespmem:s22+$0x290]  }
0xcd: {  	v3 =	vsub.f32 v3, v9;
	v6 =	vld [tilespmem:s30+$0x8100]  }
0xce: {  	v10 =	vld [tilespmem:s30+$0x100]  }
0xcf: {  	v14 =	vld [tilespmem:s22+$0x82A0];
	v3 =	vmul.f32 $1.000000010e-01, v3;
	v5 =	vsub.f32 v5, v4  }
0xd0: {  	v15 =	vld [tilespmem:s22+$0x2A0]  }
0xd1: {  	v42 =	vld [tilespmem:s22+$0x82B0];
	v3 =	vadd.f32 v3, v9;
	v8 =	vsub.f32 v8, v7;
	v5 =	vmul.f32 $1.000000010e-01, v5  }
0xd2: {  	v43 =	vld [tilespmem:s22+$0x2B0]  }
0xd3: {  	s8 =	sor.u32 $0x450, s21;
	v44 =	vld [tilespmem:s22+$0x82C0];
	[tilespmem:s26+$0x100] =	vst v3;
	v3 =	vadd.f32 v5, v4;
	v4 =	vmul.f32 $1.000000010e-01, v8;
	v5 =	vsub.f32 v10, v6  }
0xd4: {  	v8 =	vld [tilespmem:s8+$0x8100]  }
0xd5: {  	s9 =	sor.u32 $0x410, s12;
	v9 =	vld [tilespmem:s8+$0x100];
	[tilespmem:s25+$0x100] =	vst v3;
	v3 =	vadd.f32 v4, v7;
	v4 =	vmul.f32 $1.000000010e-01, v5  }
0xd6: {  	v5 =	vld [tilespmem:s9+$0x8100]  }
0xd7: {  	s10 =	sor.u32 $0x420, s0;
	v7 =	vld [tilespmem:s9+$0x100];
	[tilespmem:s28+$0x100] =	vst v3;
	v3 =	vadd.f32 v4, v6  }
0xd8: {  	v4 =	vld [tilespmem:s10+$0x8100]  }
0xd9: {  	s11 =	sor.u32 $0x420, s2;
	v6 =	vld [tilespmem:s10+$0x100];
	[tilespmem:s30+$0x100] =	vst v3  }
0xda: {  	v3 =	vsub.f32 v9, v8;
	v9 =	vld [tilespmem:s11+$0x8100]  }
0xdb: {  	v10 =	vld [tilespmem:s11+$0x100]  }
0xdc: {  	v45 =	vld [tilespmem:s22+$0x2C0];
	v3 =	vmul.f32 $1.000000010e-01, v3;
	v7 =	vsub.f32 v7, v5  }
0xdd: {  	v46 =	vld [tilespmem:s22+$0x82D0]  }
0xde: {  	v47 =	vld [tilespmem:s22+$0x2D0];
	v3 =	vadd.f32 v3, v8;
	v7 =	vmul.f32 $1.000000010e-01, v7;
	v6 =	vsub.f32 v6, v4  }
0xdf: {  	v48 =	vld [tilespmem:s22+$0x82E0]  }
0xe0: {  	s13 =	sor.u32 $0x460, s21;
	v49 =	vld [tilespmem:s22+$0x2E0];
	[tilespmem:s8+$0x100] =	vst v3;
	v3 =	vadd.f32 v7, v5;
	v5 =	vmul.f32 $1.000000010e-01, v6;
	v6 =	vsub.f32 v10, v9  }
0xe1: {  	v7 =	vld [tilespmem:s13+$0x8100]  }
0xe2: {  	v8 =	vld [tilespmem:s13+$0x100];
	[tilespmem:s9+$0x100] =	vst v3;
	v3 =	vadd.f32 v5, v4;
	v4 =	vmul.f32 $1.000000010e-01, v6  }
0xe3: {  	v50 =	vld [tilespmem:s22+$0x82F0]  }
0xe4: {  	v51 =	vld [tilespmem:s22+$0x2F0];
	[tilespmem:s10+$0x100] =	vst v3;
	v3 =	vadd.f32 v4, v9  }
0xe5: {  	v26 =	vld [tilespmem:s22+$0x8100]  }
0xe6: {  	v52 =	vld [tilespmem:s22+$0x100];
	s8 =	sor.u32 $0x430, s2;
	[tilespmem:s11+$0x100] =	vst v3  }
0xe7: {  	v3 =	vsub.f32 v8, v7;
	v8 =	vld [tilespmem:s8+$0x8100]  }
0xe8: {  	v10 =	vld [tilespmem:s8+$0x100]  }
0xe9: {  	v19 =	vld [tilespmem:s22+$0x8110]  }
0xea: {  	v54 =	vld [tilespmem:s22+$0x110]  }
0xeb: {  	v56 =	vld [tilespmem:s22+$0x120];
	v3 =	vmul.f32 $1.000000010e-01, v3  }
0xec: {  	v57 =	vld [tilespmem:s22+$0x130]  }
0xed: {  	v3 =	vadd.f32 v3, v7;
	v7 =	vsub.f32 v10, v8;
	v10 =	vld [tilespmem:s22+$0x8280]  }
0xee: {  	v59 =	vld [tilespmem:s22+$0x150]  }
0xef: {  	v22 =	vld [tilespmem:s22+$0x8160]  }
0xf0: {  	v60 =	vld [tilespmem:s22+$0x160]  }
0xf1: {  	v24 =	vld [tilespmem:s22+$0x8170];
	v13 =	vsub.f32 v13, v12  }
0xf2: {  	v61 =	vld [tilespmem:s22+$0x170];
	v11 =	vsub.f32 v11, v10  }
0xf3: {  	v28 =	vld [tilespmem:s22+$0x8180];
	v17 =	vsub.f32 v43, v42;
	v13 =	vmul.f32 $1.000000010e-01, v13  }
0xf4: {  	v62 =	vld [tilespmem:s22+$0x180];
	v15 =	vsub.f32 v15, v14;
	v11 =	vmul.f32 $1.000000010e-01, v11  }
0xf5: {  	v30 =	vld [tilespmem:s22+$0x8190];
	v53 =	vsub.f32 v47, v46;
	v12 =	vadd.f32 v13, v12;
	v13 =	vmul.f32 $1.000000010e-01, v17  }
0xf6: {  	v63 =	vld [tilespmem:s22+$0x190];
	v10 =	vadd.f32 v11, v10;
	v11 =	vmul.f32 $1.000000010e-01, v15;
	v15 =	vsub.f32 v45, v44  }
0xf7: {  	v38 =	vld [tilespmem:s22+$0x81D0];
	v55 =	vsub.f32 v51, v50;
	[tilespmem:s22+$0x290] =	vst v12;
	v12 =	vadd.f32 v13, v42;
	v13 =	vmul.f32 $1.000000010e-01, v53  }
0xf8: {  	v39 =	vld [tilespmem:s22+$0x1D0];
	[tilespmem:s22+$0x280] =	vst v10;
	v10 =	vadd.f32 v11, v14;
	v11 =	vmul.f32 $1.000000010e-01, v15;
	v14 =	vsub.f32 v49, v48  }
0xf9: {  	p0 =	por !p0, !p0;
	s4 =	simm.s32 $0x1;
	v40 =	vld [tilespmem:s22+$0x81E0];
	[tilespmem:s22+$0x2B0] =	vst v12;
	v12 =	vadd.f32 v13, v46;
	v13 =	vmul.f32 $1.000000010e-01, v55  }
0xfa: {  	s4 =	simm.s32 @!p0 $0x0;
	v41 =	vld [tilespmem:s22+$0x1E0];
	[tilespmem:s22+$0x2A0] =	vst v10;
	v10 =	vadd.f32 v11, v44;
	v11 =	vmul.f32 $1.000000010e-01, v14  }
0xfb: {  	v29 =	vld [tilespmem:s22+$0x220];
	s4 =	sshll.u32 s4, $0x9;
	[tilespmem:s22+$0x2D0] =	vst v12;
	v12 =	vadd.f32 v13, v50  }
0xfc: {  	v31 =	vld [tilespmem:s22+$0x8230];
	s4 =	sadd.s32 $0x400, s4;
	[tilespmem:s22+$0x2C0] =	vst v10;
	v10 =	vadd.f32 v11, v48  }
0xfd: {  	v35 =	vld [tilespmem:s22+$0x230];
	s5 =	sadd.s32 $0x180, s4;
	[tilespmem:s22+$0x2F0] =	vst v12  }
0xfe: {  	v37 =	vld [tilespmem:s22+$0x8240];
	s23 =	sor.u32 $0x400, s5;
	[tilespmem:s22+$0x2E0] =	vst v10  }
0xff: {  	v12 =	vld [tilespmem:s23+$0x8100]  }
0x100: {  	v58 =	vld [tilespmem:s23+$0x100]  }
0x101: {  	v51 =	vld [tilespmem:s22+$0x1C0]  }
0x102: {  	v27 =	vsub.f32 v52, v26;
	v52 =	vld [tilespmem:s22+$0x1F0]  }
0x103: {  	v43 =	vld [tilespmem:s22+$0x8250]  }
0x104: {  	v42 =	vld [tilespmem:s22+$0x81F0]  }
0x105: {  	v46 =	vld [tilespmem:s22+$0x1A0];
	v18 =	vsub.f32 v58, v12  }
0x106: {  	s14 =	sor.u32 $0x420, s12;
	v50 =	vld [tilespmem:s22+$0x81C0]  }
0x107: {  	v5 =	vld [tilespmem:s14+$0x8100];
	v18 =	vmul.f32 $1.000000010e-01, v18  }
0x108: {  	s15 =	sor.u32 $0x430, s0;
	v6 =	vld [tilespmem:s14+$0x100]  }
0x109: {  	v9 =	vld [tilespmem:s15+$0x8100];
	v12 =	vadd.f32 v18, v12  }
0x10a: {  	v4 =	vld [tilespmem:s15+$0x100]  }
0x10b: {  	s24 =	sor.u32 $0x410, s5;
	v15 =	vld [tilespmem:s22+$0x8120];
	[tilespmem:s23+$0x100] =	vst v12  }
0x10c: {  	v12 =	vld [tilespmem:s24+$0x8100]  }
0x10d: {  	v47 =	vld [tilespmem:s24+$0x100]  }
0x10e: {  	v13 =	vld [tilespmem:s22+$0x140];
	v6 =	vsub.f32 v6, v5  }
0x10f: {  	v21 =	vsub.f32 v54, v19;
	v54 =	vsub.f32 v60, v22;
	v11 =	vld [tilespmem:s22+$0x8140]  }
0x110: {  	v27 =	vmul.f32 $1.000000010e-01, v27;
	v6 =	vmul.f32 $1.000000010e-01, v6;
	v4 =	vsub.f32 v4, v9;
	v14 =	vld [tilespmem:s22+$0x8130]  }
0x111: {  	v21 =	vmul.f32 $1.000000010e-01, v21;
	v32 =	vsub.f32 v51, v50;
	v51 =	vld [tilespmem:s22+$0x260];
	v17 =	vsub.f32 v56, v15  }
0x112: {  	s19 =	sor.u32 $0x470, s21;
	[tilespmem:s13+$0x100] =	vst v3;
	v5 =	vadd.f32 v6, v5;
	v6 =	vmul.f32 $1.000000010e-01, v4;
	v10 =	vld [tilespmem:s22+$0x8150];
	v33 =	vsub.f32 v47, v12  }
0x113: {  	v26 =	vadd.f32 v27, v26;
	v19 =	vadd.f32 v21, v19;
	v3 =	vld [tilespmem:s19+$0x8100];
	v17 =	vmul.f32 $1.000000010e-01, v17  }
0x114: {  	v4 =	vld [tilespmem:s19+$0x100];
	[tilespmem:s14+$0x100] =	vst v5;
	v5 =	vadd.f32 v6, v9;
	v13 =	vsub.f32 v13, v11;
	v33 =	vmul.f32 $1.000000010e-01, v33  }
0x115: {  	s16 =	sor.u32 $0x430, s12;
	[tilespmem:s22+$0x100] =	vst v26;
	v45 =	vld [tilespmem:s22+$0x81A0];
	v16 =	vsub.f32 v57, v14;
	v15 =	vadd.f32 v17, v15  }
0x116: {  	[tilespmem:s22+$0x110] =	vst v19;
	v6 =	vmul.f32 $1.000000010e-01, v7;
	v7 =	vld [tilespmem:s16+$0x8100];
	v13 =	vmul.f32 $1.000000010e-01, v13;
	v12 =	vadd.f32 v33, v12  }
0x117: {  	v49 =	vld [tilespmem:s22+$0x1B0];
	v16 =	vmul.f32 $1.000000010e-01, v16;
	v20 =	vsub.f32 v59, v10;
	[tilespmem:s22+$0x120] =	vst v15  }
0x118: {  	s25 =	sor.u32 $0x420, s5;
	v48 =	vld [tilespmem:s22+$0x81B0];
	v15 =	vsub.f32 v62, v28;
	v11 =	vadd.f32 v13, v11;
	v13 =	vmul.f32 $1.000000010e-01, v54;
	[tilespmem:s24+$0x100] =	vst v12  }
0x119: {  	[tilespmem:s15+$0x100] =	vst v5;
	v57 =	vsub.f32 v61, v24;
	v14 =	vadd.f32 v16, v14;
	v56 =	vmul.f32 $1.000000010e-01, v20;
	v53 =	vld [tilespmem:s25+$0x8100]  }
0x11a: {  	[tilespmem:s22+$0x140] =	vst v11;
	v11 =	vadd.f32 v13, v22;
	v13 =	vmul.f32 $1.000000010e-01, v15;
	v15 =	vsub.f32 v46, v45;
	v55 =	vld [tilespmem:s25+$0x100]  }
0x11b: {  	v60 =	vsub.f32 v63, v30;
	v9 =	vld [tilespmem:s16+$0x100];
	[tilespmem:s22+$0x130] =	vst v14;
	v14 =	vmul.f32 $1.000000010e-01, v57;
	v10 =	vadd.f32 v56, v10  }
0x11c: {  	v61 =	vld [tilespmem:s22+$0x210];
	[tilespmem:s22+$0x160] =	vst v11;
	v11 =	vadd.f32 v13, v28;
	v13 =	vmul.f32 $1.000000010e-01, v15  }
0x11d: {  	v63 =	vsub.f32 v49, v48;
	v59 =	vld [tilespmem:s22+$0x8210];
	[tilespmem:s22+$0x150] =	vst v10;
	v10 =	vadd.f32 v14, v24;
	v14 =	vmul.f32 $1.000000010e-01, v60  }
0x11e: {  	v58 =	vld [tilespmem:s22+$0x200];
	[tilespmem:s22+$0x180] =	vst v11;
	v11 =	vadd.f32 v13, v45;
	v13 =	vsub.f32 v39, v38  }
0x11f: {  	s17 =	sor.u32 $0x440, s0;
	[tilespmem:s22+$0x170] =	vst v10;
	v10 =	vadd.f32 v14, v30;
	v14 =	vmul.f32 $1.000000010e-01, v63;
	v12 =	vld [tilespmem:s22+$0x8200];
	v15 =	vsub.f32 v55, v53  }
0x120: {  	v5 =	vadd.f32 v6, v8;
	v6 =	vld [tilespmem:s17+$0x8100];
	[tilespmem:s22+$0x1A0] =	vst v11;
	v11 =	vmul.f32 $1.000000010e-01, v13  }
0x121: {  	v62 =	vld [tilespmem:s22+$0x8220];
	[tilespmem:s22+$0x190] =	vst v10;
	v10 =	vadd.f32 v14, v48;
	v13 =	vsub.f32 v52, v42;
	v15 =	vmul.f32 $1.000000010e-01, v15  }
0x122: {  	v8 =	vld [tilespmem:s17+$0x100];
	[tilespmem:s8+$0x100] =	vst v5;
	v39 =	vsub.f32 v41, v40;
	v14 =	vmul.f32 $1.000000010e-01, v32;
	v11 =	vadd.f32 v11, v38  }
0x123: {  	v19 =	vsub.f32 v61, v59;
	v41 =	vld [tilespmem:s22+$0x240];
	[tilespmem:s22+$0x1B0] =	vst v10;
	v13 =	vmul.f32 $1.000000010e-01, v13;
	v15 =	vadd.f32 v15, v53  }
0x124: {  	s21 =	sor.u32 $0x440, s2;
	v45 =	vld [tilespmem:s22+$0x250];
	v10 =	vadd.f32 v14, v50;
	v14 =	vmul.f32 $1.000000010e-01, v39;
	[tilespmem:s22+$0x1D0] =	vst v11;
	v44 =	vsub.f32 v58, v12  }
0x125: {  	s11 =	sor.u32 $0x430, s5;
	v5 =	vld [tilespmem:s21+$0x8100];
	v48 =	vsub.f32 v35, v31;
	v11 =	vadd.f32 v13, v42;
	v13 =	vmul.f32 $1.000000010e-01, v19;
	[tilespmem:s25+$0x100] =	vst v15  }
0x126: {  	v46 =	vsub.f32 v29, v62;
	[tilespmem:s22+$0x1C0] =	vst v10;
	v10 =	vadd.f32 v14, v40;
	v14 =	vmul.f32 $1.000000010e-01, v44;
	v47 =	vld [tilespmem:s11+$0x8100]  }
0x127: {  	s13 =	sor.u32 $0x400, s4;
	[tilespmem:s22+$0x1F0] =	vst v11;
	v11 =	vadd.f32 v13, v59;
	v13 =	vmul.f32 $1.000000010e-01, v48;
	v49 =	vld [tilespmem:s11+$0x100]  }
0x128: {  	v54 =	vld [tilespmem:s13+$0x100];
	[tilespmem:s22+$0x1E0] =	vst v10;
	v10 =	vadd.f32 v14, v12;
	v12 =	vmul.f32 $1.000000010e-01, v46;
	v14 =	vsub.f32 v41, v37  }
0x129: {  	v9 =	vsub.f32 v9, v7;
	v50 =	vld [tilespmem:s22+$0x8260];
	v52 =	vsub.f32 v45, v43;
	[tilespmem:s22+$0x210] =	vst v11  }
0x12a: {  	v11 =	vadd.f32 v13, v31;
	v13 =	vld [tilespmem:s22+$0x270];
	[tilespmem:s22+$0x200] =	vst v10;
	v10 =	vadd.f32 v12, v62;
	v12 =	vmul.f32 $1.000000010e-01, v14  }
0x12b: {  	v9 =	vmul.f32 $1.000000010e-01, v9;
	v14 =	vld [tilespmem:s22+$0x8270]  }
0x12c: {  	s8 =	sadd.s32 $0x80, s4;
	v19 =	vmul.f32 $1.000000010e-01, v52;
	v15 =	vld [tilespmem:s21+$0x100];
	[tilespmem:s22+$0x220] =	vst v10;
	v10 =	vadd.f32 v12, v37;
	v53 =	vsub.f32 v49, v47  }
0x12d: {  	s14 =	sor.u32 $0x400, s8;
	v7 =	vadd.f32 v9, v7;
	[tilespmem:s22+$0x230] =	vst v11;
	v12 =	vld [tilespmem:s13+$0x8100]  }
0x12e: {  	v8 =	vsub.f32 v8, v6;
	v9 =	vld [tilespmem:s14+$0x8100];
	v11 =	vadd.f32 v19, v43;
	[tilespmem:s22+$0x240] =	vst v10;
	v10 =	vmul.f32 $1.000000010e-01, v53  }
0x12f: {  	s9 =	sadd.s32 $0x100, s4;
	s15 =	sor.u32 $0x440, s12;
	[tilespmem:s16+$0x100] =	vst v7;
	v17 =	vsub.f32 v51, v50;
	v55 =	vld [tilespmem:s14+$0x100]  }
0x130: {  	s10 =	sor.u32 $0x400, s9;
	v8 =	vmul.f32 $1.000000010e-01, v8;
	v56 =	vld [tilespmem:s15+$0x8100];
	[tilespmem:s22+$0x250] =	vst v11;
	v7 =	vsub.f32 v13, v14;
	v10 =	vadd.f32 v10, v47  }
0x131: {  	v11 =	vld [tilespmem:s10+$0x100];
	v13 =	vsub.f32 v15, v5;
	v15 =	vmul.f32 $1.000000010e-01, v17  }
0x132: {  	s26 =	sor.u32 $0x440, s5;
	v6 =	vadd.f32 v8, v6;
	v8 =	vsub.f32 v54, v12;
	v7 =	vmul.f32 $1.000000010e-01, v7;
	[tilespmem:s11+$0x100] =	vst v10;
	v10 =	vld [tilespmem:s15+$0x100]  }
0x133: {  	v13 =	vmul.f32 $1.000000010e-01, v13;
	v15 =	vadd.f32 v15, v50;
	v57 =	vld [tilespmem:s26+$0x8100]  }
0x134: {  	s28 =	sor.u32 $0x450, s0;
	[tilespmem:s17+$0x100] =	vst v6;
	v6 =	vmul.f32 $1.000000010e-01, v8;
	v8 =	vsub.f32 v55, v9;
	v7 =	vadd.f32 v7, v14;
	v14 =	vld [tilespmem:s26+$0x100]  }
0x135: {  	v5 =	vadd.f32 v13, v5;
	[tilespmem:s22+$0x260] =	vst v15;
	v13 =	vld [tilespmem:s28+$0x8100]  }
0x136: {  	v6 =	vadd.f32 v6, v12;
	v8 =	vmul.f32 $1.000000010e-01, v8;
	[tilespmem:s22+$0x270] =	vst v7;
	v7 =	vld [tilespmem:s28+$0x100]  }
0x137: {  	s30 =	sor.u32 $0x450, s2;
	[tilespmem:s21+$0x100] =	vst v5;
	v5 =	vld [tilespmem:s10+$0x8100];
	v10 =	vsub.f32 v10, v56  }
0x138: {  	s6 =	sor.u32 $0x410, s4;
	[tilespmem:s13+$0x100] =	vst v6;
	v6 =	vadd.f32 v8, v9;
	v8 =	vld [tilespmem:s30+$0x8100]  }
0x139: {  	v9 =	vld [tilespmem:s6+$0x8100];
	v12 =	vsub.f32 v14, v57;
	v10 =	vmul.f32 $1.000000010e-01, v10  }
0x13a: {  	s13 =	sor.u32 $0x410, s8;
	[tilespmem:s14+$0x100] =	vst v6;
	v14 =	vld [tilespmem:s6+$0x100]  }
0x13b: {  	v6 =	vld [tilespmem:s13+$0x8100];
	v7 =	vsub.f32 v7, v13;
	v12 =	vmul.f32 $1.000000010e-01, v12;
	v10 =	vadd.f32 v10, v56  }
0x13c: {  	v15 =	vld [tilespmem:s13+$0x100];
	v11 =	vsub.f32 v11, v5  }
0x13d: {  	v58 =	vld [tilespmem:s30+$0x100];
	s14 =	sor.u32 $0x450, s12;
	v7 =	vmul.f32 $1.000000010e-01, v7;
	v12 =	vadd.f32 v12, v57;
	[tilespmem:s15+$0x100] =	vst v10  }
0x13e: {  	v10 =	vmul.f32 $1.000000010e-01, v11;
	v11 =	vld [tilespmem:s14+$0x8100]  }
0x13f: {  	v7 =	vadd.f32 v7, v13;
	v14 =	vsub.f32 v14, v9;
	s15 =	sor.u32 $0x450, s5;
	[tilespmem:s26+$0x100] =	vst v12;
	v12 =	vld [tilespmem:s14+$0x100]  }
0x140: {  	v5 =	vadd.f32 v10, v5;
	v10 =	vld [tilespmem:s15+$0x8100]  }
0x141: {  	s16 =	sor.u32 $0x460, s0;
	[tilespmem:s28+$0x100] =	vst v7;
	v13 =	vmul.f32 $1.000000010e-01, v14;
	v14 =	vsub.f32 v15, v6;
	v15 =	vld [tilespmem:s15+$0x100]  }
0x142: {  	s17 =	sor.u32 $0x410, s9;
	[tilespmem:s10+$0x100] =	vst v5;
	v5 =	vld [tilespmem:s16+$0x8100]  }
0x143: {  	v7 =	vsub.f32 v58, v8;
	v9 =	vadd.f32 v13, v9;
	v13 =	vmul.f32 $1.000000010e-01, v14;
	v14 =	vld [tilespmem:s17+$0x8100]  }
0x144: {  	v59 =	vld [tilespmem:s17+$0x100]  }
0x145: {  	s18 =	sor.u32 $0x420, s4;
	v7 =	vmul.f32 $1.000000010e-01, v7;
	v12 =	vsub.f32 v12, v11;
	[tilespmem:s6+$0x100] =	vst v9;
	v6 =	vadd.f32 v13, v6;
	v9 =	vld [tilespmem:s16+$0x100]  }
0x146: {  	v13 =	vld [tilespmem:s18+$0x8100];
	v15 =	vsub.f32 v15, v10  }
0x147: {  	s20 =	sor.u32 $0x420, s8;
	v7 =	vadd.f32 v7, v8;
	v8 =	vmul.f32 $1.000000010e-01, v12;
	v12 =	vld [tilespmem:s18+$0x100];
	[tilespmem:s13+$0x100] =	vst v6  }
0x148: {  	v6 =	vld [tilespmem:s20+$0x8100];
	v15 =	vmul.f32 $1.000000010e-01, v15  }
0x149: {  	s21 =	sor.u32 $0x460, s2;
	[tilespmem:s30+$0x100] =	vst v7;
	v7 =	vadd.f32 v8, v11;
	v8 =	vld [tilespmem:s20+$0x100];
	v11 =	vsub.f32 v59, v14  }
0x14a: {  	v10 =	vadd.f32 v15, v10;
	v15 =	vld [tilespmem:s21+$0x8100]  }
0x14b: {  	s23 =	sor.u32 $0x460, s12;
	v9 =	vsub.f32 v9, v5;
	[tilespmem:s14+$0x100] =	vst v7;
	v7 =	vmul.f32 $1.000000010e-01, v11;
	v11 =	vld [tilespmem:s21+$0x100]  }
0x14c: {  	s24 =	sor.u32 $0x460, s5;
	v12 =	vsub.f32 v12, v13;
	[tilespmem:s15+$0x100] =	vst v10;
	v10 =	vld [tilespmem:s23+$0x8100]  }
0x14d: {  	v9 =	vmul.f32 $1.000000010e-01, v9;
	v7 =	vadd.f32 v7, v14;
	v14 =	vld [tilespmem:s24+$0x8100]  }
0x14e: {  	v60 =	vld [tilespmem:s24+$0x100];
	v12 =	vmul.f32 $1.000000010e-01, v12;
	v8 =	vsub.f32 v8, v6  }
0x14f: {  	s25 =	sor.u32 $0x420, s9;
	v5 =	vadd.f32 v9, v5;
	[tilespmem:s17+$0x100] =	vst v7;
	v7 =	vld [tilespmem:s23+$0x100]  }
0x150: {  	v9 =	vadd.f32 v12, v13;
	v8 =	vmul.f32 $1.000000010e-01, v8;
	v12 =	vld [tilespmem:s25+$0x8100]  }
0x151: {  	s22 =	sor.u32 $0x470, s0;
	[tilespmem:s16+$0x100] =	vst v5;
	v5 =	vsub.f32 v11, v15;
	v11 =	vld [tilespmem:s25+$0x100]  }
0x152: {  	s28 =	sor.u32 $0x430, s4;
	[tilespmem:s18+$0x100] =	vst v9;
	v6 =	vadd.f32 v8, v6;
	v9 =	vld [tilespmem:s22+$0x8100]  }
0x153: {  	v5 =	vmul.f32 $1.000000010e-01, v5;
	v13 =	vsub.f32 v60, v14;
	v8 =	vld [tilespmem:s28+$0x8100]  }
0x154: {  	s30 =	sor.u32 $0x430, s8;
	v61 =	vld [tilespmem:s28+$0x100];
	[tilespmem:s20+$0x100] =	vst v6  }
0x155: {  	v5 =	vadd.f32 v5, v15;
	v6 =	vsub.f32 v7, v10;
	v13 =	vmul.f32 $1.000000010e-01, v13;
	v7 =	vld [tilespmem:s30+$0x8100]  }
0x156: {  	v15 =	vld [tilespmem:s30+$0x100]  }
0x157: {  	s0 =	sor.u32 $0x470, s2;
	v11 =	vsub.f32 v11, v12;
	[tilespmem:s21+$0x100] =	vst v5;
	v6 =	vmul.f32 $1.000000010e-01, v6;
	v13 =	vadd.f32 v13, v14;
	v14 =	vld [tilespmem:s22+$0x100]  }
0x158: {  	v4 =	vsub.f32 v4, v3;
	v5 =	vld [tilespmem:s0+$0x8100]  }
0x159: {  	s1 =	sor.u32 $0x470, s5;
	v11 =	vmul.f32 $1.000000010e-01, v11;
	v10 =	vadd.f32 v6, v10;
	v16 =	vsub.f32 v61, v8;
	[tilespmem:s24+$0x100] =	vst v13;
	v13 =	vld [tilespmem:s0+$0x100]  }
0x15a: {  	v62 =	vmul.f32 $1.000000010e-01, v4;
	v6 =	vld [tilespmem:s1+$0x8100]  }
0x15b: {  	s2 =	sor.u32 $0x470, s12;
	v11 =	vadd.f32 v11, v12;
	[tilespmem:s23+$0x100] =	vst v10;
	v10 =	vmul.f32 $1.000000010e-01, v16;
	v12 =	vsub.f32 v15, v7;
	v15 =	vld [tilespmem:s1+$0x100]  }
0x15c: {  	s29 =	sor.u32 $0x470, s4;
	v16 =	vadd.f32 v62, v3;
	v4 =	vld [tilespmem:s2+$0x8100]  }
0x15d: {  	s31 =	sor.u32 $0x470, s9;
	s12 =	sor.u32 $0x460, s9;
	s26 =	sor.u32 $0x430, s9;
	[tilespmem:s25+$0x100] =	vst v11;
	v11 =	vsub.f32 v14, v9;
	v3 =	vld [tilespmem:s2+$0x100];
	v8 =	vadd.f32 v10, v8;
	v14 =	vmul.f32 $1.000000010e-01, v12  }
0x15e: {  	s5 =	sor.u32 $0x470, s8;
	s13 =	sor.u32 $0x460, s8;
	s14 =	sor.u32 $0x460, s4;
	v10 =	vld [tilespmem:s26+$0x8100]  }
0x15f: {  	s15 =	sor.u32 $0x450, s9;
	s17 =	sor.u32 $0x440, s9;
	s25 =	sor.u32 $0x440, s4;
	v12 =	vld [tilespmem:s26+$0x100];
	v63 =	vmul.f32 $1.000000010e-01, v11;
	v13 =	vsub.f32 v13, v5;
	[tilespmem:s28+$0x100] =	vst v8;
	v14 =	vadd.f32 v14, v7  }
0x160: {  	s16 =	sor.u32 $0x450, s8;
	s18 =	sor.u32 $0x450, s4;
	s20 =	simm.s32 $0x400;
	[tilespmem:s19+$0x100] =	vst v16;
	v11 =	vld [tilespmem:s25+$0x8100]  }
0x161: {  	s21 =	simm.s32 $0x800;
	s23 =	sor.u32 $0x440, s8;
	s19 =	simm.s32 $0x4;
	v8 =	vsub.f32 v15, v6;
	v7 =	vadd.f32 v63, v9;
	v9 =	vmul.f32 $1.000000010e-01, v13;
	v13 =	vld [tilespmem:s25+$0x100];
	[tilespmem:s30+$0x100] =	vst v14  }
.LBB2_2:
0x162: {  	_ = 	snop  }
0x163: {  	s3 =	sand.u32 $0x7800, s21;
	s4 =	sand.u32 $0x200, s20;
	v14 =	vld [tilespmem:s23+$0x8100];
	v8 =	vmul.f32 $1.000000010e-01, v8;
	v5 =	vadd.f32 v9, v5  }
0x164: {  	[tilespmem:s22+$0x100] =	vst v7;
	s8 =	sor.u32 s4, s3;
	v7 =	vld [tilespmem:s23+$0x100]  }
0x165: {  	v6 =	vadd.f32 v8, v6;
	[tilespmem:s0+$0x100] =	vst v5;
	v5 =	vld [tilespmem:s8+$0x280];
	v9 =	vsub.f32 v12, v10  }
0x166: {  	v12 =	vld [tilespmem:s8+$0x8280]  }
0x167: {  	v8 =	vmul.f32 $1.000000010e-01, v9;
	v9 =	vld [tilespmem:s8+$0x8290];
	[tilespmem:s1+$0x100] =	vst v6  }
0x168: {  	v3 =	vsub.f32 v3, v4;
	v6 =	vld [tilespmem:s8+$0x290]  }
0x169: {  	v13 =	vsub.f32 v13, v11;
	v15 =	vld [tilespmem:s8+$0x82E0]  }
0x16a: {  	v3 =	vmul.f32 $1.000000010e-01, v3;
	v16 =	vld [tilespmem:s8+$0x2E0]  }
0x16b: {  	v13 =	vmul.f32 $1.000000010e-01, v13;
	v8 =	vadd.f32 v8, v10;
	v10 =	vld [tilespmem:s8+$0x82A0]  }
0x16c: {  	v7 =	vsub.f32 v7, v14;
	v3 =	vadd.f32 v3, v4;
	v4 =	vld [tilespmem:s8+$0x2A0]  }
0x16d: {  	v11 =	vadd.f32 v13, v11;
	v13 =	vld [tilespmem:s8+$0x82C0]  }
0x16e: {  	v7 =	vmul.f32 $1.000000010e-01, v7;
	[tilespmem:s26+$0x100] =	vst v8;
	v8 =	vld [tilespmem:s8+$0x82B0]  }
0x16f: {  	[tilespmem:s25+$0x100] =	vst v11;
	v11 =	vld [tilespmem:s8+$0x2C0]  }
0x170: {  	v7 =	vadd.f32 v7, v14;
	[tilespmem:s2+$0x100] =	vst v3;
	v3 =	vld [tilespmem:s8+$0x2B0]  }
0x171: {  	v14 =	vld [tilespmem:s8+$0x82D0]  }
0x172: {  	v5 =	vsub.f32 v5, v12;
	[tilespmem:s23+$0x100] =	vst v7;
	v7 =	vld [tilespmem:s8+$0x2D0]  }
0x173: {  	v17 =	vld [tilespmem:s8+$0x82F0];
	v6 =	vsub.f32 v6, v9  }
0x174: {  	v18 =	vld [tilespmem:s8+$0x2F0];
	v5 =	vmul.f32 $1.000000010e-01, v5;
	v4 =	vsub.f32 v4, v10  }
0x175: {  	v19 =	vld [tilespmem:s8+$0x8100];
	v6 =	vmul.f32 $1.000000010e-01, v6;
	v3 =	vsub.f32 v3, v8  }
0x176: {  	v20 =	vld [tilespmem:s8+$0x100];
	v5 =	vadd.f32 v5, v12;
	v4 =	vmul.f32 $1.000000010e-01, v4;
	v11 =	vsub.f32 v11, v13  }
0x177: {  	v12 =	vld [tilespmem:s8+$0x8110];
	v6 =	vadd.f32 v6, v9;
	v7 =	vsub.f32 v7, v14;
	v3 =	vmul.f32 $1.000000010e-01, v3  }
0x178: {  	[tilespmem:s8+$0x280] =	vst v5;
	v9 =	vld [tilespmem:s8+$0x110];
	v4 =	vadd.f32 v4, v10;
	v5 =	vmul.f32 $1.000000010e-01, v11;
	v10 =	vsub.f32 v16, v15  }
0x179: {  	v11 =	vld [tilespmem:s8+$0x8120];
	[tilespmem:s8+$0x290] =	vst v6;
	v6 =	vmul.f32 $1.000000010e-01, v7;
	v7 =	vsub.f32 v18, v17;
	v3 =	vadd.f32 v3, v8  }
0x17a: {  	p0 =	por !p0, !p0;
	s1 =	simm.s32 $0x1;
	[tilespmem:s8+$0x2A0] =	vst v4;
	v4 =	vadd.f32 v5, v13;
	v5 =	vmul.f32 $1.000000010e-01, v10;
	v8 =	vld [tilespmem:s8+$0x120]  }
0x17b: {  	s1 =	simm.s32 @!p0 $0x0;
	v10 =	vsub.f32 v20, v19;
	v13 =	vld [tilespmem:s8+$0x8130];
	[tilespmem:s8+$0x2B0] =	vst v3;
	v3 =	vadd.f32 v6, v14;
	v6 =	vmul.f32 $1.000000010e-01, v7  }
0x17c: {  	s1 =	sshll.u32 s1, $0x9;
	[tilespmem:s8+$0x2C0] =	vst v4;
	v4 =	vadd.f32 v5, v15;
	v7 =	vld [tilespmem:s8+$0x130]  }
0x17d: {  	s6 =	smov.u32 s29;
	s29 =	sadd.s32 s1, s21;
	v5 =	vmul.f32 $1.000000010e-01, v10;
	v9 =	vsub.f32 v9, v12;
	v10 =	vld [tilespmem:s8+$0x8140];
	[tilespmem:s8+$0x2D0] =	vst v3;
	v3 =	vadd.f32 v6, v17  }
0x17e: {  	s24 =	smov.u32 s31;
	s22 =	smov.u32 s5;
	s5 =	sadd.s32 $0x180, s29;
	[tilespmem:s8+$0x2E0] =	vst v4;
	v6 =	vld [tilespmem:s8+$0x140]  }
0x17f: {  	[dreg:$0xa] =	wrdreg s24;
	s24 =	sor.u32 $0x400, s5;
	v4 =	vadd.f32 v5, v19;
	v5 =	vmul.f32 $1.000000010e-01, v9;
	v9 =	vld [tilespmem:s8+$0x8150];
	v8 =	vsub.f32 v8, v11;
	[tilespmem:s8+$0x2F0] =	vst v3  }
0x180: {  	v3 =	vld [tilespmem:s24+$0x8100]  }
0x181: {  	[tilespmem:s8+$0x100] =	vst v4;
	v4 =	vadd.f32 v5, v12;
	v5 =	vmul.f32 $1.000000010e-01, v8;
	v7 =	vsub.f32 v7, v13;
	v8 =	vld [tilespmem:s24+$0x100]  }
0x182: {  	v12 =	vld [tilespmem:s8+$0x150]  }
0x183: {  	[tilespmem:s8+$0x110] =	vst v4;
	v4 =	vadd.f32 v5, v11;
	v5 =	vmul.f32 $1.000000010e-01, v7;
	v6 =	vsub.f32 v6, v10;
	v7 =	vld [tilespmem:s8+$0x8160]  }
0x184: {  	v11 =	vld [tilespmem:s8+$0x160]  }
0x185: {  	[tilespmem:s8+$0x120] =	vst v4;
	v4 =	vadd.f32 v5, v13;
	v5 =	vmul.f32 $1.000000010e-01, v6;
	v6 =	vld [tilespmem:s8+$0x8170]  }
0x186: {  	v13 =	vld [tilespmem:s8+$0x170];
	v8 =	vsub.f32 v8, v3  }
0x187: {  	[tilespmem:s8+$0x130] =	vst v4;
	v4 =	vadd.f32 v5, v10;
	v5 =	vsub.f32 v12, v9;
	v10 =	vld [tilespmem:s8+$0x8180]  }
0x188: {  	v12 =	vld [tilespmem:s8+$0x180];
	v8 =	vmul.f32 $1.000000010e-01, v8  }
0x189: {  	v14 =	vld [tilespmem:s8+$0x190];
	[tilespmem:s8+$0x140] =	vst v4;
	v4 =	vmul.f32 $1.000000010e-01, v5;
	v5 =	vsub.f32 v11, v7  }
0x18a: {  	v11 =	vld [tilespmem:s8+$0x8190];
	v3 =	vadd.f32 v8, v3  }
0x18b: {  	v8 =	vsub.f32 v13, v6;
	v13 =	vld [tilespmem:s8+$0x1A0];
	v4 =	vadd.f32 v4, v9;
	v5 =	vmul.f32 $1.000000010e-01, v5  }
0x18c: {  	v9 =	vld [tilespmem:s8+$0x81A0];
	[tilespmem:s24+$0x100] =	vst v3;
	s24 =	sor.u32 $0x410, s5  }
0x18d: {  	[tilespmem:s8+$0x150] =	vst v4;
	v3 =	vadd.f32 v5, v7;
	v4 =	vmul.f32 $1.000000010e-01, v8;
	v5 =	vsub.f32 v12, v10;
	v7 =	vld [tilespmem:s24+$0x8100]  }
0x18e: {  	v8 =	vld [tilespmem:s24+$0x100]  }
0x18f: {  	v12 =	vld [tilespmem:s8+$0x1B0];
	[tilespmem:s8+$0x160] =	vst v3;
	v3 =	vadd.f32 v4, v6;
	v4 =	vmul.f32 $1.000000010e-01, v5;
	v5 =	vsub.f32 v14, v11  }
0x190: {  	v6 =	vld [tilespmem:s8+$0x81B0]  }
0x191: {  	[tilespmem:s8+$0x170] =	vst v3;
	v3 =	vadd.f32 v4, v10;
	v4 =	vmul.f32 $1.000000010e-01, v5;
	v5 =	vsub.f32 v13, v9;
	v10 =	vld [tilespmem:s8+$0x81C0]  }
0x192: {  	v13 =	vld [tilespmem:s8+$0x1C0]  }
0x193: {  	v8 =	vsub.f32 v8, v7;
	[tilespmem:s8+$0x180] =	vst v3;
	v3 =	vadd.f32 v4, v11;
	v4 =	vmul.f32 $1.000000010e-01, v5;
	v5 =	vld [tilespmem:s8+$0x81D0]  }
0x194: {  	v11 =	vld [tilespmem:s8+$0x1D0]  }
0x195: {  	v8 =	vmul.f32 $1.000000010e-01, v8;
	[tilespmem:s8+$0x190] =	vst v3;
	v3 =	vadd.f32 v4, v9;
	v4 =	vsub.f32 v12, v6;
	v9 =	vld [tilespmem:s8+$0x81E0]  }
0x196: {  	v12 =	vld [tilespmem:s8+$0x1E0]  }
0x197: {  	v7 =	vadd.f32 v8, v7;
	v8 =	vld [tilespmem:s8+$0x1F0];
	[tilespmem:s8+$0x1A0] =	vst v3;
	v3 =	vmul.f32 $1.000000010e-01, v4;
	v4 =	vsub.f32 v13, v10  }
0x198: {  	v13 =	vld [tilespmem:s8+$0x81F0]  }
0x199: {  	[tilespmem:s24+$0x100] =	vst v7;
	s24 =	sor.u32 $0x420, s5;
	v3 =	vadd.f32 v3, v6;
	v4 =	vmul.f32 $1.000000010e-01, v4;
	v6 =	vsub.f32 v11, v5;
	v11 =	vld [tilespmem:s8+$0x8200]  }
0x19a: {  	v7 =	vld [tilespmem:s24+$0x8100]  }
0x19b: {  	[tilespmem:s8+$0x1B0] =	vst v3;
	v3 =	vadd.f32 v4, v10;
	v4 =	vmul.f32 $1.000000010e-01, v6;
	v6 =	vsub.f32 v12, v9;
	v10 =	vld [tilespmem:s24+$0x100]  }
0x19c: {  	v12 =	vld [tilespmem:s8+$0x200]  }
0x19d: {  	[tilespmem:s8+$0x1C0] =	vst v3;
	v3 =	vadd.f32 v4, v5;
	v4 =	vmul.f32 $1.000000010e-01, v6;
	v5 =	vsub.f32 v8, v13;
	v6 =	vld [tilespmem:s8+$0x8210]  }
0x19e: {  	v8 =	vld [tilespmem:s8+$0x210]  }
0x19f: {  	[tilespmem:s8+$0x1D0] =	vst v3;
	v3 =	vadd.f32 v4, v9;
	v4 =	vmul.f32 $1.000000010e-01, v5;
	v5 =	vld [tilespmem:s8+$0x8220]  }
0x1a0: {  	v9 =	vld [tilespmem:s8+$0x220];
	v10 =	vsub.f32 v10, v7  }
0x1a1: {  	[tilespmem:s8+$0x1E0] =	vst v3;
	v3 =	vadd.f32 v4, v13;
	v4 =	vsub.f32 v12, v11;
	v12 =	vld [tilespmem:s8+$0x8230]  }
0x1a2: {  	v13 =	vld [tilespmem:s8+$0x230];
	v10 =	vmul.f32 $1.000000010e-01, v10  }
0x1a3: {  	v14 =	vld [tilespmem:s8+$0x240];
	[tilespmem:s8+$0x1F0] =	vst v3;
	v3 =	vmul.f32 $1.000000010e-01, v4;
	v4 =	vsub.f32 v8, v6  }
0x1a4: {  	v8 =	vld [tilespmem:s8+$0x8240];
	v7 =	vadd.f32 v10, v7  }
0x1a5: {  	v9 =	vsub.f32 v9, v5;
	v10 =	vld [tilespmem:s8+$0x8250];
	v3 =	vadd.f32 v3, v11;
	v4 =	vmul.f32 $1.000000010e-01, v4  }
0x1a6: {  	v11 =	vld [tilespmem:s8+$0x250];
	[tilespmem:s24+$0x100] =	vst v7;
	s24 =	sor.u32 $0x430, s5  }
0x1a7: {  	[tilespmem:s8+$0x200] =	vst v3;
	v3 =	vadd.f32 v4, v6;
	v4 =	vmul.f32 $1.000000010e-01, v9;
	v6 =	vsub.f32 v13, v12;
	v7 =	vld [tilespmem:s24+$0x8100]  }
0x1a8: {  	v9 =	vld [tilespmem:s24+$0x100]  }
0x1a9: {  	v13 =	vld [tilespmem:s8+$0x260];
	[tilespmem:s8+$0x210] =	vst v3;
	v3 =	vadd.f32 v4, v5;
	v4 =	vmul.f32 $1.000000010e-01, v6;
	v5 =	vsub.f32 v14, v8  }
0x1aa: {  	v6 =	vld [tilespmem:s8+$0x8260]  }
0x1ab: {  	[tilespmem:s8+$0x220] =	vst v3;
	v3 =	vadd.f32 v4, v12;
	v4 =	vmul.f32 $1.000000010e-01, v5;
	v5 =	vsub.f32 v11, v10;
	v11 =	vld [tilespmem:s8+$0x8270]  }
0x1ac: {  	s3 =	sor.u32 $0x400, s29;
	v12 =	vld [tilespmem:s8+$0x270]  }
0x1ad: {  	v14 =	vld [tilespmem:s3+$0x8100];
	[tilespmem:s8+$0x230] =	vst v3;
	v3 =	vadd.f32 v4, v8;
	v4 =	vmul.f32 $1.000000010e-01, v5  }
0x1ae: {  	s31 =	sadd.s32 $0x80, s29;
	v5 =	vsub.f32 v9, v7;
	v8 =	vld [tilespmem:s3+$0x100]  }
0x1af: {  	s10 =	sor.u32 $0x400, s31;
	[tilespmem:s8+$0x240] =	vst v3;
	v3 =	vadd.f32 v4, v10;
	v4 =	vsub.f32 v13, v6  }
0x1b0: {  	s0 =	sadd.s32 $0x100, s29;
	v9 =	vld [tilespmem:s10+$0x8100];
	v5 =	vmul.f32 $1.000000010e-01, v5  }
0x1b1: {  	[dreg:$0x5] =	wrdreg s22;
	s22 =	sor.u32 $0x400, s0;
	v10 =	vld [tilespmem:s10+$0x100];
	[tilespmem:s8+$0x250] =	vst v3;
	v3 =	vmul.f32 $1.000000010e-01, v4;
	v4 =	vsub.f32 v12, v11  }
0x1b2: {  	v12 =	vld [tilespmem:s22+$0x100];
	v5 =	vadd.f32 v5, v7  }
0x1b3: {  	v7 =	vld [tilespmem:s17+$0x8100];
	v8 =	vsub.f32 v8, v14;
	v3 =	vadd.f32 v3, v6;
	v4 =	vmul.f32 $1.000000010e-01, v4  }
0x1b4: {  	[tilespmem:s24+$0x100] =	vst v5;
	s24 =	sor.u32 $0x440, s5;
	v5 =	vld [tilespmem:s17+$0x100]  }
0x1b5: {  	v6 =	vld [tilespmem:s24+$0x8100];
	v8 =	vmul.f32 $1.000000010e-01, v8;
	[tilespmem:s8+$0x260] =	vst v3;
	v3 =	vadd.f32 v4, v11  }
0x1b6: {  	v10 =	vsub.f32 v10, v9;
	v4 =	vld [tilespmem:s24+$0x100]  }
0x1b7: {  	v11 =	vld [tilespmem:s18+$0x8100];
	v8 =	vadd.f32 v8, v14;
	[tilespmem:s8+$0x270] =	vst v3  }
0x1b8: {  	v10 =	vmul.f32 $1.000000010e-01, v10;
	v13 =	vld [tilespmem:s22+$0x8100]  }
0x1b9: {  	s11 =	sor.u32 $0x410, s29;
	v3 =	vld [tilespmem:s18+$0x100];
	v5 =	vsub.f32 v5, v7;
	[tilespmem:s3+$0x100] =	vst v8  }
0x1ba: {  	v8 =	vadd.f32 v10, v9;
	v10 =	vld [tilespmem:s11+$0x8100]  }
0x1bb: {  	v14 =	vld [tilespmem:s11+$0x100];
	v4 =	vsub.f32 v4, v6;
	v5 =	vmul.f32 $1.000000010e-01, v5  }
0x1bc: {  	s1 =	sor.u32 $0x410, s31;
	v9 =	vld [tilespmem:s16+$0x8100];
	[tilespmem:s10+$0x100] =	vst v8  }
0x1bd: {  	v8 =	vld [tilespmem:s1+$0x8100];
	v4 =	vmul.f32 $1.000000010e-01, v4;
	v5 =	vadd.f32 v5, v7;
	v12 =	vsub.f32 v12, v13  }
0x1be: {  	v3 =	vsub.f32 v3, v11;
	v7 =	vld [tilespmem:s1+$0x100]  }
0x1bf: {  	v4 =	vadd.f32 v4, v6;
	v6 =	vld [tilespmem:s16+$0x100];
	[tilespmem:s17+$0x100] =	vst v5;
	v5 =	vmul.f32 $1.000000010e-01, v12  }
0x1c0: {  	v3 =	vmul.f32 $1.000000010e-01, v3;
	v14 =	vsub.f32 v14, v10;
	v12 =	vld [tilespmem:s15+$0x8100]  }
0x1c1: {  	s10 =	sor.u32 $0x450, s5;
	[tilespmem:s24+$0x100] =	vst v4;
	v4 =	vld [tilespmem:s15+$0x100];
	v5 =	vadd.f32 v5, v13  }
0x1c2: {  	v3 =	vadd.f32 v3, v11;
	v11 =	vld [tilespmem:s10+$0x8100];
	v13 =	vmul.f32 $1.000000010e-01, v14  }
0x1c3: {  	s28 =	sor.u32 $0x410, s0;
	v7 =	vsub.f32 v7, v8;
	v14 =	vld [tilespmem:s10+$0x100];
	[tilespmem:s22+$0x100] =	vst v5  }
0x1c4: {  	v5 =	vsub.f32 v6, v9;
	v6 =	vadd.f32 v13, v10;
	v10 =	vld [tilespmem:s28+$0x8100]  }
0x1c5: {  	[tilespmem:s18+$0x100] =	vst v3;
	v7 =	vmul.f32 $1.000000010e-01, v7;
	v13 =	vld [tilespmem:s28+$0x100]  }
0x1c6: {  	v3 =	vld [tilespmem:s14+$0x8100];
	v5 =	vmul.f32 $1.000000010e-01, v5;
	v4 =	vsub.f32 v4, v12;
	[tilespmem:s11+$0x100] =	vst v6  }
0x1c7: {  	s30 =	sor.u32 $0x420, s29;
	v6 =	vadd.f32 v7, v8;
	v7 =	vld [tilespmem:s14+$0x100]  }
0x1c8: {  	v8 =	vld [tilespmem:s30+$0x8100];
	v14 =	vsub.f32 v14, v11;
	v5 =	vadd.f32 v5, v9;
	v4 =	vmul.f32 $1.000000010e-01, v4  }
0x1c9: {  	s9 =	sor.u32 $0x420, s31;
	v9 =	vld [tilespmem:s30+$0x100];
	[tilespmem:s1+$0x100] =	vst v6  }
0x1ca: {  	v6 =	vld [tilespmem:s9+$0x8100];
	v14 =	vmul.f32 $1.000000010e-01, v14;
	[tilespmem:s16+$0x100] =	vst v5;
	v4 =	vadd.f32 v4, v12;
	v12 =	vsub.f32 v13, v10  }
0x1cb: {  	v5 =	vld [tilespmem:s9+$0x100]  }
0x1cc: {  	v11 =	vadd.f32 v14, v11;
	v13 =	vld [tilespmem:s13+$0x8100];
	[tilespmem:s15+$0x100] =	vst v4;
	v4 =	vmul.f32 $1.000000010e-01, v12  }
0x1cd: {  	v7 =	vsub.f32 v7, v3;
	v12 =	vld [tilespmem:s13+$0x100]  }
0x1ce: {  	v9 =	vsub.f32 v9, v8;
	[tilespmem:s10+$0x100] =	vst v11;
	s10 =	sor.u32 $0x460, s5;
	v11 =	vld [tilespmem:s12+$0x8100];
	v4 =	vadd.f32 v4, v10  }
0x1cf: {  	v7 =	vmul.f32 $1.000000010e-01, v7;
	v10 =	vld [tilespmem:s10+$0x8100]  }
0x1d0: {  	v14 =	vld [tilespmem:s10+$0x100];
	v9 =	vmul.f32 $1.000000010e-01, v9;
	[tilespmem:s28+$0x100] =	vst v4  }
0x1d1: {  	[dreg:$0x7] =	wrdreg s6;
	s6 =	sor.u32 $0x420, s0;
	s25 =	sor.u32 $0x440, s0;
	v5 =	vsub.f32 v5, v6;
	v3 =	vadd.f32 v7, v3;
	v4 =	vld [tilespmem:s12+$0x100]  }
0x1d2: {  	s2 =	sor.u32 $0x450, s31;
	[dreg:$0x17] =	wrdreg s25;
	v7 =	vadd.f32 v9, v8;
	v8 =	vld [tilespmem:s6+$0x8100]  }
0x1d3: {  	[dreg:$0x13] =	wrdreg s2;
	v9 =	vld [tilespmem:s6+$0x100];
	v5 =	vmul.f32 $1.000000010e-01, v5;
	[tilespmem:s14+$0x100] =	vst v3;
	v3 =	vsub.f32 v12, v13  }
0x1d4: {  	s2 =	sor.u32 $0x450, s0;
	s22 =	rddreg [dreg:$0x7];
	[tilespmem:s30+$0x100] =	vst v7  }
0x1d5: {  	s7 =	sor.u32 $0x430, s29;
	[dreg:$0x11] =	wrdreg s2;
	s2 =	sor.u32 $0x450, s29;
	v5 =	vadd.f32 v5, v6;
	v7 =	vld [tilespmem:s22+$0x8100];
	v3 =	vmul.f32 $1.000000010e-01, v3  }
0x1d6: {  	[dreg:$0x15] =	wrdreg s2;
	s2 =	sor.u32 $0x460, s31;
	v12 =	vld [tilespmem:s7+$0x8100];
	v6 =	vsub.f32 v14, v10  }
0x1d7: {  	s4 =	sor.u32 $0x430, s31;
	[dreg:$0xd] =	wrdreg s2;
	s2 =	sor.u32 $0x460, s0;
	v14 =	vld [tilespmem:s7+$0x100];
	[tilespmem:s9+$0x100] =	vst v5;
	v3 =	vadd.f32 v3, v13;
	v4 =	vsub.f32 v4, v11  }
0x1d8: {  	[dreg:$0x9] =	wrdreg s2;
	s2 =	sor.u32 $0x460, s29;
	v5 =	vmul.f32 $1.000000010e-01, v6;
	v6 =	vsub.f32 v9, v8;
	v13 =	vld [tilespmem:s4+$0x8100]  }
0x1d9: {  	[dreg:$0xf] =	wrdreg s2;
	v15 =	vld [tilespmem:s4+$0x100];
	[tilespmem:s13+$0x100] =	vst v3;
	v3 =	vmul.f32 $1.000000010e-01, v4  }
0x1da: {  	s26 =	sor.u32 $0x430, s0;
	s23 =	sor.u32 $0x440, s31;
	s28 =	rddreg [dreg:$0x5];
	v9 =	vld [tilespmem:s22+$0x100];
	v4 =	vadd.f32 v5, v10;
	v6 =	vmul.f32 $1.000000010e-01, v6  }
0x1db: {  	s2 =	sor.u32 $0x470, s31;
	s31 =	sor.u32 $0x470, s0;
	s0 =	smov.u32 s28;
	v5 =	vld [tilespmem:s28+$0x8100];
	v3 =	vadd.f32 v3, v11  }
0x1dc: {  	s8 =	rddreg [dreg:$0x17];
	s1 =	sor.u32 $0x470, s5;
	v10 =	vsub.f32 v14, v12;
	[tilespmem:s10+$0x100] =	vst v4;
	v11 =	vld [tilespmem:s0+$0x100];
	v4 =	vadd.f32 v6, v8  }
0x1dd: {  	s3 =	rddreg [dreg:$0x13];
	v6 =	vld [tilespmem:s1+$0x8100];
	[tilespmem:s12+$0x100] =	vst v3  }
0x1de: {  	s19 =	sadd.s32 $0x4, s19;
	s5 =	smov.u32 s2;
	s2 =	rddreg [dreg:$0xa];
	v14 =	vld [tilespmem:s1+$0x100];
	v3 =	vmul.f32 $1.000000010e-01, v10;
	v8 =	vsub.f32 v15, v13;
	[tilespmem:s6+$0x100] =	vst v4  }
0x1df: {  	p1 =	slt.u32 s19, $0x7C;
	s17 =	smov.u32 s8;
	s8 =	rddreg [dreg:$0x11];
	v4 =	vld [tilespmem:s2+$0x8100]  }
.Ltmp0:
0x1e0: {  	s20 =	sadd.s32 $0x200, s20;
	s24 =	rddreg [dreg:$0x15];
	v9 =	vsub.f32 v9, v7;
	v3 =	vadd.f32 v3, v12;
	v8 =	vmul.f32 $1.000000010e-01, v8;
	v10 =	vld [tilespmem:s26+$0x8100];
	(pc) =	sbr.rel @p1 .LBB2_2-.Ltmp0, $4  }
0x1e1: {  	s21 =	sadd.s32 $0x400, s21;
	s18 =	smov.u32 s24;
	s24 =	rddreg [dreg:$0xd];
	v12 =	vld [tilespmem:s26+$0x100]  }
0x1e2: {  	s25 =	sor.u32 $0x440, s29;
	s29 =	sor.u32 $0x470, s29;
	s11 =	rddreg [dreg:$0xf];
	v9 =	vmul.f32 $1.000000010e-01, v9;
	v15 =	vsub.f32 v11, v5;
	[tilespmem:s7+$0x100] =	vst v3;
	v63 =	vadd.f32 v8, v13;
	v3 =	vld [tilespmem:s2+$0x100]  }
0x1e3: {  	s16 =	smov.u32 s3;
	s15 =	smov.u32 s8;
	s30 =	rddreg [dreg:$0x9];
	v11 =	vld [tilespmem:s25+$0x8100]  }
0x1e4: {  	s14 =	smov.u32 s11;
	s13 =	smov.u32 s24;
	s12 =	smov.u32 s30;
	v7 =	vadd.f32 v9, v7;
	v8 =	vsub.f32 v14, v6;
	v9 =	vmul.f32 $1.000000010e-01, v15;
	v13 =	vld [tilespmem:s25+$0x100];
	[tilespmem:s4+$0x100] =	vst v63  }
0x1e5: {  	_ = 	snop  }
0x1e6: {  	v12 =	vsub.f32 v12, v10;
	_ =	sdelay $0x1  }
0x1e7: {  	v12 =	vmul.f32 $1.000000010e-01, v12;
	_ =	sdelay $0x1  }
0x1e8: {  	v10 =	vadd.f32 v12, v10  }
0x1e9: {  	v14 =	vld [tilespmem:s23+$0x100]  }
0x1ea: {  	v12 =	vld [tilespmem:s23+$0x8100];
	[tilespmem:s26+$0x100] =	vst v10  }
0x1eb: {  	v10 =	vld [tilespmem:s17+$0x8100]  }
0x1ec: {  	v15 =	vld [tilespmem:s17+$0x100]  }
0x1ed: {  	v13 =	vsub.f32 v13, v11;
	_ =	sdelay $0x1  }
0x1ee: {  	v13 =	vmul.f32 $1.000000010e-01, v13;
	v14 =	vsub.f32 v14, v12;
	_ =	sdelay $0x1  }
0x1ef: {  	v11 =	vadd.f32 v13, v11;
	v13 =	vmul.f32 $1.000000010e-01, v14;
	v14 =	vsub.f32 v15, v10;
	_ =	sdelay $0x1  }
0x1f0: {  	[tilespmem:s25+$0x100] =	vst v11;
	v11 =	vadd.f32 v13, v12;
	v12 =	vmul.f32 $1.000000010e-01, v14  }
0x1f1: {  	v13 =	vld [tilespmem:s18+$0x8100]  }
0x1f2: {  	[tilespmem:s23+$0x100] =	vst v11;
	v11 =	vld [tilespmem:s18+$0x100];
	v10 =	vadd.f32 v12, v10  }
0x1f3: {  	v12 =	vld [tilespmem:s16+$0x8100]  }
0x1f4: {  	v14 =	vld [tilespmem:s16+$0x100];
	[tilespmem:s17+$0x100] =	vst v10  }
0x1f5: {  	v10 =	vld [tilespmem:s15+$0x8100]  }
0x1f6: {  	v15 =	vld [tilespmem:s15+$0x100]  }
0x1f7: {  	v11 =	vsub.f32 v11, v13;
	_ =	sdelay $0x1  }
0x1f8: {  	v14 =	vsub.f32 v14, v12;
	v11 =	vmul.f32 $1.000000010e-01, v11;
	_ =	sdelay $0x1  }
0x1f9: {  	v11 =	vadd.f32 v11, v13;
	v13 =	vmul.f32 $1.000000010e-01, v14;
	v14 =	vsub.f32 v15, v10;
	_ =	sdelay $0x1  }
0x1fa: {  	[tilespmem:s18+$0x100] =	vst v11;
	v11 =	vadd.f32 v13, v12;
	v12 =	vmul.f32 $1.000000010e-01, v14  }
0x1fb: {  	v13 =	vld [tilespmem:s14+$0x8100]  }
0x1fc: {  	v14 =	vld [tilespmem:s14+$0x100];
	[tilespmem:s16+$0x100] =	vst v11;
	v10 =	vadd.f32 v12, v10  }
0x1fd: {  	v11 =	vld [tilespmem:s13+$0x8100]  }
0x1fe: {  	[tilespmem:s15+$0x100] =	vst v10;
	v10 =	vld [tilespmem:s13+$0x100]  }
0x1ff: {  	v12 =	vld [tilespmem:s12+$0x8100]  }
0x200: {  	v15 =	vld [tilespmem:s12+$0x100]  }
0x201: {  	v14 =	vsub.f32 v14, v13;
	_ =	sdelay $0x1  }
0x202: {  	v14 =	vmul.f32 $1.000000010e-01, v14;
	v10 =	vsub.f32 v10, v11;
	_ =	sdelay $0x1  }
0x203: {  	v13 =	vadd.f32 v14, v13;
	v14 =	vsub.f32 v15, v12;
	v10 =	vmul.f32 $1.000000010e-01, v10;
	_ =	sdelay $0x1  }
0x204: {  	[tilespmem:s14+$0x100] =	vst v13;
	v10 =	vadd.f32 v10, v11;
	v11 =	vmul.f32 $1.000000010e-01, v14  }
0x205: {  	v13 =	vld [tilespmem:s29+$0x8100]  }
0x206: {  	[tilespmem:s13+$0x100] =	vst v10;
	v10 =	vld [tilespmem:s29+$0x100];
	v11 =	vadd.f32 v11, v12  }
0x207: {  	v12 =	vld [tilespmem:s5+$0x8100]  }
0x208: {  	v14 =	vld [tilespmem:s5+$0x100];
	[tilespmem:s12+$0x100] =	vst v11  }
0x209: {  	v11 =	vld [tilespmem:s31+$0x8100]  }
0x20a: {  	v15 =	vld [tilespmem:s31+$0x100];
	_ =	sdelay $0x1  }
0x20b: {  	v3 =	vsub.f32 v3, v4  }
0x20c: {  	v8 =	vmul.f32 $1.000000010e-01, v8;
	v10 =	vsub.f32 v10, v13  }
0x20d: {  	v5 =	vadd.f32 v9, v5;
	v3 =	vmul.f32 $1.000000010e-01, v3;
	v9 =	vsub.f32 v14, v12  }
0x20e: {  	[tilespmem:s22+$0x100] =	vst v7;
	v6 =	vadd.f32 v8, v6;
	v7 =	vmul.f32 $1.000000010e-01, v10;
	v8 =	vsub.f32 v15, v11  }
0x20f: {  	[tilespmem:s0+$0x100] =	vst v5;
	v3 =	vadd.f32 v3, v4;
	v4 =	vmul.f32 $1.000000010e-01, v9  }
0x210: {  	[tilespmem:s1+$0x100] =	vst v6;
	v5 =	vadd.f32 v7, v13;
	v6 =	vmul.f32 $1.000000010e-01, v8  }
0x211: {  	[tilespmem:s2+$0x100] =	vst v3;
	v3 =	vadd.f32 v4, v12  }
0x212: {  	[tilespmem:s29+$0x100] =	vst v5;
	v4 =	vadd.f32 v6, v11  }
0x213: {  	[tilespmem:s5+$0x100] =	vst v3  }
0x214: {  	s19 =	simm.s32 $0x0;
	[tilespmem:s31+$0x100] =	vst v4  }
0x215: {  	s3 =	simm.s32 $0x100;
	s20 =	simm.s32 $0x2;
	s1 =	rddreg [dreg:$0x1b]  }
0x216: {  	[hbm4b:s1+s19] =	stream.linear.scatter [tilespmem:s3], [sflag:$0x2], $0x8000, $0x38;
	[tilespmem:$0x10100] =	vst v63  }
0x217: {  	_ =	swait.ge [sflag:s20], $0x8000  }
0x218: {  	[sflag:s20] =	ssyncset.done $0x0  }
0x219: {  	[sflag:s20] =	ssyncadd.s32 $0xFFFF8000  }
0x21a: {  	v3 =	vld [tilespmem:$0x80];
	_ =	sdelay $0x4  }
0x21b: {  	v4 =	vshll.u32 v3, $0x1  }
0x21c: {  	v3 =	vand.u32 $0x7, v3;
	v4 =	vand.u32 $0xFFFFFFF0, v4  }
0x21d: {  	v3 =	vor.u32 v3, v4  }
0x21e: {  	v4 =	vperm.xlane v3, v0;
	_ =	sdelay $0x1  }
0x21f: {  	v3 =	vperm.xlane v3, v2;
	v4 =	vadd.s32 v1, v4;
	_ =	sdelay $0x1  }
0x220: {  	v3 =	vadd.s32 v1, v3;
	_ =	sdelay $0x1  }
0x221: {  	s21 =	rddreg [dreg:$0x1]  }
0x222: {  	[tilespmem:s3], [sflag:$0x1] =	stream.indirect_vreg.gather [hbm4b:s21+s19], $0x80, v4, vm0, $0xb8;
	[tilespmem:$0x10100] =	vst v63  }
0x223: {  	s22 =	simm.s32 $0x900  }
0x224: {  	[tilespmem:s22], [sflag:$0x1] =	stream.indirect_vreg.gather [hbm4b:s21+s19], $0x80, v3, vm0, $0xb8;
	[tilespmem:$0x10100] =	vst v63  }
0x225: {  	v3 =	vld [tilespmem:$0x90];
	_ =	sdelay $0x4  }
0x226: {  	v4 =	vshll.u32 v3, $0x1  }
0x227: {  	v3 =	vand.u32 $0x7, v3;
	v4 =	vand.u32 $0xFFFFFFF0, v4  }
0x228: {  	v3 =	vor.u32 v3, v4  }
0x229: {  	v4 =	vperm.xlane v3, v0;
	_ =	sdelay $0x1  }
0x22a: {  	v3 =	vperm.xlane v3, v2;
	v4 =	vadd.s32 v1, v4;
	_ =	sdelay $0x1  }
0x22b: {  	v3 =	vadd.s32 v1, v3;
	_ =	sdelay $0x1  }
0x22c: {  	s23 =	simm.s32 $0x1100  }
0x22d: {  	[tilespmem:s23], [sflag:$0x1] =	stream.indirect_vreg.gather [hbm4b:s21+s19], $0x80, v4, vm0, $0xb8;
	[tilespmem:$0x10100] =	vst v63  }
0x22e: {  	s24 =	simm.s32 $0x1900  }
0x22f: {  	[tilespmem:s24], [sflag:$0x1] =	stream.indirect_vreg.gather [hbm4b:s21+s19], $0x80, v3, vm0, $0xb8;
	[tilespmem:$0x10100] =	vst v63  }
0x230: {  	v3 =	vld [tilespmem:$0xA0];
	_ =	sdelay $0x4  }
0x231: {  	v4 =	vshll.u32 v3, $0x1  }
0x232: {  	v3 =	vand.u32 $0x7, v3;
	v4 =	vand.u32 $0xFFFFFFF0, v4  }
0x233: {  	v3 =	vor.u32 v3, v4  }
0x234: {  	v4 =	vperm.xlane v3, v0;
	_ =	sdelay $0x1  }
0x235: {  	v3 =	vperm.xlane v3, v2;
	v4 =	vadd.s32 v1, v4;
	_ =	sdelay $0x1  }
0x236: {  	v3 =	vadd.s32 v1, v3;
	_ =	sdelay $0x1  }
0x237: {  	s25 =	simm.s32 $0x2100  }
0x238: {  	[tilespmem:s25], [sflag:$0x1] =	stream.indirect_vreg.gather [hbm4b:s21+s19], $0x80, v4, vm0, $0xb8;
	[tilespmem:$0x10100] =	vst v63  }
0x239: {  	s26 =	simm.s32 $0x2900  }
0x23a: {  	[tilespmem:s26], [sflag:$0x1] =	stream.indirect_vreg.gather [hbm4b:s21+s19], $0x80, v3, vm0, $0xb8;
	[tilespmem:$0x10100] =	vst v63  }
0x23b: {  	v3 =	vld [tilespmem:$0xB0];
	_ =	sdelay $0x4  }
0x23c: {  	v4 =	vshll.u32 v3, $0x1  }
0x23d: {  	v3 =	vand.u32 $0x7, v3;
	v4 =	vand.u32 $0xFFFFFFF0, v4  }
0x23e: {  	v3 =	vor.u32 v3, v4  }
0x23f: {  	v4 =	vperm.xlane v3, v0;
	_ =	sdelay $0x1  }
0x240: {  	v3 =	vperm.xlane v3, v2;
	v4 =	vadd.s32 v1, v4;
	_ =	sdelay $0x1  }
0x241: {  	v3 =	vadd.s32 v1, v3;
	_ =	sdelay $0x1  }
0x242: {  	s28 =	simm.s32 $0x3100  }
0x243: {  	[tilespmem:s28], [sflag:$0x1] =	stream.indirect_vreg.gather [hbm4b:s21+s19], $0x80, v4, vm0, $0xb8;
	[tilespmem:$0x10100] =	vst v63  }
0x244: {  	s30 =	simm.s32 $0x3900  }
0x245: {  	[tilespmem:s30], [sflag:$0x1] =	stream.indirect_vreg.gather [hbm4b:s21+s19], $0x80, v3, vm0, $0xb8;
	[tilespmem:$0x10100] =	vst v63  }
0x246: {  	v3 =	vld [tilespmem:$0xC0];
	_ =	sdelay $0x4  }
0x247: {  	v4 =	vshll.u32 v3, $0x1  }
0x248: {  	v3 =	vand.u32 $0x7, v3;
	v4 =	vand.u32 $0xFFFFFFF0, v4  }
0x249: {  	v3 =	vor.u32 v3, v4  }
0x24a: {  	v4 =	vperm.xlane v3, v0;
	_ =	sdelay $0x1  }
0x24b: {  	v3 =	vperm.xlane v3, v2;
	v4 =	vadd.s32 v1, v4;
	_ =	sdelay $0x1  }
0x24c: {  	v3 =	vadd.s32 v1, v3;
	_ =	sdelay $0x1  }
0x24d: {  	s4 =	simm.s32 $0x4100  }
0x24e: {  	[tilespmem:s4], [sflag:$0x1] =	stream.indirect_vreg.gather [hbm4b:s21+s19], $0x80, v4, vm0, $0xb8;
	[tilespmem:$0x10100] =	vst v63  }
0x24f: {  	s5 =	simm.s32 $0x4900  }
0x250: {  	[tilespmem:s5], [sflag:$0x1] =	stream.indirect_vreg.gather [hbm4b:s21+s19], $0x80, v3, vm0, $0xb8;
	[tilespmem:$0x10100] =	vst v63  }
0x251: {  	v3 =	vld [tilespmem:$0xD0];
	_ =	sdelay $0x4  }
0x252: {  	v4 =	vshll.u32 v3, $0x1  }
0x253: {  	v3 =	vand.u32 $0x7, v3;
	v4 =	vand.u32 $0xFFFFFFF0, v4  }
0x254: {  	v3 =	vor.u32 v3, v4  }
0x255: {  	v4 =	vperm.xlane v3, v0;
	_ =	sdelay $0x1  }
0x256: {  	v3 =	vperm.xlane v3, v2;
	v4 =	vadd.s32 v1, v4;
	_ =	sdelay $0x1  }
0x257: {  	v3 =	vadd.s32 v1, v3;
	_ =	sdelay $0x1  }
0x258: {  	s6 =	simm.s32 $0x5100  }
0x259: {  	[tilespmem:s6], [sflag:$0x1] =	stream.indirect_vreg.gather [hbm4b:s21+s19], $0x80, v4, vm0, $0xb8;
	[tilespmem:$0x10100] =	vst v63  }
0x25a: {  	s7 =	simm.s32 $0x5900  }
0x25b: {  	[tilespmem:s7], [sflag:$0x1] =	stream.indirect_vreg.gather [hbm4b:s21+s19], $0x80, v3, vm0, $0xb8;
	[tilespmem:$0x10100] =	vst v63  }
0x25c: {  	v3 =	vld [tilespmem:$0xE0];
	_ =	sdelay $0x4  }
0x25d: {  	v4 =	vshll.u32 v3, $0x1  }
0x25e: {  	v3 =	vand.u32 $0x7, v3;
	v4 =	vand.u32 $0xFFFFFFF0, v4  }
0x25f: {  	v3 =	vor.u32 v3, v4  }
0x260: {  	v4 =	vperm.xlane v3, v0;
	_ =	sdelay $0x1  }
0x261: {  	v3 =	vperm.xlane v3, v2;
	v4 =	vadd.s32 v1, v4;
	_ =	sdelay $0x1  }
0x262: {  	v3 =	vadd.s32 v1, v3;
	_ =	sdelay $0x1  }
0x263: {  	s8 =	simm.s32 $0x6100  }
0x264: {  	[tilespmem:s8], [sflag:$0x1] =	stream.indirect_vreg.gather [hbm4b:s21+s19], $0x80, v4, vm0, $0xb8;
	[tilespmem:$0x10100] =	vst v63  }
0x265: {  	s9 =	simm.s32 $0x6900  }
0x266: {  	[tilespmem:s9], [sflag:$0x1] =	stream.indirect_vreg.gather [hbm4b:s21+s19], $0x80, v3, vm0, $0xb8;
	[tilespmem:$0x10100] =	vst v63  }
0x267: {  	v3 =	vld [tilespmem:$0xF0];
	_ =	sdelay $0x4  }
0x268: {  	v4 =	vshll.u32 v3, $0x1  }
0x269: {  	v3 =	vand.u32 $0x7, v3;
	v4 =	vand.u32 $0xFFFFFFF0, v4  }
0x26a: {  	v3 =	vor.u32 v3, v4  }
0x26b: {  	v4 =	vperm.xlane v3, v0;
	_ =	sdelay $0x1  }
0x26c: {  	v3 =	vperm.xlane v3, v2;
	v4 =	vadd.s32 v1, v4;
	_ =	sdelay $0x1  }
0x26d: {  	v3 =	vadd.s32 v1, v3;
	_ =	sdelay $0x1  }
0x26e: {  	s10 =	simm.s32 $0x7100  }
0x26f: {  	[tilespmem:s10], [sflag:$0x1] =	stream.indirect_vreg.gather [hbm4b:s21+s19], $0x80, v4, vm0, $0xb8;
	[tilespmem:$0x10100] =	vst v63  }
0x270: {  	s11 =	simm.s32 $0x7900;
	s12 =	simm.s32 $0x1  }
0x271: {  	[tilespmem:s11], [sflag:$0x1] =	stream.indirect_vreg.gather [hbm4b:s21+s19], $0x80, v3, vm0, $0xb8;
	[tilespmem:$0x10100] =	vst v63  }
0x272: {  	_ =	swait.ge [sflag:s12], $0x8000  }
0x273: {  	[sflag:s12] =	ssyncset.done $0x0  }
0x274: {  	s14 =	simm.s32 $0x8100;
	s13 =	rddreg [dreg:$0x1c];
	[sflag:s12] =	ssyncadd.s32 $0xFFFF8000  }
0x275: {  	[tilespmem:s14], [sflag:$0x2] =	stream.linear.gather [hbm4b:s13+s19], $0x8000, $0x38;
	[tilespmem:$0x10100] =	vst v63  }
0x276: {  	_ =	swait.ge [sflag:s20], $0x8000  }
0x277: {  	s0 =	sand.u32 $0x200, s19;
	s15 =	sand.u32 $0x7800, s19;
	[sflag:s20] =	ssyncset.done $0x0  }
0x278: {  	s16 =	sor.u32 s0, s15;
	[sflag:s20] =	ssyncadd.s32 $0xFFFF8000  }
0x279: {  	v3 =	vld [tilespmem:s16+$0x8280]  }
0x27a: {  	v4 =	vld [tilespmem:s16+$0x280]  }
0x27b: {  	v5 =	vld [tilespmem:s16+$0x8290]  }
0x27c: {  	v6 =	vld [tilespmem:s16+$0x290]  }
0x27d: {  	v7 =	vld [tilespmem:s16+$0x82A0]  }
0x27e: {  	v8 =	vld [tilespmem:s16+$0x2A0]  }
0x27f: {  	v9 =	vld [tilespmem:s16+$0x82B0]  }
0x280: {  	v10 =	vld [tilespmem:s16+$0x2B0]  }
0x281: {  	v11 =	vld [tilespmem:s16+$0x82C0]  }
0x282: {  	v12 =	vld [tilespmem:s16+$0x2C0]  }
0x283: {  	v13 =	vld [tilespmem:s16+$0x82D0]  }
0x284: {  	v14 =	vld [tilespmem:s16+$0x2D0]  }
0x285: {  	v15 =	vld [tilespmem:s16+$0x82E0]  }
0x286: {  	v16 =	vld [tilespmem:s16+$0x2E0]  }
0x287: {  	v17 =	vld [tilespmem:s16+$0x82F0];
	v4 =	vsub.f32 v4, v3  }
0x288: {  	v18 =	vld [tilespmem:s16+$0x2F0];
	v6 =	vsub.f32 v6, v5  }
0x289: {  	v19 =	vld [tilespmem:s16+$0x8100];
	v8 =	vsub.f32 v8, v7;
	v4 =	vmul.f32 $1.000000010e-01, v4  }
0x28a: {  	v20 =	vld [tilespmem:s16+$0x100];
	v10 =	vsub.f32 v10, v9;
	v6 =	vmul.f32 $1.000000010e-01, v6  }
0x28b: {  	v58 =	vld [tilespmem:s16+$0x160];
	v3 =	vadd.f32 v4, v3;
	v4 =	vmul.f32 $1.000000010e-01, v8;
	v8 =	vsub.f32 v12, v11  }
0x28c: {  	v59 =	vld [tilespmem:s16+$0x8170];
	v5 =	vadd.f32 v6, v5;
	v6 =	vmul.f32 $1.000000010e-01, v10;
	v10 =	vsub.f32 v14, v13  }
0x28d: {  	v60 =	vld [tilespmem:s16+$0x170];
	[tilespmem:s16+$0x280] =	vst v3;
	v3 =	vadd.f32 v4, v7;
	v4 =	vmul.f32 $1.000000010e-01, v8;
	v7 =	vsub.f32 v16, v15  }
0x28e: {  	v21 =	vld [tilespmem:s16+$0x8180];
	[tilespmem:s16+$0x290] =	vst v5;
	v5 =	vadd.f32 v6, v9;
	v6 =	vmul.f32 $1.000000010e-01, v10;
	v9 =	vsub.f32 v18, v17  }
0x28f: {  	p0 =	por $0x0, $0x0;
	s0 =	simm.s32 $0x1;
	v22 =	vld [tilespmem:s16+$0x180];
	[tilespmem:s16+$0x2A0] =	vst v3;
	v3 =	vadd.f32 v4, v11;
	v4 =	vmul.f32 $1.000000010e-01, v7  }
0x290: {  	s0 =	simm.s32 @!p0 $0x0;
	v23 =	vld [tilespmem:s16+$0x8190];
	[tilespmem:s16+$0x2B0] =	vst v5;
	v5 =	vadd.f32 v6, v13;
	v6 =	vmul.f32 $1.000000010e-01, v9  }
0x291: {  	s0 =	sshll.u32 s0, $0x9;
	v24 =	vld [tilespmem:s16+$0x190];
	[tilespmem:s16+$0x2C0] =	vst v3;
	v3 =	vadd.f32 v4, v15  }
0x292: {  	s0 =	sadd.s32 $0x0, s0;
	v25 =	vld [tilespmem:s16+$0x1A0];
	[tilespmem:s16+$0x2D0] =	vst v5;
	v5 =	vadd.f32 v6, v17  }
0x293: {  	s17 =	sadd.s32 $0x180, s0;
	v27 =	vld [tilespmem:s16+$0x81B0];
	[tilespmem:s16+$0x2E0] =	vst v3  }
0x294: {  	s18 =	sor.u32 $0x400, s17;
	v28 =	vld [tilespmem:s16+$0x1B0];
	[tilespmem:s16+$0x2F0] =	vst v5  }
0x295: {  	v5 =	vld [tilespmem:s18+$0x8100]  }
0x296: {  	v11 =	vld [tilespmem:s18+$0x100]  }
0x297: {  	v29 =	vld [tilespmem:s16+$0x81C0]  }
0x298: {  	v30 =	vld [tilespmem:s16+$0x1C0]  }
0x299: {  	v31 =	vld [tilespmem:s16+$0x81D0]  }
0x29a: {  	v32 =	vld [tilespmem:s16+$0x1D0]  }
0x29b: {  	v33 =	vld [tilespmem:s16+$0x81E0];
	v11 =	vsub.f32 v11, v5  }
0x29c: {  	v34 =	vld [tilespmem:s16+$0x1E0]  }
0x29d: {  	v35 =	vld [tilespmem:s16+$0x81F0];
	v11 =	vmul.f32 $1.000000010e-01, v11  }
0x29e: {  	v61 =	vld [tilespmem:s16+$0x1F0]  }
0x29f: {  	v12 =	vld [tilespmem:s16+$0x8110];
	v5 =	vadd.f32 v11, v5  }
0x2a0: {  	v14 =	vld [tilespmem:s16+$0x110]  }
0x2a1: {  	s19 =	sor.u32 $0x410, s17;
	v8 =	vld [tilespmem:s16+$0x8120];
	[tilespmem:s18+$0x100] =	vst v5  }
0x2a2: {  	v5 =	vld [tilespmem:s19+$0x8100]  }
0x2a3: {  	v26 =	vld [tilespmem:s19+$0x100]  }
0x2a4: {  	v10 =	vld [tilespmem:s16+$0x120]  }
0x2a5: {  	v7 =	vld [tilespmem:s16+$0x8130]  }
0x2a6: {  	v9 =	vld [tilespmem:s16+$0x130]  }
0x2a7: {  	v13 =	vld [tilespmem:s16+$0x150]  }
0x2a8: {  	v3 =	vld [tilespmem:s16+$0x8150];
	v26 =	vsub.f32 v26, v5  }
0x2a9: {  	v4 =	vld [tilespmem:s16+$0x8140]  }
0x2aa: {  	v14 =	vsub.f32 v14, v12;
	v6 =	vld [tilespmem:s16+$0x140];
	v26 =	vmul.f32 $1.000000010e-01, v26  }
0x2ab: {  	v36 =	vld [tilespmem:s16+$0x8200];
	v9 =	vsub.f32 v9, v7  }
0x2ac: {  	v63 =	vld [tilespmem:s16+$0x200];
	v20 =	vsub.f32 v20, v19;
	v14 =	vmul.f32 $1.000000010e-01, v14;
	v5 =	vadd.f32 v26, v5  }
0x2ad: {  	v15 =	vld [tilespmem:s16+$0x8160];
	v9 =	vmul.f32 $1.000000010e-01, v9;
	v13 =	vsub.f32 v13, v3  }
0x2ae: {  	s20 =	sor.u32 $0x420, s17;
	v10 =	vsub.f32 v10, v8;
	v12 =	vadd.f32 v14, v12;
	v11 =	vld [tilespmem:s16+$0x81A0];
	[tilespmem:s19+$0x100] =	vst v5;
	v5 =	vmul.f32 $1.000000010e-01, v20  }
0x2af: {  	v6 =	vsub.f32 v6, v4;
	v7 =	vadd.f32 v9, v7;
	v9 =	vmul.f32 $1.000000010e-01, v13;
	v62 =	vld [tilespmem:s20+$0x8100]  }
0x2b0: {  	v10 =	vmul.f32 $1.000000010e-01, v10;
	[tilespmem:s16+$0x110] =	vst v12;
	v12 =	vsub.f32 v60, v59;
	v37 =	vld [tilespmem:s20+$0x100];
	v5 =	vadd.f32 v5, v19  }
0x2b1: {  	v38 =	vld [tilespmem:s16+$0x250];
	v6 =	vmul.f32 $1.000000010e-01, v6;
	[tilespmem:s16+$0x130] =	vst v7;
	v3 =	vadd.f32 v9, v3  }
0x2b2: {  	v40 =	vld [tilespmem:s16+$0x8260];
	v7 =	vmul.f32 $1.000000010e-01, v12;
	[tilespmem:s16+$0x100] =	vst v5;
	v5 =	vadd.f32 v10, v8;
	v8 =	vsub.f32 v58, v15  }
0x2b3: {  	v14 =	vld [tilespmem:s16+$0x8210];
	v9 =	vsub.f32 v22, v21;
	[tilespmem:s16+$0x150] =	vst v3  }
0x2b4: {  	v13 =	vld [tilespmem:s16+$0x8220];
	v4 =	vadd.f32 v6, v4;
	v3 =	vadd.f32 v7, v59;
	[tilespmem:s16+$0x120] =	vst v5;
	v5 =	vmul.f32 $1.000000010e-01, v8  }
0x2b5: {  	v6 =	vld [tilespmem:s16+$0x220];
	v7 =	vmul.f32 $1.000000010e-01, v9;
	v9 =	vsub.f32 v25, v11;
	v8 =	vsub.f32 v37, v62  }
0x2b6: {  	v12 =	vld [tilespmem:s16+$0x8230];
	[tilespmem:s16+$0x140] =	vst v4;
	v4 =	vadd.f32 v5, v15;
	v5 =	vsub.f32 v24, v23  }
0x2b7: {  	[tilespmem:s16+$0x170] =	vst v3;
	v3 =	vadd.f32 v7, v21;
	v25 =	vld [tilespmem:s16+$0x8240];
	v7 =	vmul.f32 $1.000000010e-01, v9;
	v8 =	vmul.f32 $1.000000010e-01, v8  }
0x2b8: {  	v9 =	vsub.f32 v30, v29;
	v30 =	vld [tilespmem:s16+$0x8250];
	[tilespmem:s16+$0x160] =	vst v4;
	v4 =	vmul.f32 $1.000000010e-01, v5;
	v5 =	vsub.f32 v28, v27  }
0x2b9: {  	v10 =	vld [tilespmem:s16+$0x210];
	v8 =	vadd.f32 v8, v62  }
0x2ba: {  	[tilespmem:s16+$0x180] =	vst v3;
	v37 =	vsub.f32 v32, v31;
	v15 =	vld [tilespmem:s16+$0x230];
	v4 =	vadd.f32 v4, v23;
	v5 =	vmul.f32 $1.000000010e-01, v5  }
0x2bb: {  	s21 =	sor.u32 $0x400, s0;
	v3 =	vadd.f32 v7, v11;
	v7 =	vmul.f32 $1.000000010e-01, v9;
	v28 =	vld [tilespmem:s16+$0x240];
	[tilespmem:s20+$0x100] =	vst v8;
	v8 =	vsub.f32 v34, v33  }
0x2bc: {  	s4 =	sor.u32 $0x430, s17;
	v11 =	vsub.f32 v61, v35;
	v41 =	vld [tilespmem:s21+$0x8100];
	[tilespmem:s16+$0x190] =	vst v4;
	v4 =	vadd.f32 v5, v27;
	v5 =	vmul.f32 $1.000000010e-01, v37  }
0x2bd: {  	[tilespmem:s16+$0x1A0] =	vst v3;
	v3 =	vadd.f32 v7, v29;
	v9 =	vld [tilespmem:s4+$0x8100];
	v7 =	vmul.f32 $1.000000010e-01, v8;
	v8 =	vsub.f32 v63, v36  }
0x2be: {  	v10 =	vsub.f32 v10, v14;
	v39 =	vld [tilespmem:s4+$0x100];
	[tilespmem:s16+$0x1B0] =	vst v4;
	v4 =	vadd.f32 v5, v31;
	v5 =	vmul.f32 $1.000000010e-01, v11  }
0x2bf: {  	v6 =	vsub.f32 v6, v13;
	[tilespmem:s16+$0x1C0] =	vst v3;
	v11 =	vld [tilespmem:s16+$0x260];
	v3 =	vadd.f32 v7, v33;
	v7 =	vmul.f32 $1.000000010e-01, v8  }
0x2c0: {  	v8 =	vld [tilespmem:s16+$0x8270];
	[tilespmem:s16+$0x1D0] =	vst v4;
	v4 =	vadd.f32 v5, v35;
	v5 =	vmul.f32 $1.000000010e-01, v10;
	v10 =	vsub.f32 v15, v12  }
0x2c1: {  	v6 =	vmul.f32 $1.000000010e-01, v6;
	v15 =	vld [tilespmem:s16+$0x270];
	[tilespmem:s16+$0x1E0] =	vst v3;
	v3 =	vadd.f32 v7, v36;
	v7 =	vsub.f32 v28, v25  }
0x2c2: {  	s2 =	sadd.s32 $0x80, s0;
	[tilespmem:s16+$0x1F0] =	vst v4;
	v4 =	vadd.f32 v5, v14;
	v5 =	vmul.f32 $1.000000010e-01, v10;
	v10 =	vsub.f32 v38, v30;
	v14 =	vld [tilespmem:s21+$0x100]  }
0x2c3: {  	s6 =	sor.u32 $0x400, s2;
	[tilespmem:s16+$0x200] =	vst v3;
	v3 =	vadd.f32 v6, v13;
	v6 =	vmul.f32 $1.000000010e-01, v7;
	v7 =	vsub.f32 v39, v9  }
0x2c4: {  	v13 =	vld [tilespmem:s6+$0x8100];
	[tilespmem:s16+$0x210] =	vst v4;
	v4 =	vadd.f32 v5, v12;
	v5 =	vmul.f32 $1.000000010e-01, v10  }
0x2c5: {  	v10 =	vld [tilespmem:s6+$0x100];
	[tilespmem:s16+$0x220] =	vst v3;
	v3 =	vadd.f32 v6, v25;
	v6 =	vsub.f32 v11, v40;
	v7 =	vmul.f32 $1.000000010e-01, v7  }
0x2c6: {  	[tilespmem:s16+$0x230] =	vst v4;
	v4 =	vadd.f32 v5, v30;
	v5 =	vsub.f32 v15, v8  }
0x2c7: {  	[tilespmem:s16+$0x240] =	vst v3;
	v3 =	vmul.f32 $1.000000010e-01, v6;
	v6 =	vadd.f32 v7, v9;
	v7 =	vsub.f32 v14, v41  }
0x2c8: {  	s12 =	sadd.s32 $0x100, s0;
	[tilespmem:s16+$0x250] =	vst v4;
	v4 =	vmul.f32 $1.000000010e-01, v5  }
0x2c9: {  	s7 =	sor.u32 $0x400, s12;
	v3 =	vadd.f32 v3, v40;
	[tilespmem:s4+$0x100] =	vst v6;
	v6 =	vmul.f32 $1.000000010e-01, v7  }
0x2ca: {  	s22 =	sor.u32 $0x440, s17;
	v5 =	vld [tilespmem:s7+$0x100];
	v7 =	vsub.f32 v10, v13;
	v4 =	vadd.f32 v4, v8  }
0x2cb: {  	v9 =	vld [tilespmem:s22+$0x8100];
	[tilespmem:s16+$0x260] =	vst v3;
	v6 =	vadd.f32 v6, v41  }
0x2cc: {  	v3 =	vld [tilespmem:s22+$0x100];
	v7 =	vmul.f32 $1.000000010e-01, v7;
	[tilespmem:s16+$0x270] =	vst v4  }
0x2cd: {  	s15 =	simm.s32 $0x200;
	s23 =	sor.u32 $0x410, s0;
	s16 =	simm.s32 $0x400;
	v4 =	vld [tilespmem:s7+$0x8100];
	[tilespmem:s21+$0x100] =	vst v6  }
0x2ce: {  	s4 =	sand.u32 $0x200, s15;
	v6 =	vadd.f32 v7, v13;
	s5 =	sand.u32 $0x7800, s16;
	v7 =	vld [tilespmem:s23+$0x8100]  }
0x2cf: {  	v8 =	vld [tilespmem:s23+$0x100];
	s18 =	sor.u32 s4, s5  }
0x2d0: {  	v11 =	vld [tilespmem:s18+$0x280]  }
0x2d1: {  	v12 =	vld [tilespmem:s18+$0x8290]  }
0x2d2: {  	s24 =	sor.u32 $0x410, s2;
	[tilespmem:s6+$0x100] =	vst v6;
	v13 =	vld [tilespmem:s18+$0x290]  }
0x2d3: {  	v3 =	vsub.f32 v3, v9;
	v6 =	vld [tilespmem:s24+$0x8100]  }
0x2d4: {  	v10 =	vld [tilespmem:s24+$0x100]  }
0x2d5: {  	v14 =	vld [tilespmem:s18+$0x82A0];
	v3 =	vmul.f32 $1.000000010e-01, v3;
	v5 =	vsub.f32 v5, v4  }
0x2d6: {  	v15 =	vld [tilespmem:s18+$0x2A0]  }
0x2d7: {  	v42 =	vld [tilespmem:s18+$0x82B0];
	v3 =	vadd.f32 v3, v9;
	v8 =	vsub.f32 v8, v7;
	v5 =	vmul.f32 $1.000000010e-01, v5  }
0x2d8: {  	v43 =	vld [tilespmem:s18+$0x2B0]  }
0x2d9: {  	s25 =	sor.u32 $0x450, s17;
	v44 =	vld [tilespmem:s18+$0x82C0];
	[tilespmem:s22+$0x100] =	vst v3;
	v3 =	vadd.f32 v5, v4;
	v4 =	vmul.f32 $1.000000010e-01, v8;
	v5 =	vsub.f32 v10, v6  }
0x2da: {  	v8 =	vld [tilespmem:s25+$0x8100]  }
0x2db: {  	s26 =	sor.u32 $0x410, s12;
	v9 =	vld [tilespmem:s25+$0x100];
	[tilespmem:s7+$0x100] =	vst v3;
	v3 =	vadd.f32 v4, v7;
	v4 =	vmul.f32 $1.000000010e-01, v5  }
0x2dc: {  	v5 =	vld [tilespmem:s26+$0x8100]  }
0x2dd: {  	s28 =	sor.u32 $0x420, s0;
	v7 =	vld [tilespmem:s26+$0x100];
	[tilespmem:s23+$0x100] =	vst v3;
	v3 =	vadd.f32 v4, v6  }
0x2de: {  	v4 =	vld [tilespmem:s28+$0x8100]  }
0x2df: {  	s30 =	sor.u32 $0x420, s2;
	v6 =	vld [tilespmem:s28+$0x100];
	[tilespmem:s24+$0x100] =	vst v3  }
0x2e0: {  	v3 =	vsub.f32 v9, v8;
	v9 =	vld [tilespmem:s30+$0x8100]  }
0x2e1: {  	v10 =	vld [tilespmem:s30+$0x100]  }
0x2e2: {  	v45 =	vld [tilespmem:s18+$0x2C0];
	v3 =	vmul.f32 $1.000000010e-01, v3;
	v7 =	vsub.f32 v7, v5  }
0x2e3: {  	v46 =	vld [tilespmem:s18+$0x82D0]  }
0x2e4: {  	v47 =	vld [tilespmem:s18+$0x2D0];
	v3 =	vadd.f32 v3, v8;
	v7 =	vmul.f32 $1.000000010e-01, v7;
	v6 =	vsub.f32 v6, v4  }
0x2e5: {  	v48 =	vld [tilespmem:s18+$0x82E0]  }
0x2e6: {  	s9 =	sor.u32 $0x460, s17;
	v49 =	vld [tilespmem:s18+$0x2E0];
	[tilespmem:s25+$0x100] =	vst v3;
	v3 =	vadd.f32 v7, v5;
	v5 =	vmul.f32 $1.000000010e-01, v6;
	v6 =	vsub.f32 v10, v9  }
0x2e7: {  	v7 =	vld [tilespmem:s9+$0x8100]  }
0x2e8: {  	v8 =	vld [tilespmem:s9+$0x100];
	[tilespmem:s26+$0x100] =	vst v3;
	v3 =	vadd.f32 v5, v4;
	v4 =	vmul.f32 $1.000000010e-01, v6  }
0x2e9: {  	v50 =	vld [tilespmem:s18+$0x82F0]  }
0x2ea: {  	v51 =	vld [tilespmem:s18+$0x2F0];
	[tilespmem:s28+$0x100] =	vst v3;
	v3 =	vadd.f32 v4, v9  }
0x2eb: {  	v26 =	vld [tilespmem:s18+$0x8100]  }
0x2ec: {  	s8 =	sor.u32 $0x430, s2;
	v52 =	vld [tilespmem:s18+$0x100];
	[tilespmem:s30+$0x100] =	vst v3  }
0x2ed: {  	v3 =	vsub.f32 v8, v7;
	v8 =	vld [tilespmem:s8+$0x8100]  }
0x2ee: {  	v10 =	vld [tilespmem:s8+$0x100]  }
0x2ef: {  	v19 =	vld [tilespmem:s18+$0x8110]  }
0x2f0: {  	v54 =	vld [tilespmem:s18+$0x110]  }
0x2f1: {  	v56 =	vld [tilespmem:s18+$0x120];
	v3 =	vmul.f32 $1.000000010e-01, v3  }
0x2f2: {  	v57 =	vld [tilespmem:s18+$0x130]  }
0x2f3: {  	v3 =	vadd.f32 v3, v7;
	v7 =	vsub.f32 v10, v8;
	v10 =	vld [tilespmem:s18+$0x8280]  }
0x2f4: {  	v59 =	vld [tilespmem:s18+$0x150]  }
0x2f5: {  	v22 =	vld [tilespmem:s18+$0x8160]  }
0x2f6: {  	v60 =	vld [tilespmem:s18+$0x160]  }
0x2f7: {  	v24 =	vld [tilespmem:s18+$0x8170];
	v13 =	vsub.f32 v13, v12  }
0x2f8: {  	v61 =	vld [tilespmem:s18+$0x170];
	v11 =	vsub.f32 v11, v10  }
0x2f9: {  	v28 =	vld [tilespmem:s18+$0x8180];
	v17 =	vsub.f32 v43, v42;
	v13 =	vmul.f32 $1.000000010e-01, v13  }
0x2fa: {  	v62 =	vld [tilespmem:s18+$0x180];
	v15 =	vsub.f32 v15, v14;
	v11 =	vmul.f32 $1.000000010e-01, v11  }
0x2fb: {  	v30 =	vld [tilespmem:s18+$0x8190];
	v53 =	vsub.f32 v47, v46;
	v12 =	vadd.f32 v13, v12;
	v13 =	vmul.f32 $1.000000010e-01, v17  }
0x2fc: {  	v63 =	vld [tilespmem:s18+$0x190];
	v10 =	vadd.f32 v11, v10;
	v11 =	vmul.f32 $1.000000010e-01, v15;
	v15 =	vsub.f32 v45, v44  }
0x2fd: {  	v38 =	vld [tilespmem:s18+$0x81D0];
	v55 =	vsub.f32 v51, v50;
	[tilespmem:s18+$0x290] =	vst v12;
	v12 =	vadd.f32 v13, v42;
	v13 =	vmul.f32 $1.000000010e-01, v53  }
0x2fe: {  	v39 =	vld [tilespmem:s18+$0x1D0];
	[tilespmem:s18+$0x280] =	vst v10;
	v10 =	vadd.f32 v11, v14;
	v11 =	vmul.f32 $1.000000010e-01, v15;
	v14 =	vsub.f32 v49, v48  }
0x2ff: {  	p0 =	por !p0, !p0;
	s4 =	simm.s32 $0x1;
	v40 =	vld [tilespmem:s18+$0x81E0];
	[tilespmem:s18+$0x2B0] =	vst v12;
	v12 =	vadd.f32 v13, v46;
	v13 =	vmul.f32 $1.000000010e-01, v55  }
0x300: {  	s4 =	simm.s32 @!p0 $0x0;
	v41 =	vld [tilespmem:s18+$0x1E0];
	[tilespmem:s18+$0x2A0] =	vst v10;
	v10 =	vadd.f32 v11, v44;
	v11 =	vmul.f32 $1.000000010e-01, v14  }
0x301: {  	v29 =	vld [tilespmem:s18+$0x220];
	s4 =	sshll.u32 s4, $0x9;
	[tilespmem:s18+$0x2D0] =	vst v12;
	v12 =	vadd.f32 v13, v50  }
0x302: {  	v31 =	vld [tilespmem:s18+$0x8230];
	s4 =	sadd.s32 $0x400, s4;
	[tilespmem:s18+$0x2C0] =	vst v10;
	v10 =	vadd.f32 v11, v48  }
0x303: {  	v35 =	vld [tilespmem:s18+$0x230];
	s5 =	sadd.s32 $0x180, s4;
	[tilespmem:s18+$0x2F0] =	vst v12  }
0x304: {  	v37 =	vld [tilespmem:s18+$0x8240];
	s20 =	sor.u32 $0x400, s5;
	[tilespmem:s18+$0x2E0] =	vst v10  }
0x305: {  	v12 =	vld [tilespmem:s20+$0x8100]  }
0x306: {  	v58 =	vld [tilespmem:s20+$0x100]  }
0x307: {  	v51 =	vld [tilespmem:s18+$0x1C0]  }
0x308: {  	v27 =	vsub.f32 v52, v26;
	v52 =	vld [tilespmem:s18+$0x1F0]  }
0x309: {  	v43 =	vld [tilespmem:s18+$0x8250]  }
0x30a: {  	v42 =	vld [tilespmem:s18+$0x81F0]  }
0x30b: {  	v46 =	vld [tilespmem:s18+$0x1A0];
	v18 =	vsub.f32 v58, v12  }
0x30c: {  	s10 =	sor.u32 $0x420, s12;
	v50 =	vld [tilespmem:s18+$0x81C0]  }
0x30d: {  	v5 =	vld [tilespmem:s10+$0x8100];
	v18 =	vmul.f32 $1.000000010e-01, v18  }
0x30e: {  	s11 =	sor.u32 $0x430, s0;
	v6 =	vld [tilespmem:s10+$0x100]  }
0x30f: {  	v9 =	vld [tilespmem:s11+$0x8100];
	v12 =	vadd.f32 v18, v12  }
0x310: {  	v4 =	vld [tilespmem:s11+$0x100]  }
0x311: {  	s21 =	sor.u32 $0x410, s5;
	v15 =	vld [tilespmem:s18+$0x8120];
	[tilespmem:s20+$0x100] =	vst v12  }
0x312: {  	v12 =	vld [tilespmem:s21+$0x8100]  }
0x313: {  	v47 =	vld [tilespmem:s21+$0x100]  }
0x314: {  	v13 =	vld [tilespmem:s18+$0x140];
	v6 =	vsub.f32 v6, v5  }
0x315: {  	v21 =	vsub.f32 v54, v19;
	v54 =	vsub.f32 v60, v22;
	v11 =	vld [tilespmem:s18+$0x8140]  }
0x316: {  	v27 =	vmul.f32 $1.000000010e-01, v27;
	v6 =	vmul.f32 $1.000000010e-01, v6;
	v4 =	vsub.f32 v4, v9;
	v14 =	vld [tilespmem:s18+$0x8130]  }
0x317: {  	v21 =	vmul.f32 $1.000000010e-01, v21;
	v32 =	vsub.f32 v51, v50;
	v51 =	vld [tilespmem:s18+$0x260];
	v17 =	vsub.f32 v56, v15  }
0x318: {  	s19 =	sor.u32 $0x470, s17;
	[tilespmem:s9+$0x100] =	vst v3;
	v5 =	vadd.f32 v6, v5;
	v6 =	vmul.f32 $1.000000010e-01, v4;
	v10 =	vld [tilespmem:s18+$0x8150];
	v33 =	vsub.f32 v47, v12  }
0x319: {  	v26 =	vadd.f32 v27, v26;
	v19 =	vadd.f32 v21, v19;
	v3 =	vld [tilespmem:s19+$0x8100];
	v17 =	vmul.f32 $1.000000010e-01, v17  }
0x31a: {  	v4 =	vld [tilespmem:s19+$0x100];
	[tilespmem:s10+$0x100] =	vst v5;
	v5 =	vadd.f32 v6, v9;
	v13 =	vsub.f32 v13, v11;
	v33 =	vmul.f32 $1.000000010e-01, v33  }
0x31b: {  	s13 =	sor.u32 $0x430, s12;
	[tilespmem:s18+$0x100] =	vst v26;
	v45 =	vld [tilespmem:s18+$0x81A0];
	v16 =	vsub.f32 v57, v14;
	v15 =	vadd.f32 v17, v15  }
0x31c: {  	[tilespmem:s18+$0x110] =	vst v19;
	v6 =	vmul.f32 $1.000000010e-01, v7;
	v7 =	vld [tilespmem:s13+$0x8100];
	v13 =	vmul.f32 $1.000000010e-01, v13;
	v12 =	vadd.f32 v33, v12  }
0x31d: {  	v49 =	vld [tilespmem:s18+$0x1B0];
	v16 =	vmul.f32 $1.000000010e-01, v16;
	v20 =	vsub.f32 v59, v10;
	[tilespmem:s18+$0x120] =	vst v15  }
0x31e: {  	s22 =	sor.u32 $0x420, s5;
	v48 =	vld [tilespmem:s18+$0x81B0];
	v15 =	vsub.f32 v62, v28;
	v11 =	vadd.f32 v13, v11;
	v13 =	vmul.f32 $1.000000010e-01, v54;
	[tilespmem:s21+$0x100] =	vst v12  }
0x31f: {  	[tilespmem:s11+$0x100] =	vst v5;
	v57 =	vsub.f32 v61, v24;
	v14 =	vadd.f32 v16, v14;
	v56 =	vmul.f32 $1.000000010e-01, v20;
	v53 =	vld [tilespmem:s22+$0x8100]  }
0x320: {  	[tilespmem:s18+$0x140] =	vst v11;
	v11 =	vadd.f32 v13, v22;
	v13 =	vmul.f32 $1.000000010e-01, v15;
	v15 =	vsub.f32 v46, v45;
	v55 =	vld [tilespmem:s22+$0x100]  }
0x321: {  	v60 =	vsub.f32 v63, v30;
	v9 =	vld [tilespmem:s13+$0x100];
	[tilespmem:s18+$0x130] =	vst v14;
	v14 =	vmul.f32 $1.000000010e-01, v57;
	v10 =	vadd.f32 v56, v10  }
0x322: {  	v61 =	vld [tilespmem:s18+$0x210];
	[tilespmem:s18+$0x160] =	vst v11;
	v11 =	vadd.f32 v13, v28;
	v13 =	vmul.f32 $1.000000010e-01, v15  }
0x323: {  	v63 =	vsub.f32 v49, v48;
	v59 =	vld [tilespmem:s18+$0x8210];
	[tilespmem:s18+$0x150] =	vst v10;
	v10 =	vadd.f32 v14, v24;
	v14 =	vmul.f32 $1.000000010e-01, v60  }
0x324: {  	v58 =	vld [tilespmem:s18+$0x200];
	[tilespmem:s18+$0x180] =	vst v11;
	v11 =	vadd.f32 v13, v45;
	v13 =	vsub.f32 v39, v38  }
0x325: {  	s14 =	sor.u32 $0x440, s0;
	[tilespmem:s18+$0x170] =	vst v10;
	v10 =	vadd.f32 v14, v30;
	v14 =	vmul.f32 $1.000000010e-01, v63;
	v12 =	vld [tilespmem:s18+$0x8200];
	v15 =	vsub.f32 v55, v53  }
0x326: {  	v5 =	vadd.f32 v6, v8;
	v6 =	vld [tilespmem:s14+$0x8100];
	[tilespmem:s18+$0x1A0] =	vst v11;
	v11 =	vmul.f32 $1.000000010e-01, v13  }
0x327: {  	v62 =	vld [tilespmem:s18+$0x8220];
	[tilespmem:s18+$0x190] =	vst v10;
	v10 =	vadd.f32 v14, v48;
	v13 =	vsub.f32 v52, v42;
	v15 =	vmul.f32 $1.000000010e-01, v15  }
0x328: {  	v8 =	vld [tilespmem:s14+$0x100];
	[tilespmem:s8+$0x100] =	vst v5;
	v39 =	vsub.f32 v41, v40;
	v14 =	vmul.f32 $1.000000010e-01, v32;
	v11 =	vadd.f32 v11, v38  }
0x329: {  	v19 =	vsub.f32 v61, v59;
	v41 =	vld [tilespmem:s18+$0x240];
	[tilespmem:s18+$0x1B0] =	vst v10;
	v13 =	vmul.f32 $1.000000010e-01, v13;
	v15 =	vadd.f32 v15, v53  }
0x32a: {  	s17 =	sor.u32 $0x440, s2;
	v45 =	vld [tilespmem:s18+$0x250];
	v10 =	vadd.f32 v14, v50;
	v14 =	vmul.f32 $1.000000010e-01, v39;
	[tilespmem:s18+$0x1D0] =	vst v11;
	v44 =	vsub.f32 v58, v12  }
0x32b: {  	s11 =	sor.u32 $0x430, s5;
	v5 =	vld [tilespmem:s17+$0x8100];
	v48 =	vsub.f32 v35, v31;
	v11 =	vadd.f32 v13, v42;
	v13 =	vmul.f32 $1.000000010e-01, v19;
	[tilespmem:s22+$0x100] =	vst v15  }
0x32c: {  	v46 =	vsub.f32 v29, v62;
	[tilespmem:s18+$0x1C0] =	vst v10;
	v10 =	vadd.f32 v14, v40;
	v14 =	vmul.f32 $1.000000010e-01, v44;
	v47 =	vld [tilespmem:s11+$0x8100]  }
0x32d: {  	s23 =	sor.u32 $0x400, s4;
	[tilespmem:s18+$0x1F0] =	vst v11;
	v11 =	vadd.f32 v13, v59;
	v13 =	vmul.f32 $1.000000010e-01, v48;
	v49 =	vld [tilespmem:s11+$0x100]  }
0x32e: {  	v54 =	vld [tilespmem:s23+$0x100];
	[tilespmem:s18+$0x1E0] =	vst v10;
	v10 =	vadd.f32 v14, v12;
	v12 =	vmul.f32 $1.000000010e-01, v46;
	v14 =	vsub.f32 v41, v37  }
0x32f: {  	v9 =	vsub.f32 v9, v7;
	v50 =	vld [tilespmem:s18+$0x8260];
	v52 =	vsub.f32 v45, v43;
	[tilespmem:s18+$0x210] =	vst v11  }
0x330: {  	v11 =	vadd.f32 v13, v31;
	v13 =	vld [tilespmem:s18+$0x270];
	[tilespmem:s18+$0x200] =	vst v10;
	v10 =	vadd.f32 v12, v62;
	v12 =	vmul.f32 $1.000000010e-01, v14  }
0x331: {  	v9 =	vmul.f32 $1.000000010e-01, v9;
	v14 =	vld [tilespmem:s18+$0x8270]  }
0x332: {  	s8 =	sadd.s32 $0x80, s4;
	v19 =	vmul.f32 $1.000000010e-01, v52;
	v15 =	vld [tilespmem:s17+$0x100];
	[tilespmem:s18+$0x220] =	vst v10;
	v10 =	vadd.f32 v12, v37;
	v53 =	vsub.f32 v49, v47  }
0x333: {  	s24 =	sor.u32 $0x400, s8;
	v7 =	vadd.f32 v9, v7;
	[tilespmem:s18+$0x230] =	vst v11;
	v12 =	vld [tilespmem:s23+$0x8100]  }
0x334: {  	v8 =	vsub.f32 v8, v6;
	v9 =	vld [tilespmem:s24+$0x8100];
	v11 =	vadd.f32 v19, v43;
	[tilespmem:s18+$0x240] =	vst v10;
	v10 =	vmul.f32 $1.000000010e-01, v53  }
0x335: {  	s25 =	sor.u32 $0x440, s12;
	s9 =	sadd.s32 $0x100, s4;
	[tilespmem:s13+$0x100] =	vst v7;
	v17 =	vsub.f32 v51, v50;
	v55 =	vld [tilespmem:s24+$0x100]  }
0x336: {  	s10 =	sor.u32 $0x400, s9;
	v8 =	vmul.f32 $1.000000010e-01, v8;
	v56 =	vld [tilespmem:s25+$0x8100];
	[tilespmem:s18+$0x250] =	vst v11;
	v7 =	vsub.f32 v13, v14;
	v10 =	vadd.f32 v10, v47  }
0x337: {  	v11 =	vld [tilespmem:s10+$0x100];
	v13 =	vsub.f32 v15, v5;
	v15 =	vmul.f32 $1.000000010e-01, v17  }
0x338: {  	s26 =	sor.u32 $0x440, s5;
	v6 =	vadd.f32 v8, v6;
	v8 =	vsub.f32 v54, v12;
	v7 =	vmul.f32 $1.000000010e-01, v7;
	[tilespmem:s11+$0x100] =	vst v10;
	v10 =	vld [tilespmem:s25+$0x100]  }
0x339: {  	v13 =	vmul.f32 $1.000000010e-01, v13;
	v15 =	vadd.f32 v15, v50;
	v57 =	vld [tilespmem:s26+$0x8100]  }
0x33a: {  	s28 =	sor.u32 $0x450, s0;
	[tilespmem:s14+$0x100] =	vst v6;
	v6 =	vmul.f32 $1.000000010e-01, v8;
	v8 =	vsub.f32 v55, v9;
	v7 =	vadd.f32 v7, v14;
	v14 =	vld [tilespmem:s26+$0x100]  }
0x33b: {  	v5 =	vadd.f32 v13, v5;
	[tilespmem:s18+$0x260] =	vst v15;
	v13 =	vld [tilespmem:s28+$0x8100]  }
0x33c: {  	v6 =	vadd.f32 v6, v12;
	v8 =	vmul.f32 $1.000000010e-01, v8;
	[tilespmem:s18+$0x270] =	vst v7;
	v7 =	vld [tilespmem:s28+$0x100]  }
0x33d: {  	s30 =	sor.u32 $0x450, s2;
	[tilespmem:s17+$0x100] =	vst v5;
	v5 =	vld [tilespmem:s10+$0x8100];
	v10 =	vsub.f32 v10, v56  }
0x33e: {  	s6 =	sor.u32 $0x410, s4;
	[tilespmem:s23+$0x100] =	vst v6;
	v6 =	vadd.f32 v8, v9;
	v8 =	vld [tilespmem:s30+$0x8100]  }
0x33f: {  	v9 =	vld [tilespmem:s6+$0x8100];
	v12 =	vsub.f32 v14, v57;
	v10 =	vmul.f32 $1.000000010e-01, v10  }
0x340: {  	s13 =	sor.u32 $0x410, s8;
	[tilespmem:s24+$0x100] =	vst v6;
	v14 =	vld [tilespmem:s6+$0x100]  }
0x341: {  	v6 =	vld [tilespmem:s13+$0x8100];
	v7 =	vsub.f32 v7, v13;
	v12 =	vmul.f32 $1.000000010e-01, v12;
	v10 =	vadd.f32 v10, v56  }
0x342: {  	v15 =	vld [tilespmem:s13+$0x100];
	v11 =	vsub.f32 v11, v5  }
0x343: {  	s14 =	sor.u32 $0x450, s12;
	v58 =	vld [tilespmem:s30+$0x100];
	v7 =	vmul.f32 $1.000000010e-01, v7;
	v12 =	vadd.f32 v12, v57;
	[tilespmem:s25+$0x100] =	vst v10  }
0x344: {  	v10 =	vmul.f32 $1.000000010e-01, v11;
	v11 =	vld [tilespmem:s14+$0x8100]  }
0x345: {  	s15 =	sor.u32 $0x450, s5;
	v7 =	vadd.f32 v7, v13;
	v14 =	vsub.f32 v14, v9;
	[tilespmem:s26+$0x100] =	vst v12;
	v12 =	vld [tilespmem:s14+$0x100]  }
0x346: {  	v5 =	vadd.f32 v10, v5;
	v10 =	vld [tilespmem:s15+$0x8100]  }
0x347: {  	s16 =	sor.u32 $0x460, s0;
	[tilespmem:s28+$0x100] =	vst v7;
	v13 =	vmul.f32 $1.000000010e-01, v14;
	v14 =	vsub.f32 v15, v6;
	v15 =	vld [tilespmem:s15+$0x100]  }
0x348: {  	s17 =	sor.u32 $0x410, s9;
	[tilespmem:s10+$0x100] =	vst v5;
	v5 =	vld [tilespmem:s16+$0x8100]  }
0x349: {  	v7 =	vsub.f32 v58, v8;
	v9 =	vadd.f32 v13, v9;
	v13 =	vmul.f32 $1.000000010e-01, v14;
	v14 =	vld [tilespmem:s17+$0x8100]  }
0x34a: {  	v59 =	vld [tilespmem:s17+$0x100]  }
0x34b: {  	s18 =	sor.u32 $0x420, s4;
	v7 =	vmul.f32 $1.000000010e-01, v7;
	v12 =	vsub.f32 v12, v11;
	[tilespmem:s6+$0x100] =	vst v9;
	v6 =	vadd.f32 v13, v6;
	v9 =	vld [tilespmem:s16+$0x100]  }
0x34c: {  	v13 =	vld [tilespmem:s18+$0x8100];
	v15 =	vsub.f32 v15, v10  }
0x34d: {  	s20 =	sor.u32 $0x420, s8;
	v7 =	vadd.f32 v7, v8;
	v8 =	vmul.f32 $1.000000010e-01, v12;
	v12 =	vld [tilespmem:s18+$0x100];
	[tilespmem:s13+$0x100] =	vst v6  }
0x34e: {  	v6 =	vld [tilespmem:s20+$0x8100];
	v15 =	vmul.f32 $1.000000010e-01, v15  }
0x34f: {  	s21 =	sor.u32 $0x460, s2;
	[tilespmem:s30+$0x100] =	vst v7;
	v7 =	vadd.f32 v8, v11;
	v8 =	vld [tilespmem:s20+$0x100];
	v11 =	vsub.f32 v59, v14  }
0x350: {  	v10 =	vadd.f32 v15, v10;
	v15 =	vld [tilespmem:s21+$0x8100]  }
0x351: {  	s23 =	sor.u32 $0x460, s12;
	v9 =	vsub.f32 v9, v5;
	[tilespmem:s14+$0x100] =	vst v7;
	v7 =	vmul.f32 $1.000000010e-01, v11;
	v11 =	vld [tilespmem:s21+$0x100]  }
0x352: {  	s24 =	sor.u32 $0x460, s5;
	v12 =	vsub.f32 v12, v13;
	[tilespmem:s15+$0x100] =	vst v10;
	v10 =	vld [tilespmem:s23+$0x8100]  }
0x353: {  	v9 =	vmul.f32 $1.000000010e-01, v9;
	v7 =	vadd.f32 v7, v14;
	v14 =	vld [tilespmem:s24+$0x8100]  }
0x354: {  	v60 =	vld [tilespmem:s24+$0x100];
	v12 =	vmul.f32 $1.000000010e-01, v12;
	v8 =	vsub.f32 v8, v6  }
0x355: {  	s25 =	sor.u32 $0x420, s9;
	v5 =	vadd.f32 v9, v5;
	[tilespmem:s17+$0x100] =	vst v7;
	v7 =	vld [tilespmem:s23+$0x100]  }
0x356: {  	v9 =	vadd.f32 v12, v13;
	v8 =	vmul.f32 $1.000000010e-01, v8;
	v12 =	vld [tilespmem:s25+$0x8100]  }
0x357: {  	s22 =	sor.u32 $0x470, s0;
	[tilespmem:s16+$0x100] =	vst v5;
	v5 =	vsub.f32 v11, v15;
	v11 =	vld [tilespmem:s25+$0x100]  }
0x358: {  	s28 =	sor.u32 $0x430, s4;
	[tilespmem:s18+$0x100] =	vst v9;
	v6 =	vadd.f32 v8, v6;
	v9 =	vld [tilespmem:s22+$0x8100]  }
0x359: {  	v5 =	vmul.f32 $1.000000010e-01, v5;
	v13 =	vsub.f32 v60, v14;
	v8 =	vld [tilespmem:s28+$0x8100]  }
0x35a: {  	s30 =	sor.u32 $0x430, s8;
	v61 =	vld [tilespmem:s28+$0x100];
	[tilespmem:s20+$0x100] =	vst v6  }
0x35b: {  	v5 =	vadd.f32 v5, v15;
	v6 =	vsub.f32 v7, v10;
	v13 =	vmul.f32 $1.000000010e-01, v13;
	v7 =	vld [tilespmem:s30+$0x8100]  }
0x35c: {  	v15 =	vld [tilespmem:s30+$0x100]  }
0x35d: {  	s0 =	sor.u32 $0x470, s2;
	v11 =	vsub.f32 v11, v12;
	[tilespmem:s21+$0x100] =	vst v5;
	v6 =	vmul.f32 $1.000000010e-01, v6;
	v13 =	vadd.f32 v13, v14;
	v14 =	vld [tilespmem:s22+$0x100]  }
0x35e: {  	v4 =	vsub.f32 v4, v3;
	v5 =	vld [tilespmem:s0+$0x8100]  }
0x35f: {  	s1 =	sor.u32 $0x470, s5;
	v11 =	vmul.f32 $1.000000010e-01, v11;
	v10 =	vadd.f32 v6, v10;
	v16 =	vsub.f32 v61, v8;
	[tilespmem:s24+$0x100] =	vst v13;
	v13 =	vld [tilespmem:s0+$0x100]  }
0x360: {  	v62 =	vmul.f32 $1.000000010e-01, v4;
	v6 =	vld [tilespmem:s1+$0x8100]  }
0x361: {  	s2 =	sor.u32 $0x470, s12;
	v11 =	vadd.f32 v11, v12;
	[tilespmem:s23+$0x100] =	vst v10;
	v10 =	vmul.f32 $1.000000010e-01, v16;
	v12 =	vsub.f32 v15, v7;
	v15 =	vld [tilespmem:s1+$0x100]  }
0x362: {  	s29 =	sor.u32 $0x470, s4;
	v16 =	vadd.f32 v62, v3;
	v4 =	vld [tilespmem:s2+$0x8100]  }
0x363: {  	s31 =	sor.u32 $0x470, s9;
	s12 =	sor.u32 $0x460, s9;
	s26 =	sor.u32 $0x430, s9;
	[tilespmem:s25+$0x100] =	vst v11;
	v11 =	vsub.f32 v14, v9;
	v3 =	vld [tilespmem:s2+$0x100];
	v8 =	vadd.f32 v10, v8;
	v14 =	vmul.f32 $1.000000010e-01, v12  }
0x364: {  	s5 =	sor.u32 $0x470, s8;
	s13 =	sor.u32 $0x460, s8;
	s14 =	sor.u32 $0x460, s4;
	v10 =	vld [tilespmem:s26+$0x8100]  }
0x365: {  	s15 =	sor.u32 $0x450, s9;
	s17 =	sor.u32 $0x440, s9;
	s25 =	sor.u32 $0x440, s4;
	v12 =	vld [tilespmem:s26+$0x100];
	v63 =	vmul.f32 $1.000000010e-01, v11;
	v13 =	vsub.f32 v13, v5;
	[tilespmem:s28+$0x100] =	vst v8;
	v14 =	vadd.f32 v14, v7  }
0x366: {  	s16 =	sor.u32 $0x450, s8;
	s18 =	sor.u32 $0x450, s4;
	s20 =	simm.s32 $0x400;
	[tilespmem:s19+$0x100] =	vst v16;
	v11 =	vld [tilespmem:s25+$0x8100]  }
0x367: {  	s21 =	simm.s32 $0x800;
	s23 =	sor.u32 $0x440, s8;
	s19 =	simm.s32 $0x4;
	v8 =	vsub.f32 v15, v6;
	v7 =	vadd.f32 v63, v9;
	v9 =	vmul.f32 $1.000000010e-01, v13;
	v13 =	vld [tilespmem:s25+$0x100];
	[tilespmem:s30+$0x100] =	vst v14  }
.LBB2_4:
0x368: {  	_ = 	snop  }
0x369: {  	s3 =	sand.u32 $0x7800, s21;
	s4 =	sand.u32 $0x200, s20;
	v14 =	vld [tilespmem:s23+$0x8100];
	v8 =	vmul.f32 $1.000000010e-01, v8;
	v5 =	vadd.f32 v9, v5  }
0x36a: {  	[tilespmem:s22+$0x100] =	vst v7;
	s8 =	sor.u32 s4, s3;
	v7 =	vld [tilespmem:s23+$0x100]  }
0x36b: {  	v6 =	vadd.f32 v8, v6;
	[tilespmem:s0+$0x100] =	vst v5;
	v5 =	vld [tilespmem:s8+$0x280];
	v9 =	vsub.f32 v12, v10  }
0x36c: {  	v12 =	vld [tilespmem:s8+$0x8280]  }
0x36d: {  	v8 =	vmul.f32 $1.000000010e-01, v9;
	v9 =	vld [tilespmem:s8+$0x8290];
	[tilespmem:s1+$0x100] =	vst v6  }
0x36e: {  	v3 =	vsub.f32 v3, v4;
	v6 =	vld [tilespmem:s8+$0x290]  }
0x36f: {  	v13 =	vsub.f32 v13, v11;
	v15 =	vld [tilespmem:s8+$0x82E0]  }
0x370: {  	v3 =	vmul.f32 $1.000000010e-01, v3;
	v16 =	vld [tilespmem:s8+$0x2E0]  }
0x371: {  	v13 =	vmul.f32 $1.000000010e-01, v13;
	v8 =	vadd.f32 v8, v10;
	v10 =	vld [tilespmem:s8+$0x82A0]  }
0x372: {  	v7 =	vsub.f32 v7, v14;
	v3 =	vadd.f32 v3, v4;
	v4 =	vld [tilespmem:s8+$0x2A0]  }
0x373: {  	v11 =	vadd.f32 v13, v11;
	v13 =	vld [tilespmem:s8+$0x82C0]  }
0x374: {  	v7 =	vmul.f32 $1.000000010e-01, v7;
	[tilespmem:s26+$0x100] =	vst v8;
	v8 =	vld [tilespmem:s8+$0x82B0]  }
0x375: {  	[tilespmem:s25+$0x100] =	vst v11;
	v11 =	vld [tilespmem:s8+$0x2C0]  }
0x376: {  	v7 =	vadd.f32 v7, v14;
	[tilespmem:s2+$0x100] =	vst v3;
	v3 =	vld [tilespmem:s8+$0x2B0]  }
0x377: {  	v14 =	vld [tilespmem:s8+$0x82D0]  }
0x378: {  	v5 =	vsub.f32 v5, v12;
	[tilespmem:s23+$0x100] =	vst v7;
	v7 =	vld [tilespmem:s8+$0x2D0]  }
0x379: {  	v17 =	vld [tilespmem:s8+$0x82F0];
	v6 =	vsub.f32 v6, v9  }
0x37a: {  	v18 =	vld [tilespmem:s8+$0x2F0];
	v5 =	vmul.f32 $1.000000010e-01, v5;
	v4 =	vsub.f32 v4, v10  }
0x37b: {  	v19 =	vld [tilespmem:s8+$0x8100];
	v6 =	vmul.f32 $1.000000010e-01, v6;
	v3 =	vsub.f32 v3, v8  }
0x37c: {  	v20 =	vld [tilespmem:s8+$0x100];
	v5 =	vadd.f32 v5, v12;
	v4 =	vmul.f32 $1.000000010e-01, v4;
	v11 =	vsub.f32 v11, v13  }
0x37d: {  	v12 =	vld [tilespmem:s8+$0x8110];
	v6 =	vadd.f32 v6, v9;
	v7 =	vsub.f32 v7, v14;
	v3 =	vmul.f32 $1.000000010e-01, v3  }
0x37e: {  	[tilespmem:s8+$0x280] =	vst v5;
	v9 =	vld [tilespmem:s8+$0x110];
	v4 =	vadd.f32 v4, v10;
	v5 =	vmul.f32 $1.000000010e-01, v11;
	v10 =	vsub.f32 v16, v15  }
0x37f: {  	v11 =	vld [tilespmem:s8+$0x8120];
	[tilespmem:s8+$0x290] =	vst v6;
	v6 =	vmul.f32 $1.000000010e-01, v7;
	v7 =	vsub.f32 v18, v17;
	v3 =	vadd.f32 v3, v8  }
0x380: {  	p0 =	por !p0, !p0;
	s1 =	simm.s32 $0x1;
	[tilespmem:s8+$0x2A0] =	vst v4;
	v4 =	vadd.f32 v5, v13;
	v5 =	vmul.f32 $1.000000010e-01, v10;
	v8 =	vld [tilespmem:s8+$0x120]  }
0x381: {  	s1 =	simm.s32 @!p0 $0x0;
	v10 =	vsub.f32 v20, v19;
	v13 =	vld [tilespmem:s8+$0x8130];
	[tilespmem:s8+$0x2B0] =	vst v3;
	v3 =	vadd.f32 v6, v14;
	v6 =	vmul.f32 $1.000000010e-01, v7  }
0x382: {  	s1 =	sshll.u32 s1, $0x9;
	[tilespmem:s8+$0x2C0] =	vst v4;
	v4 =	vadd.f32 v5, v15;
	v7 =	vld [tilespmem:s8+$0x130]  }
0x383: {  	s6 =	smov.u32 s29;
	s29 =	sadd.s32 s1, s21;
	v5 =	vmul.f32 $1.000000010e-01, v10;
	v9 =	vsub.f32 v9, v12;
	v10 =	vld [tilespmem:s8+$0x8140];
	[tilespmem:s8+$0x2D0] =	vst v3;
	v3 =	vadd.f32 v6, v17  }
0x384: {  	s24 =	smov.u32 s31;
	s22 =	smov.u32 s5;
	s5 =	sadd.s32 $0x180, s29;
	[tilespmem:s8+$0x2E0] =	vst v4;
	v6 =	vld [tilespmem:s8+$0x140]  }
0x385: {  	[dreg:$0xc] =	wrdreg s24;
	s24 =	sor.u32 $0x400, s5;
	v4 =	vadd.f32 v5, v19;
	v5 =	vmul.f32 $1.000000010e-01, v9;
	v9 =	vld [tilespmem:s8+$0x8150];
	v8 =	vsub.f32 v8, v11;
	[tilespmem:s8+$0x2F0] =	vst v3  }
0x386: {  	v3 =	vld [tilespmem:s24+$0x8100]  }
0x387: {  	[tilespmem:s8+$0x100] =	vst v4;
	v4 =	vadd.f32 v5, v12;
	v5 =	vmul.f32 $1.000000010e-01, v8;
	v7 =	vsub.f32 v7, v13;
	v8 =	vld [tilespmem:s24+$0x100]  }
0x388: {  	v12 =	vld [tilespmem:s8+$0x150]  }
0x389: {  	[tilespmem:s8+$0x110] =	vst v4;
	v4 =	vadd.f32 v5, v11;
	v5 =	vmul.f32 $1.000000010e-01, v7;
	v6 =	vsub.f32 v6, v10;
	v7 =	vld [tilespmem:s8+$0x8160]  }
0x38a: {  	v11 =	vld [tilespmem:s8+$0x160]  }
0x38b: {  	[tilespmem:s8+$0x120] =	vst v4;
	v4 =	vadd.f32 v5, v13;
	v5 =	vmul.f32 $1.000000010e-01, v6;
	v6 =	vld [tilespmem:s8+$0x8170]  }
0x38c: {  	v13 =	vld [tilespmem:s8+$0x170];
	v8 =	vsub.f32 v8, v3  }
0x38d: {  	[tilespmem:s8+$0x130] =	vst v4;
	v4 =	vadd.f32 v5, v10;
	v5 =	vsub.f32 v12, v9;
	v10 =	vld [tilespmem:s8+$0x8180]  }
0x38e: {  	v12 =	vld [tilespmem:s8+$0x180];
	v8 =	vmul.f32 $1.000000010e-01, v8  }
0x38f: {  	v14 =	vld [tilespmem:s8+$0x190];
	[tilespmem:s8+$0x140] =	vst v4;
	v4 =	vmul.f32 $1.000000010e-01, v5;
	v5 =	vsub.f32 v11, v7  }
0x390: {  	v11 =	vld [tilespmem:s8+$0x8190];
	v3 =	vadd.f32 v8, v3  }
0x391: {  	v8 =	vsub.f32 v13, v6;
	v13 =	vld [tilespmem:s8+$0x1A0];
	v4 =	vadd.f32 v4, v9;
	v5 =	vmul.f32 $1.000000010e-01, v5  }
0x392: {  	v9 =	vld [tilespmem:s8+$0x81A0];
	[tilespmem:s24+$0x100] =	vst v3;
	s24 =	sor.u32 $0x410, s5  }
0x393: {  	[tilespmem:s8+$0x150] =	vst v4;
	v3 =	vadd.f32 v5, v7;
	v4 =	vmul.f32 $1.000000010e-01, v8;
	v5 =	vsub.f32 v12, v10;
	v7 =	vld [tilespmem:s24+$0x8100]  }
0x394: {  	v8 =	vld [tilespmem:s24+$0x100]  }
0x395: {  	v12 =	vld [tilespmem:s8+$0x1B0];
	[tilespmem:s8+$0x160] =	vst v3;
	v3 =	vadd.f32 v4, v6;
	v4 =	vmul.f32 $1.000000010e-01, v5;
	v5 =	vsub.f32 v14, v11  }
0x396: {  	v6 =	vld [tilespmem:s8+$0x81B0]  }
0x397: {  	[tilespmem:s8+$0x170] =	vst v3;
	v3 =	vadd.f32 v4, v10;
	v4 =	vmul.f32 $1.000000010e-01, v5;
	v5 =	vsub.f32 v13, v9;
	v10 =	vld [tilespmem:s8+$0x81C0]  }
0x398: {  	v13 =	vld [tilespmem:s8+$0x1C0]  }
0x399: {  	v8 =	vsub.f32 v8, v7;
	[tilespmem:s8+$0x180] =	vst v3;
	v3 =	vadd.f32 v4, v11;
	v4 =	vmul.f32 $1.000000010e-01, v5;
	v5 =	vld [tilespmem:s8+$0x81D0]  }
0x39a: {  	v11 =	vld [tilespmem:s8+$0x1D0]  }
0x39b: {  	v8 =	vmul.f32 $1.000000010e-01, v8;
	[tilespmem:s8+$0x190] =	vst v3;
	v3 =	vadd.f32 v4, v9;
	v4 =	vsub.f32 v12, v6;
	v9 =	vld [tilespmem:s8+$0x81E0]  }
0x39c: {  	v12 =	vld [tilespmem:s8+$0x1E0]  }
0x39d: {  	v7 =	vadd.f32 v8, v7;
	v8 =	vld [tilespmem:s8+$0x1F0];
	[tilespmem:s8+$0x1A0] =	vst v3;
	v3 =	vmul.f32 $1.000000010e-01, v4;
	v4 =	vsub.f32 v13, v10  }
0x39e: {  	v13 =	vld [tilespmem:s8+$0x81F0]  }
0x39f: {  	[tilespmem:s24+$0x100] =	vst v7;
	s24 =	sor.u32 $0x420, s5;
	v3 =	vadd.f32 v3, v6;
	v4 =	vmul.f32 $1.000000010e-01, v4;
	v6 =	vsub.f32 v11, v5;
	v11 =	vld [tilespmem:s8+$0x8200]  }
0x3a0: {  	v7 =	vld [tilespmem:s24+$0x8100]  }
0x3a1: {  	[tilespmem:s8+$0x1B0] =	vst v3;
	v3 =	vadd.f32 v4, v10;
	v4 =	vmul.f32 $1.000000010e-01, v6;
	v6 =	vsub.f32 v12, v9;
	v10 =	vld [tilespmem:s24+$0x100]  }
0x3a2: {  	v12 =	vld [tilespmem:s8+$0x200]  }
0x3a3: {  	[tilespmem:s8+$0x1C0] =	vst v3;
	v3 =	vadd.f32 v4, v5;
	v4 =	vmul.f32 $1.000000010e-01, v6;
	v5 =	vsub.f32 v8, v13;
	v6 =	vld [tilespmem:s8+$0x8210]  }
0x3a4: {  	v8 =	vld [tilespmem:s8+$0x210]  }
0x3a5: {  	[tilespmem:s8+$0x1D0] =	vst v3;
	v3 =	vadd.f32 v4, v9;
	v4 =	vmul.f32 $1.000000010e-01, v5;
	v5 =	vld [tilespmem:s8+$0x8220]  }
0x3a6: {  	v9 =	vld [tilespmem:s8+$0x220];
	v10 =	vsub.f32 v10, v7  }
0x3a7: {  	[tilespmem:s8+$0x1E0] =	vst v3;
	v3 =	vadd.f32 v4, v13;
	v4 =	vsub.f32 v12, v11;
	v12 =	vld [tilespmem:s8+$0x8230]  }
0x3a8: {  	v13 =	vld [tilespmem:s8+$0x230];
	v10 =	vmul.f32 $1.000000010e-01, v10  }
0x3a9: {  	v14 =	vld [tilespmem:s8+$0x240];
	[tilespmem:s8+$0x1F0] =	vst v3;
	v3 =	vmul.f32 $1.000000010e-01, v4;
	v4 =	vsub.f32 v8, v6  }
0x3aa: {  	v8 =	vld [tilespmem:s8+$0x8240];
	v7 =	vadd.f32 v10, v7  }
0x3ab: {  	v9 =	vsub.f32 v9, v5;
	v10 =	vld [tilespmem:s8+$0x8250];
	v3 =	vadd.f32 v3, v11;
	v4 =	vmul.f32 $1.000000010e-01, v4  }
0x3ac: {  	v11 =	vld [tilespmem:s8+$0x250];
	[tilespmem:s24+$0x100] =	vst v7;
	s24 =	sor.u32 $0x430, s5  }
0x3ad: {  	[tilespmem:s8+$0x200] =	vst v3;
	v3 =	vadd.f32 v4, v6;
	v4 =	vmul.f32 $1.000000010e-01, v9;
	v6 =	vsub.f32 v13, v12;
	v7 =	vld [tilespmem:s24+$0x8100]  }
0x3ae: {  	v9 =	vld [tilespmem:s24+$0x100]  }
0x3af: {  	v13 =	vld [tilespmem:s8+$0x260];
	[tilespmem:s8+$0x210] =	vst v3;
	v3 =	vadd.f32 v4, v5;
	v4 =	vmul.f32 $1.000000010e-01, v6;
	v5 =	vsub.f32 v14, v8  }
0x3b0: {  	v6 =	vld [tilespmem:s8+$0x8260]  }
0x3b1: {  	[tilespmem:s8+$0x220] =	vst v3;
	v3 =	vadd.f32 v4, v12;
	v4 =	vmul.f32 $1.000000010e-01, v5;
	v5 =	vsub.f32 v11, v10;
	v11 =	vld [tilespmem:s8+$0x8270]  }
0x3b2: {  	s3 =	sor.u32 $0x400, s29;
	v12 =	vld [tilespmem:s8+$0x270]  }
0x3b3: {  	v14 =	vld [tilespmem:s3+$0x8100];
	[tilespmem:s8+$0x230] =	vst v3;
	v3 =	vadd.f32 v4, v8;
	v4 =	vmul.f32 $1.000000010e-01, v5  }
0x3b4: {  	s31 =	sadd.s32 $0x80, s29;
	v5 =	vsub.f32 v9, v7;
	v8 =	vld [tilespmem:s3+$0x100]  }
0x3b5: {  	s10 =	sor.u32 $0x400, s31;
	[tilespmem:s8+$0x240] =	vst v3;
	v3 =	vadd.f32 v4, v10;
	v4 =	vsub.f32 v13, v6  }
0x3b6: {  	s0 =	sadd.s32 $0x100, s29;
	v9 =	vld [tilespmem:s10+$0x8100];
	v5 =	vmul.f32 $1.000000010e-01, v5  }
0x3b7: {  	[dreg:$0x6] =	wrdreg s22;
	s22 =	sor.u32 $0x400, s0;
	v10 =	vld [tilespmem:s10+$0x100];
	[tilespmem:s8+$0x250] =	vst v3;
	v3 =	vmul.f32 $1.000000010e-01, v4;
	v4 =	vsub.f32 v12, v11  }
0x3b8: {  	v12 =	vld [tilespmem:s22+$0x100];
	v5 =	vadd.f32 v5, v7  }
0x3b9: {  	v7 =	vld [tilespmem:s17+$0x8100];
	v8 =	vsub.f32 v8, v14;
	v3 =	vadd.f32 v3, v6;
	v4 =	vmul.f32 $1.000000010e-01, v4  }
0x3ba: {  	[tilespmem:s24+$0x100] =	vst v5;
	s24 =	sor.u32 $0x440, s5;
	v5 =	vld [tilespmem:s17+$0x100]  }
0x3bb: {  	v6 =	vld [tilespmem:s24+$0x8100];
	v8 =	vmul.f32 $1.000000010e-01, v8;
	[tilespmem:s8+$0x260] =	vst v3;
	v3 =	vadd.f32 v4, v11  }
0x3bc: {  	v10 =	vsub.f32 v10, v9;
	v4 =	vld [tilespmem:s24+$0x100]  }
0x3bd: {  	v11 =	vld [tilespmem:s18+$0x8100];
	v8 =	vadd.f32 v8, v14;
	[tilespmem:s8+$0x270] =	vst v3  }
0x3be: {  	v10 =	vmul.f32 $1.000000010e-01, v10;
	v13 =	vld [tilespmem:s22+$0x8100]  }
0x3bf: {  	s11 =	sor.u32 $0x410, s29;
	v3 =	vld [tilespmem:s18+$0x100];
	v5 =	vsub.f32 v5, v7;
	[tilespmem:s3+$0x100] =	vst v8  }
0x3c0: {  	v8 =	vadd.f32 v10, v9;
	v10 =	vld [tilespmem:s11+$0x8100]  }
0x3c1: {  	v14 =	vld [tilespmem:s11+$0x100];
	v4 =	vsub.f32 v4, v6;
	v5 =	vmul.f32 $1.000000010e-01, v5  }
0x3c2: {  	s1 =	sor.u32 $0x410, s31;
	v9 =	vld [tilespmem:s16+$0x8100];
	[tilespmem:s10+$0x100] =	vst v8  }
0x3c3: {  	v8 =	vld [tilespmem:s1+$0x8100];
	v4 =	vmul.f32 $1.000000010e-01, v4;
	v5 =	vadd.f32 v5, v7;
	v12 =	vsub.f32 v12, v13  }
0x3c4: {  	v3 =	vsub.f32 v3, v11;
	v7 =	vld [tilespmem:s1+$0x100]  }
0x3c5: {  	v4 =	vadd.f32 v4, v6;
	v6 =	vld [tilespmem:s16+$0x100];
	[tilespmem:s17+$0x100] =	vst v5;
	v5 =	vmul.f32 $1.000000010e-01, v12  }
0x3c6: {  	v3 =	vmul.f32 $1.000000010e-01, v3;
	v14 =	vsub.f32 v14, v10;
	v12 =	vld [tilespmem:s15+$0x8100]  }
0x3c7: {  	s10 =	sor.u32 $0x450, s5;
	[tilespmem:s24+$0x100] =	vst v4;
	v4 =	vld [tilespmem:s15+$0x100];
	v5 =	vadd.f32 v5, v13  }
0x3c8: {  	v3 =	vadd.f32 v3, v11;
	v11 =	vld [tilespmem:s10+$0x8100];
	v13 =	vmul.f32 $1.000000010e-01, v14  }
0x3c9: {  	s28 =	sor.u32 $0x410, s0;
	v7 =	vsub.f32 v7, v8;
	v14 =	vld [tilespmem:s10+$0x100];
	[tilespmem:s22+$0x100] =	vst v5  }
0x3ca: {  	v5 =	vsub.f32 v6, v9;
	v6 =	vadd.f32 v13, v10;
	v10 =	vld [tilespmem:s28+$0x8100]  }
0x3cb: {  	[tilespmem:s18+$0x100] =	vst v3;
	v7 =	vmul.f32 $1.000000010e-01, v7;
	v13 =	vld [tilespmem:s28+$0x100]  }
0x3cc: {  	v3 =	vld [tilespmem:s14+$0x8100];
	v5 =	vmul.f32 $1.000000010e-01, v5;
	v4 =	vsub.f32 v4, v12;
	[tilespmem:s11+$0x100] =	vst v6  }
0x3cd: {  	s30 =	sor.u32 $0x420, s29;
	v6 =	vadd.f32 v7, v8;
	v7 =	vld [tilespmem:s14+$0x100]  }
0x3ce: {  	v8 =	vld [tilespmem:s30+$0x8100];
	v14 =	vsub.f32 v14, v11;
	v5 =	vadd.f32 v5, v9;
	v4 =	vmul.f32 $1.000000010e-01, v4  }
0x3cf: {  	s9 =	sor.u32 $0x420, s31;
	v9 =	vld [tilespmem:s30+$0x100];
	[tilespmem:s1+$0x100] =	vst v6  }
0x3d0: {  	v6 =	vld [tilespmem:s9+$0x8100];
	v14 =	vmul.f32 $1.000000010e-01, v14;
	[tilespmem:s16+$0x100] =	vst v5;
	v4 =	vadd.f32 v4, v12;
	v12 =	vsub.f32 v13, v10  }
0x3d1: {  	v5 =	vld [tilespmem:s9+$0x100]  }
0x3d2: {  	v11 =	vadd.f32 v14, v11;
	v13 =	vld [tilespmem:s13+$0x8100];
	[tilespmem:s15+$0x100] =	vst v4;
	v4 =	vmul.f32 $1.000000010e-01, v12  }
0x3d3: {  	v7 =	vsub.f32 v7, v3;
	v12 =	vld [tilespmem:s13+$0x100]  }
0x3d4: {  	v9 =	vsub.f32 v9, v8;
	[tilespmem:s10+$0x100] =	vst v11;
	s10 =	sor.u32 $0x460, s5;
	v11 =	vld [tilespmem:s12+$0x8100];
	v4 =	vadd.f32 v4, v10  }
0x3d5: {  	v7 =	vmul.f32 $1.000000010e-01, v7;
	v10 =	vld [tilespmem:s10+$0x8100]  }
0x3d6: {  	v14 =	vld [tilespmem:s10+$0x100];
	v9 =	vmul.f32 $1.000000010e-01, v9;
	[tilespmem:s28+$0x100] =	vst v4  }
0x3d7: {  	[dreg:$0x8] =	wrdreg s6;
	s6 =	sor.u32 $0x420, s0;
	s25 =	sor.u32 $0x440, s0;
	v5 =	vsub.f32 v5, v6;
	v3 =	vadd.f32 v7, v3;
	v4 =	vld [tilespmem:s12+$0x100]  }
0x3d8: {  	s2 =	sor.u32 $0x450, s31;
	[dreg:$0x18] =	wrdreg s25;
	v7 =	vadd.f32 v9, v8;
	v8 =	vld [tilespmem:s6+$0x8100]  }
0x3d9: {  	[dreg:$0x14] =	wrdreg s2;
	v9 =	vld [tilespmem:s6+$0x100];
	v5 =	vmul.f32 $1.000000010e-01, v5;
	[tilespmem:s14+$0x100] =	vst v3;
	v3 =	vsub.f32 v12, v13  }
0x3da: {  	s2 =	sor.u32 $0x450, s0;
	s22 =	rddreg [dreg:$0x8];
	[tilespmem:s30+$0x100] =	vst v7  }
0x3db: {  	s7 =	sor.u32 $0x430, s29;
	[dreg:$0x12] =	wrdreg s2;
	s2 =	sor.u32 $0x450, s29;
	v5 =	vadd.f32 v5, v6;
	v7 =	vld [tilespmem:s22+$0x8100];
	v3 =	vmul.f32 $1.000000010e-01, v3  }
0x3dc: {  	[dreg:$0x16] =	wrdreg s2;
	s2 =	sor.u32 $0x460, s31;
	v12 =	vld [tilespmem:s7+$0x8100];
	v6 =	vsub.f32 v14, v10  }
0x3dd: {  	s4 =	sor.u32 $0x430, s31;
	[dreg:$0xe] =	wrdreg s2;
	s2 =	sor.u32 $0x460, s0;
	v14 =	vld [tilespmem:s7+$0x100];
	[tilespmem:s9+$0x100] =	vst v5;
	v3 =	vadd.f32 v3, v13;
	v4 =	vsub.f32 v4, v11  }
0x3de: {  	[dreg:$0xb] =	wrdreg s2;
	s2 =	sor.u32 $0x460, s29;
	v5 =	vmul.f32 $1.000000010e-01, v6;
	v6 =	vsub.f32 v9, v8;
	v13 =	vld [tilespmem:s4+$0x8100]  }
0x3df: {  	[dreg:$0x10] =	wrdreg s2;
	v15 =	vld [tilespmem:s4+$0x100];
	[tilespmem:s13+$0x100] =	vst v3;
	v3 =	vmul.f32 $1.000000010e-01, v4  }
0x3e0: {  	s26 =	sor.u32 $0x430, s0;
	s23 =	sor.u32 $0x440, s31;
	s28 =	rddreg [dreg:$0x6];
	v9 =	vld [tilespmem:s22+$0x100];
	v4 =	vadd.f32 v5, v10;
	v6 =	vmul.f32 $1.000000010e-01, v6  }
0x3e1: {  	s2 =	sor.u32 $0x470, s31;
	s31 =	sor.u32 $0x470, s0;
	s0 =	smov.u32 s28;
	v5 =	vld [tilespmem:s28+$0x8100];
	v3 =	vadd.f32 v3, v11  }
0x3e2: {  	s8 =	rddreg [dreg:$0x18];
	s1 =	sor.u32 $0x470, s5;
	v10 =	vsub.f32 v14, v12;
	[tilespmem:s10+$0x100] =	vst v4;
	v11 =	vld [tilespmem:s0+$0x100];
	v4 =	vadd.f32 v6, v8  }
0x3e3: {  	s3 =	rddreg [dreg:$0x14];
	v6 =	vld [tilespmem:s1+$0x8100];
	[tilespmem:s12+$0x100] =	vst v3  }
0x3e4: {  	s19 =	sadd.s32 $0x4, s19;
	s5 =	smov.u32 s2;
	s2 =	rddreg [dreg:$0xc];
	v14 =	vld [tilespmem:s1+$0x100];
	v3 =	vmul.f32 $1.000000010e-01, v10;
	v8 =	vsub.f32 v15, v13;
	[tilespmem:s6+$0x100] =	vst v4  }
0x3e5: {  	p1 =	slt.u32 s19, $0x7C;
	s17 =	smov.u32 s8;
	s8 =	rddreg [dreg:$0x12];
	v4 =	vld [tilespmem:s2+$0x8100]  }
.Ltmp1:
0x3e6: {  	s20 =	sadd.s32 $0x200, s20;
	s24 =	rddreg [dreg:$0x16];
	v9 =	vsub.f32 v9, v7;
	v3 =	vadd.f32 v3, v12;
	v8 =	vmul.f32 $1.000000010e-01, v8;
	v10 =	vld [tilespmem:s26+$0x8100];
	(pc) =	sbr.rel @p1 .LBB2_4-.Ltmp1, $4  }
0x3e7: {  	s21 =	sadd.s32 $0x400, s21;
	s18 =	smov.u32 s24;
	s24 =	rddreg [dreg:$0xe];
	v12 =	vld [tilespmem:s26+$0x100]  }
0x3e8: {  	s25 =	sor.u32 $0x440, s29;
	s29 =	sor.u32 $0x470, s29;
	s11 =	rddreg [dreg:$0x10];
	v9 =	vmul.f32 $1.000000010e-01, v9;
	v15 =	vsub.f32 v11, v5;
	[tilespmem:s7+$0x100] =	vst v3;
	v63 =	vadd.f32 v8, v13;
	v3 =	vld [tilespmem:s2+$0x100]  }
0x3e9: {  	s16 =	smov.u32 s3;
	s15 =	smov.u32 s8;
	s30 =	rddreg [dreg:$0xb];
	v11 =	vld [tilespmem:s25+$0x8100]  }
0x3ea: {  	s14 =	smov.u32 s11;
	s13 =	smov.u32 s24;
	s12 =	smov.u32 s30;
	v7 =	vadd.f32 v9, v7;
	v8 =	vsub.f32 v14, v6;
	v9 =	vmul.f32 $1.000000010e-01, v15;
	v13 =	vld [tilespmem:s25+$0x100];
	[tilespmem:s4+$0x100] =	vst v63  }
0x3eb: {  	_ = 	snop  }
0x3ec: {  	v12 =	vsub.f32 v12, v10;
	_ =	sdelay $0x1  }
0x3ed: {  	v12 =	vmul.f32 $1.000000010e-01, v12;
	_ =	sdelay $0x1  }
0x3ee: {  	v30 =	vadd.f32 v12, v10  }
0x3ef: {  	v31 =	vld [tilespmem:s23+$0x8100]  }
0x3f0: {  	v14 =	vld [tilespmem:s23+$0x100];
	[tilespmem:s26+$0x100] =	vst v30  }
0x3f1: {  	v10 =	vld [tilespmem:s17+$0x8100]  }
0x3f2: {  	v15 =	vld [tilespmem:s17+$0x100]  }
0x3f3: {  	v13 =	vsub.f32 v13, v11;
	_ =	sdelay $0x1  }
0x3f4: {  	v14 =	vsub.f32 v14, v31;
	v13 =	vmul.f32 $1.000000010e-01, v13;
	_ =	sdelay $0x1  }
0x3f5: {  	v33 =	vmul.f32 $1.000000010e-01, v14;
	v32 =	vadd.f32 v13, v11;
	v34 =	vsub.f32 v15, v10;
	_ =	sdelay $0x1  }
0x3f6: {  	v35 =	vadd.f32 v33, v31;
	[tilespmem:s25+$0x100] =	vst v32;
	v36 =	vmul.f32 $1.000000010e-01, v34  }
0x3f7: {  	v37 =	vld [tilespmem:s18+$0x8100]  }
0x3f8: {  	[tilespmem:s23+$0x100] =	vst v35;
	v38 =	vld [tilespmem:s18+$0x100];
	v10 =	vadd.f32 v36, v10  }
0x3f9: {  	v39 =	vld [tilespmem:s16+$0x8100]  }
0x3fa: {  	v40 =	vld [tilespmem:s16+$0x100];
	[tilespmem:s17+$0x100] =	vst v10  }
0x3fb: {  	v10 =	vld [tilespmem:s15+$0x8100]  }
0x3fc: {  	v41 =	vld [tilespmem:s15+$0x100]  }
0x3fd: {  	v11 =	vsub.f32 v38, v37;
	_ =	sdelay $0x1  }
0x3fe: {  	v14 =	vsub.f32 v40, v39;
	v11 =	vmul.f32 $1.000000010e-01, v11;
	_ =	sdelay $0x1  }
0x3ff: {  	v42 =	vmul.f32 $1.000000010e-01, v14;
	v11 =	vadd.f32 v11, v37;
	v43 =	vsub.f32 v41, v10;
	_ =	sdelay $0x1  }
0x400: {  	v44 =	vadd.f32 v42, v39;
	[tilespmem:s18+$0x100] =	vst v11;
	v45 =	vmul.f32 $1.000000010e-01, v43  }
0x401: {  	v46 =	vld [tilespmem:s14+$0x8100]  }
0x402: {  	v47 =	vld [tilespmem:s14+$0x100];
	[tilespmem:s16+$0x100] =	vst v44;
	v10 =	vadd.f32 v45, v10  }
0x403: {  	v11 =	vld [tilespmem:s13+$0x8100]  }
0x404: {  	v48 =	vld [tilespmem:s13+$0x100];
	[tilespmem:s15+$0x100] =	vst v10  }
0x405: {  	v49 =	vld [tilespmem:s12+$0x8100]  }
0x406: {  	v50 =	vld [tilespmem:s12+$0x100]  }
0x407: {  	v14 =	vsub.f32 v47, v46;
	_ =	sdelay $0x1  }
0x408: {  	v14 =	vmul.f32 $1.000000010e-01, v14;
	v10 =	vsub.f32 v48, v11;
	_ =	sdelay $0x1  }
0x409: {  	v13 =	vadd.f32 v14, v46;
	v10 =	vmul.f32 $1.000000010e-01, v10;
	v51 =	vsub.f32 v50, v49;
	_ =	sdelay $0x1  }
0x40a: {  	[tilespmem:s14+$0x100] =	vst v13;
	v10 =	vadd.f32 v10, v11;
	v52 =	vmul.f32 $1.000000010e-01, v51  }
0x40b: {  	v13 =	vld [tilespmem:s29+$0x8100]  }
0x40c: {  	v53 =	vld [tilespmem:s29+$0x100];
	[tilespmem:s13+$0x100] =	vst v10;
	v11 =	vadd.f32 v52, v49  }
0x40d: {  	v54 =	vld [tilespmem:s5+$0x8100]  }
0x40e: {  	v55 =	vld [tilespmem:s5+$0x100];
	[tilespmem:s12+$0x100] =	vst v11  }
0x40f: {  	v11 =	vld [tilespmem:s31+$0x8100]  }
0x410: {  	v56 =	vld [tilespmem:s31+$0x100];
	_ =	sdelay $0x1  }
0x411: {  	v3 =	vsub.f32 v3, v4  }
0x412: {  	v8 =	vmul.f32 $1.000000010e-01, v8;
	v10 =	vsub.f32 v53, v13  }
0x413: {  	v5 =	vadd.f32 v9, v5;
	v3 =	vmul.f32 $1.000000010e-01, v3;
	v57 =	vsub.f32 v55, v54  }
0x414: {  	[tilespmem:s22+$0x100] =	vst v7;
	v6 =	vadd.f32 v8, v6;
	v58 =	vmul.f32 $1.000000010e-01, v10;
	v59 =	vsub.f32 v56, v11  }
0x415: {  	[tilespmem:s0+$0x100] =	vst v5;
	v3 =	vadd.f32 v3, v4;
	v60 =	vmul.f32 $1.000000010e-01, v57  }
0x416: {  	[tilespmem:s1+$0x100] =	vst v6;
	v61 =	vadd.f32 v58, v13;
	v62 =	vmul.f32 $1.000000010e-01, v59  }
0x417: {  	[tilespmem:s2+$0x100] =	vst v3;
	v3 =	vadd.f32 v60, v54  }
0x418: {  	[tilespmem:s29+$0x100] =	vst v61;
	v63 =	vadd.f32 v62, v11  }
0x419: {  	[tilespmem:s5+$0x100] =	vst v3  }
0x41a: {  	s7 =	simm.s32 $0x0;
	[tilespmem:s31+$0x100] =	vst v63  }
0x41b: {  	s1 =	simm.s32 $0x100;
	s2 =	simm.s32 $0x2;
	s0 =	rddreg [dreg:$0x1d]  }
0x41c: {  	[hbm4b:s0+s7] =	stream.linear.scatter [tilespmem:s1], [sflag:$0x2], $0x8000, $0x38;
	[tilespmem:$0x10100] =	vst v63  }
0x41d: {  	_ =	swait.ge [sflag:s2], $0x8000  }
0x41e: {  	s3 =	rddreg [dreg:$0x1f]  }
0x41f: {  	s31 =	rddreg [dreg:$0x1e];
	s3 =	sadd.s32 $0x1, s3  }
0x420: {  	p0 =	sne.s32 s3, s31  }
.Ltmp2:
0x421: {  	_ = 	snop;
	(pc) =	sbr.rel @p0 .LBB2_1-.Ltmp2, $3  }
0x422: {  	_ =	sdelay $0x1  }
0x423: {  	[sflag:s2] =	ssyncset.done $0x0  }
0x424: {  	[sflag:s2] =	ssyncadd.s32 $0xFFFF8000  }
0x425: {  	_ =	sfence.sel $0x180000  }
0x426: {  	[bflag:$0x0] =	sbarrier.arrive $0xFFFF  }
0x427: {  	_ =	strace $0x90000047  }
0x428: {  	s0 =	stileid.u32;
	[bflag:$0x2] =	sbarrier.arrive $0xFFFF  }
0x429: {  	p0 =	sne.s32 s0, $0x0;
	s0 =	rddreg [dreg:$0x4]  }
0x42a: {  	s0 =	sadd.s32 @!p0 $0x100000, s0  }
0x42b: {  	[sflag:s0] =	ssyncadd.tile.s32 @!p0 $0x1;
	_ =	shalt  }
.Lfunc_end2:
_tile_overlayer_lowered:
.L_overlay_start_2:
0x42c: {  	(tag) =	ssettag $0x2  }
0x42d: {  	s0 =	rddreg [dreg:$0x0];
	s2 =	stileid.u32  }
0x42e: {  	s1 =	rddreg [dreg:$0x1];
	p0 =	sne.s32 s2, $0x0  }
0x42f: {  	s3 =	rddreg [dreg:$0x2];
	[bflag:$0x3] =	sbarrier.arrive $0xFFFF;
	s2 =	simm.s32 @!p0 $0x1C02  }
0x430: {  	[timem:s3], [sflag:s2] =	dma.local @!p0 [hbm:s0], s1  }
0x431: {  	s0 =	simm.s32 @!p0 $0x2  }
0x432: {  	_ =	swait.ge @!p0 [sflag:s0], s1  }
0x433: {  	s1 =	ssub.s32 @!p0 $0x0, s1;
	[sflag:s0] =	ssyncset.done @!p0 $0x0  }
0x434: {  	[sflag:s0] =	ssyncadd.s32 @!p0 s1  }
0x435: {  	[bflag:$0x3] =	sbarrier.arrive $0xFFFF  }
0x436: {  	_ =	shalt  }

</sc_bundles>
